<compile_context>
chip_gen: v7x
topology: tpu7x:2x2x1
jax: 0.10.2.dev20260603
libtpu: 0.0.44.dev20260713+nightly
codegen_flags: <defaults>
</compile_context>

<pallas_src>
import functools

import jax
import jax.numpy as jnp
import numpy as np
from jax import lax
from jax.experimental import pallas as pl
from jax.experimental.pallas import tpu as pltpu
from jax.experimental.pallas import tpu_sc as plsc

NUM_PROJ = 128
REF_SIZE = 256
D = 128
N = 1024
G3 = 768
INV_N = np.float32(1.0 / 1024.0)
H_GRID = np.float32(3.0 / 767.0)

f32 = jnp.float32
i32 = jnp.int32


def _qr_body(z0_ref, z1_ref, q0_ref, q1_ref):
    z0 = z0_ref[...]
    z1 = z1_ref[...]
    n0sq = jnp.sum(z0 * z0, axis=1, keepdims=True)
    n0 = jnp.sqrt(n0sq)
    z00 = z0[:, 0:1]
    beta = jnp.where(z00 >= 0.0, -n0, n0)
    q0 = z0 / beta
    c = jnp.sum(q0 * z1, axis=1, keepdims=True)
    r = z1 - c * q0
    rn = jnp.sqrt(jnp.sum(r * r, axis=1, keepdims=True))
    udz = jnp.sum(z0 * z1, axis=1, keepdims=True) - beta * z1[:, 0:1]
    uu = 2.0 * n0sq - 2.0 * beta * z00
    w1 = z1[:, 1:2] - 2.0 * (udz / uu) * z0[:, 1:2]
    s1 = jnp.where(w1 >= 0.0, -1.0, 1.0)
    q0_ref[...] = q0
    q1_ref[...] = s1 * (r / rn)


def _angles_body(x_ref, q0_ref, q1_ref, ang_ref):
    x = x_ref[0]
    nrm = jnp.sqrt(jnp.sum(x * x, axis=1, keepdims=True))
    xn = x / jnp.maximum(nrm, 1e-12)
    q0 = q0_ref[...]
    q1 = q1_ref[...]
    dn = (((1,), (1,)), ((), ()))
    p0 = lax.dot_general(q0, xn, dn, preferred_element_type=f32)
    p1 = lax.dot_general(q1, xn, dn, preferred_element_type=f32)
    pn = jnp.maximum(jnp.sqrt(p0 * p0 + p1 * p1), 1e-12)
    pn0 = p0 / pn
    pn1 = p1 / pn
    denom = -pn0
    denom = jnp.where(jnp.abs(denom) < 1e-10, 1e-10, denom)
    ang = (jnp.arctan2(-pn1, denom) + np.float32(np.pi)) / np.float32(2.0 * np.pi)
    ang_ref[0] = ang


def _ones_i32():
    return jnp.ones((16,), i32)


def _floor_i32(x):
    return ((x + 16384.0).astype(i32)) - 16384


def _sc_embed(rows_hbm, tsort_hbm, isort_hbm, refg_hbm, perm_hbm, out_hbm,
              tsort_v, isort_v, refg_v, perm_v,
              rowb_v, tmp_v, srt_v, sm_v, kbuf_v,
              csrt_v, embb_v, pos_v):
    wid = lax.axis_index("s") * 2 + lax.axis_index("c")
    pltpu.sync_copy(tsort_hbm, tsort_v)
    pltpu.sync_copy(isort_hbm, isort_v)
    pltpu.sync_copy(refg_hbm, refg_v)
    pltpu.sync_copy(perm_hbm, perm_v)
    pltpu.sync_copy(rows_hbm.at[pl.ds(wid * 64, 64)], rowb_v)

    def do_row(j, _):
        big = np.float32(3e38)

        def zero_t(i, _):
            pos_v[pl.ds(i * 16, 16)] = jnp.zeros((16,), i32)
            return 0
        lax.fori_loop(0, 49, zero_t, 0, unroll=4)

        def zero_q(i, _):
            pos_v[pl.ds(i * 16 + 2048, 16)] = jnp.zeros((16,), i32)
            return 0
        lax.fori_loop(0, 17, zero_q, 0, unroll=4)

        def tcnt(i, carry):
            a, m1, m2, mx1, mx2 = carry
            sl = pl.ds(i * 16, 16)
            v = rowb_v[j, sl]
            k = jnp.clip(_floor_i32(v * 767.0) + 2, 2, G3)
            t0 = plsc.load_gather(tsort_v, [k - 1])
            t1 = plsc.load_gather(tsort_v, [jnp.minimum(k, G3 - 1)])
            k = (k
                 - ((k >= 3) & (t0 > v)).astype(i32)
                 + ((k <= G3 - 1) & (t1 <= v)).astype(i32))
            kbuf_v[sl] = k
            plsc.addupdate_scatter(pos_v, [k], _ones_i32())
            nm1 = jnp.minimum(m1, v)
            nm2 = jnp.minimum(m2, jnp.maximum(m1, v))
            nx1 = jnp.maximum(mx1, v)
            nx2 = jnp.maximum(mx2, jnp.minimum(mx1, v))
            return a + v, nm1, nm2, nx1, nx2
        accv, m1v, m2v, x1v, x2v = lax.fori_loop(
            0, 64, tcnt,
            (jnp.zeros((16,), f32), jnp.full((16,), big, f32),
             jnp.full((16,), big, f32), jnp.full((16,), -big, f32),
             jnp.full((16,), -big, f32)), unroll=8)
        alpha = jnp.sum(accv) * np.float32(1.0 / 1024.0) - 0.5
        vmin = jnp.min(m1v)
        vmin2 = jnp.where(jnp.sum((m1v == vmin).astype(i32)) >= 2, vmin,
                          jnp.min(jnp.where(m1v == vmin, m2v, m1v)))
        vmax = jnp.max(x1v)
        vmax2 = jnp.where(jnp.sum((x1v == vmax).astype(i32)) >= 2, vmax,
                          jnp.max(jnp.where(x1v == vmax, x2v, x1v)))

        def cum_t(i, c):
            h = pos_v[pl.ds(i * 16, 16)]
            cs = plsc.cumsum(h)
            pos_v[pl.ds(i * 16, 16)] = cs - h + c
            return c + jnp.sum(h)
        lax.fori_loop(0, 49, cum_t, jnp.int32(0), unroll=4)

        def place_g(i, _):
            sl = pl.ds(i * 16, 16)
            k = kbuf_v[sl]
            b = plsc.load_gather(pos_v, [k])
            cnt, _unused = plsc.scan_count(k)
            plsc.store_scatter(tmp_v, [b + cnt.astype(i32) - 1], rowb_v[j, sl])
            plsc.addupdate_scatter(pos_v, [k], _ones_i32())
            return 0
        lax.fori_loop(0, 64, place_g, 0, unroll=4)

        def pmsm(i, carry):
            cx, cn = carry
            slf = pl.ds(i * 16, 16)
            gf = tmp_v[slf]
            srt_v[slf] = jnp.maximum(plsc.cummax(gf), cx)
            slr = pl.ds((63 - i) * 16, 16)
            gr = tmp_v[slr]
            rcm = -plsc.cummax(-lax.rev(gr, (0,)))
            sm_v[slr] = jnp.minimum(lax.rev(rcm, (0,)), cn)
            return jnp.maximum(cx, jnp.max(gf)), jnp.minimum(cn, jnp.min(gr))
        lax.fori_loop(0, 64, pmsm, (-big, big), unroll=4)

        def cdfe(i, _):
            sl = pl.ds(i * 16, 16)
            iq = pos_v[sl]
            lo = iq == 0
            hi = iq == N
            x0 = plsc.load_gather(srt_v, [jnp.clip(iq - 1, 0, N - 1)])
            x1 = plsc.load_gather(sm_v, [jnp.clip(iq, 0, N - 1)])
            x0 = jnp.where(lo, vmin, jnp.where(hi, vmax2, x0))
            x1 = jnp.where(lo, vmin2, jnp.where(hi, vmax, x1))
            y0 = jnp.clip(iq, 1, N - 1).astype(f32) * INV_N
            tq = tsort_v[sl]
            c = isort_v[sl] + y0 + INV_N * (tq - x0) / (x1 - x0)
            plsc.store_scatter(csrt_v, [perm_v[sl]], c)
            p = _floor_i32((c + alpha) * 256.0)
            p = jnp.clip(p + 1, 0, 256)
            r0 = plsc.load_gather(refg_v, [jnp.clip(p - 1, 0, 255)])
            r1 = plsc.load_gather(refg_v, [jnp.clip(p, 0, 255)])
            p = (p
                 - ((p >= 1) & (r0 - alpha > c)).astype(i32)
                 + ((p <= 255) & (r1 - alpha <= c)).astype(i32))
            plsc.addupdate_scatter(pos_v, [p + 2048], _ones_i32())
            return 0
        lax.fori_loop(0, 48, cdfe, 0, unroll=8)

        def cum_q(i, c):
            h = pos_v[pl.ds(i * 16 + 2048, 16)]
            cs = plsc.cumsum(h) + c
            pos_v[pl.ds(i * 16 + 2048, 16)] = cs
            return c + jnp.sum(h)
        lax.fori_loop(0, 16, cum_q, jnp.int32(0), unroll=2)

        def embe(i, _):
            sl = pl.ds(i * 16, 16)
            i2 = pos_v[pl.ds(i * 16 + 2048, 16)]
            ind = jnp.clip(i2 - 1, 0, G3 - 2)
            c0 = plsc.load_gather(csrt_v, [ind])
            c1 = plsc.load_gather(csrt_v, [ind + 1])
            rq = refg_v[sl]
            t = rq - alpha
            y0 = -1.0 + H_GRID * ind.astype(f32)
            embb_v[j, sl] = y0 + H_GRID * (t - c0) / (c1 - c0) - rq
            return 0
        lax.fori_loop(0, 16, embe, 0, unroll=4)
        return 0

    lax.fori_loop(0, 64, do_row, 0)
    pltpu.sync_copy(embb_v, out_hbm.at[pl.ds(wid * 64, 64)])


_sc_call = functools.partial(
    pl.kernel,
    out_type=jax.ShapeDtypeStruct((2048, REF_SIZE), f32),
    mesh=plsc.VectorSubcoreMesh(core_axis_name="c", subcore_axis_name="s"),
    compiler_params=pltpu.CompilerParams(needs_layout_passes=False),
    scratch_types=[
        pltpu.VMEM((G3,), f32),
        pltpu.VMEM((G3,), f32),
        pltpu.VMEM((REF_SIZE,), f32),
        pltpu.VMEM((G3,), i32),
        pltpu.VMEM((64, N), f32),
        pltpu.VMEM((N,), f32),
        pltpu.VMEM((N,), f32),
        pltpu.VMEM((N,), f32),
        pltpu.VMEM((N,), i32),
        pltpu.VMEM((G3,), f32),
        pltpu.VMEM((64, REF_SIZE), f32),
        pltpu.VMEM((2048 + 272,), i32),
    ],
)(_sc_embed)


def _loss_body(e1_ref, e2_ref, out_ref):
    d = jnp.abs(e2_ref[...] - e1_ref[...])
    m = jnp.minimum(d, 1.0 - d)
    s = jnp.sum(m * m, axis=2)
    loss = jnp.sqrt(s)
    out_ref[...] = jnp.broadcast_to(jnp.mean(loss, axis=1, keepdims=True), (8, 128))


def kernel(x1, x2, Z):
    Z0 = Z[:, :, 0]
    Z1 = Z[:, :, 1]

    q0, q1 = pl.pallas_call(
        _qr_body,
        out_shape=(jax.ShapeDtypeStruct((NUM_PROJ, D), f32),
                   jax.ShapeDtypeStruct((NUM_PROJ, D), f32)),
    )(Z0, Z1)

    X = jnp.stack([x1, x2]).reshape(16, 1024, D)
    ang = pl.pallas_call(
        _angles_body,
        out_shape=jax.ShapeDtypeStruct((16, NUM_PROJ, N), f32),
        grid=(16,),
        in_specs=[
            pl.BlockSpec((1, 1024, D), lambda i: (i, 0, 0)),
            pl.BlockSpec((NUM_PROJ, D), lambda i: (0, 0)),
            pl.BlockSpec((NUM_PROJ, D), lambda i: (0, 0)),
        ],
        out_specs=pl.BlockSpec((1, NUM_PROJ, N), lambda i: (i, 0, 0)),
    )(X, q0, q1)

    rows = ang.reshape(2048, N)

    xnew = jnp.linspace(-1.0, 2.0, G3).astype(f32)
    int_x = jnp.floor(xnew)
    rest_x = xnew - int_x
    perm = jnp.argsort(rest_x, stable=True)
    tsort = rest_x[perm]
    isort = int_x[perm]
    refg = jnp.linspace(0.0, 1.0, REF_SIZE + 1)[:-1].astype(f32)

    emb = _sc_call(rows, tsort, isort, refg, perm.astype(i32))

    e = emb.reshape(2, 8, NUM_PROJ, REF_SIZE)
    out = pl.pallas_call(
        _loss_body,
        out_shape=jax.ShapeDtypeStruct((8, 128), f32),
    )(e[0], e[1])
    return out[:, 0]

# --- scband reference (transcript-rebuilt; emitter-appended) ---
"""Pipeline reference for scband-lssot-loss-61160334295354 (READ-ONLY COPY).

The authoritative reference and input builder live on the scoring server;
editing this copy changes nothing except your own understanding.
"""

import jax, jax.numpy as jnp
import numpy as np

NUM_PROJ = 128
REF_SIZE = 256
D = 128


def _interp1d(x, y, xq):
    # 1D linear interpolation with linear extrapolation (torchinterp1d semantics)
    ind = jnp.clip(jnp.searchsorted(x, xq) - 1, 0, x.shape[0] - 2)
    x0 = x[ind]
    x1 = x[ind + 1]
    y0 = y[ind]
    y1 = y[ind + 1]
    slope = (y1 - y0) / (x1 - x0)
    return y0 + slope * (xq - x0)


_binterp = jax.vmap(jax.vmap(_interp1d))


def _normalize(v, eps=1e-12):
    n = jnp.linalg.norm(v, axis=-1, keepdims=True)
    return v / jnp.maximum(n, eps)


def _slice(x, U):
    # x: [b, n, d], U: [L, d, 2] -> angles in [0,1): [b, L, n]
    x = _normalize(x)
    proj = jnp.einsum('ldk,bnd->blnk', U, x)  # [b, L, n, 2]
    proj = _normalize(proj)
    denom = -proj[..., 0]
    near_zeros = jnp.abs(denom) < 1e-10
    denom = jnp.where(near_zeros, 1e-10, denom)
    return (jnp.arctan2(-proj[..., 1], denom) + jnp.pi) / (2.0 * jnp.pi)


def _emb(samples, ref):
    # samples: [b, l, n] circular samples in [0,1)
    b, l, n = samples.shape
    N = ref.shape[0]
    mean = jnp.mean(samples, axis=-1, keepdims=True)
    alpha = mean - 0.5
    xnew = jnp.broadcast_to(jnp.linspace(-1.0, 2.0, 3 * N), (b, l, 3 * N))
    xr = jnp.broadcast_to(ref, (b, l, N))
    # empirical cdf
    xs = jnp.sort(samples, axis=-1)
    ys = jnp.broadcast_to((jnp.arange(1, n + 1) / n).astype(samples.dtype), (b, l, n))
    # extended cdf evaluated on xnew grid
    int_x = jnp.floor(xnew)
    rest_x = xnew - int_x
    cdf = int_x + _binterp(xs, ys, rest_x)  # [b, l, 3N]
    # inverse-cdf embedding on (ref - alpha)
    embedd = _binterp(cdf, xnew, xr - alpha) - xr  # [b, l, N]
    return embedd


def _forward(x1, x2, Z):
    U, _ = jnp.linalg.qr(Z)  # [L, d, 2]
    ref = jnp.linspace(0.0, 1.0, REF_SIZE + 1)[:-1]
    s1 = _slice(x1, U)
    s2 = _slice(x2, U)
    h1 = _emb(s1, ref)
    h2 = _emb(s2, ref)
    d = jnp.abs(h2 - h1)
    return jnp.sqrt((jnp.minimum(d, 1.0 - d) ** 2).sum(-1)).mean(-1)  # [b]


def setup_inputs(seed: int = 0):
    key = jax.random.key(seed)
    k1, k2, k3 = jax.random.split(key, 3)
    x1 = jax.random.normal(k1, (8, 1024, D), dtype=jnp.float32)
    x2 = jax.random.normal(k2, (8, 1024, D), dtype=jnp.float32)
    # fixed random projections (torch.manual_seed(seed) equivalent constant)
    Z = jax.random.normal(k3, (NUM_PROJ, D, 2), dtype=jnp.float32)
    return {"x1": x1, "x2": x2, "Z": Z}


def reference(x1, x2, Z):
    return _forward(x1, x2, Z)

if __name__ == "__main__":
    import jax
    _d = setup_inputs()
    print(jax.jit(kernel)(*tuple(_d.values())))

</pallas_src>

<mosaic_0001>
#map = affine_map<(d0, d1) -> (0, 0)>
#map1 = affine_map<(d0, d1) -> (0)>
module attributes {stable_mosaic.version = 14 : i64} {
  func.func @_sc_embed(%arg0: i32, %arg1: i32, %arg2: memref<2048x1024xf32, #tpu.memory_space<hbm>>, %arg3: memref<768xf32, #tpu.memory_space<hbm>>, %arg4: memref<768xf32, #tpu.memory_space<hbm>>, %arg5: memref<256xf32, #tpu.memory_space<hbm>>, %arg6: memref<768xi32, #tpu.memory_space<hbm>>, %arg7: memref<2048x256xf32, #tpu.memory_space<hbm>>, %arg8: memref<768xf32, #tpu.memory_space<vmem>>, %arg9: memref<768xf32, #tpu.memory_space<vmem>>, %arg10: memref<256xf32, #tpu.memory_space<vmem>>, %arg11: memref<768xi32, #tpu.memory_space<vmem>>, %arg12: memref<64x1024xf32, #tpu.memory_space<vmem>>, %arg13: memref<1024xf32, #tpu.memory_space<vmem>>, %arg14: memref<1024xf32, #tpu.memory_space<vmem>>, %arg15: memref<1024xf32, #tpu.memory_space<vmem>>, %arg16: memref<1024xi32, #tpu.memory_space<vmem>>, %arg17: memref<768xf32, #tpu.memory_space<vmem>>, %arg18: memref<64x256xf32, #tpu.memory_space<vmem>>, %arg19: memref<2320xi32, #tpu.memory_space<vmem>>) attributes {dimension_semantics = [#tpu.dimension_semantics<core_parallel>, #tpu.dimension_semantics<subcore_parallel>], iteration_bounds = array<i64: 2, 16>, scalar_prefetch = 0 : i64, scratch_operands = 12 : i64, tpu.core_type = #tpu.core_type<sc_vector_subcore>, window_params = [{transform_indices = #map}, {transform_indices = #map1}, {transform_indices = #map1}, {transform_indices = #map1}, {transform_indices = #map1}, {transform_indices = #map}]} {
    %mul3A = arith.constant 2 : i32
    %mul3A_0 = arith.muli %arg1, %mul3A : i32
    %add3A = arith.addi %mul3A_0, %arg0 : i32
    "tpu.region"() ({
      %run_scoped3A = tpu.sem_alloc : memref<!tpu.dma_semaphore, #tpu.memory_space<semaphore_mem>>
      tpu.enqueue_dma source(%arg3 : memref<768xf32, #tpu.memory_space<hbm>>) target(%arg8 : memref<768xf32, #tpu.memory_space<vmem>>) target_semaphore(%run_scoped3A : memref<!tpu.dma_semaphore, #tpu.memory_space<semaphore_mem>>)
      tpu.wait_dma2 semaphore(%run_scoped3A : memref<!tpu.dma_semaphore, #tpu.memory_space<semaphore_mem>>) src(%arg3 : memref<768xf32, #tpu.memory_space<hbm>>) dst(%arg8 : memref<768xf32, #tpu.memory_space<vmem>>)
      tpu.yield
    }) : () -> ()
    "tpu.region"() ({
      %run_scoped3A = tpu.sem_alloc : memref<!tpu.dma_semaphore, #tpu.memory_space<semaphore_mem>>
      tpu.enqueue_dma source(%arg4 : memref<768xf32, #tpu.memory_space<hbm>>) target(%arg9 : memref<768xf32, #tpu.memory_space<vmem>>) target_semaphore(%run_scoped3A : memref<!tpu.dma_semaphore, #tpu.memory_space<semaphore_mem>>)
      tpu.wait_dma2 semaphore(%run_scoped3A : memref<!tpu.dma_semaphore, #tpu.memory_space<semaphore_mem>>) src(%arg4 : memref<768xf32, #tpu.memory_space<hbm>>) dst(%arg9 : memref<768xf32, #tpu.memory_space<vmem>>)
      tpu.yield
    }) : () -> ()
    "tpu.region"() ({
      %run_scoped3A = tpu.sem_alloc : memref<!tpu.dma_semaphore, #tpu.memory_space<semaphore_mem>>
      tpu.enqueue_dma source(%arg5 : memref<256xf32, #tpu.memory_space<hbm>>) target(%arg10 : memref<256xf32, #tpu.memory_space<vmem>>) target_semaphore(%run_scoped3A : memref<!tpu.dma_semaphore, #tpu.memory_space<semaphore_mem>>)
      tpu.wait_dma2 semaphore(%run_scoped3A : memref<!tpu.dma_semaphore, #tpu.memory_space<semaphore_mem>>) src(%arg5 : memref<256xf32, #tpu.memory_space<hbm>>) dst(%arg10 : memref<256xf32, #tpu.memory_space<vmem>>)
      tpu.yield
    }) : () -> ()
    "tpu.region"() ({
      %run_scoped3A = tpu.sem_alloc : memref<!tpu.dma_semaphore, #tpu.memory_space<semaphore_mem>>
      tpu.enqueue_dma source(%arg6 : memref<768xi32, #tpu.memory_space<hbm>>) target(%arg11 : memref<768xi32, #tpu.memory_space<vmem>>) target_semaphore(%run_scoped3A : memref<!tpu.dma_semaphore, #tpu.memory_space<semaphore_mem>>)
      tpu.wait_dma2 semaphore(%run_scoped3A : memref<!tpu.dma_semaphore, #tpu.memory_space<semaphore_mem>>) src(%arg6 : memref<768xi32, #tpu.memory_space<hbm>>) dst(%arg11 : memref<768xi32, #tpu.memory_space<vmem>>)
      tpu.yield
    }) : () -> ()
    %mul3A_1 = arith.constant 64 : i32
    %mul3A_2 = arith.muli %add3A, %mul3A_1 : i32
    "tpu.region"() ({
      %run_scoped3A = tpu.sem_alloc : memref<!tpu.dma_semaphore, #tpu.memory_space<semaphore_mem>>
      %dma_start3A = arith.constant 0 : i32
      %dma_start3A_11 = tpu.memref_slice %arg2[%mul3A_2, %dma_start3A] : memref<2048x1024xf32, #tpu.memory_space<hbm>> -> memref<64x1024xf32, #tpu.memory_space<hbm>>
      %dma_start3A_12 = arith.constant 0 : i32
      %dma_start3A_13 = tpu.memref_slice %arg2[%mul3A_2, %dma_start3A_12] : memref<2048x1024xf32, #tpu.memory_space<hbm>> -> memref<64x1024xf32, #tpu.memory_space<hbm>>
      tpu.enqueue_dma source(%dma_start3A_13 : memref<64x1024xf32, #tpu.memory_space<hbm>>) target(%arg12 : memref<64x1024xf32, #tpu.memory_space<vmem>>) target_semaphore(%run_scoped3A : memref<!tpu.dma_semaphore, #tpu.memory_space<semaphore_mem>>)
      %dma_wait3A = arith.constant 0 : i32
      %dma_wait3A_14 = tpu.memref_slice %arg2[%mul3A_2, %dma_wait3A] : memref<2048x1024xf32, #tpu.memory_space<hbm>> -> memref<64x1024xf32, #tpu.memory_space<hbm>>
      %dma_wait3A_15 = arith.constant 0 : i32
      %dma_wait3A_16 = tpu.memref_slice %arg2[%mul3A_2, %dma_wait3A_15] : memref<2048x1024xf32, #tpu.memory_space<hbm>> -> memref<64x1024xf32, #tpu.memory_space<hbm>>
      tpu.wait_dma2 semaphore(%run_scoped3A : memref<!tpu.dma_semaphore, #tpu.memory_space<semaphore_mem>>) src(%dma_wait3A_16 : memref<64x1024xf32, #tpu.memory_space<hbm>>) dst(%arg12 : memref<64x1024xf32, #tpu.memory_space<vmem>>)
      tpu.yield
    }) : () -> ()
    %scan3A = arith.constant 0 : i32
    %scan3A_3 = arith.constant 0 : i32
    %scan3A_4 = arith.constant 64 : i32
    %scan3A_5 = arith.addi %scan3A_3, %scan3A_4 : i32
    %scan3A_6 = arith.constant 1 : i32
    %scan3A_7 = scf.for %scan3A_11 = %scan3A_3 to %scan3A_5 step %scan3A_6 iter_args(%scan3A_12 = %scan3A) -> (i32)  : i32 {
      %scan3A_13 = arith.constant 0 : i32
      %scan3A_14 = arith.constant 0 : i32
      %scan3A_15 = arith.constant 48 : i32
      %scan3A_16 = arith.addi %scan3A_14, %scan3A_15 : i32
      %scan3A_17 = arith.constant 4 : i32
      %scan3A_18 = scf.for %scan3A_166 = %scan3A_14 to %scan3A_16 step %scan3A_17 iter_args(%scan3A_167 = %scan3A_13) -> (i32)  : i32 {
        %broadcast_in_dim3A_168 = arith.constant 0 : i32
        %broadcast_in_dim3A_169 = vector.broadcast %broadcast_in_dim3A_168 : i32 to vector<16xi32>
        %mul3A_170 = arith.constant 16 : i32
        %mul3A_171 = arith.muli %scan3A_166, %mul3A_170 : i32
        %swap3A_172 = arith.index_cast %mul3A_171 : i32 to index
        %swap3A_173 = tpu.vector_load %arg19[%swap3A_172] {strides = array<i32>} : memref<2320xi32, #tpu.memory_space<vmem>>, vector<16xi32>,
        tpu.vector_store %arg19[%swap3A_172], %broadcast_in_dim3A_169 {strides = array<i32>} : memref<2320xi32, #tpu.memory_space<vmem>>, vector<16xi32>,
        %scan3A_174 = arith.constant 0 : i32
        %scan3A_175 = arith.constant 1 : i32
        %scan3A_176 = arith.addi %scan3A_166, %scan3A_175 : i32
        %broadcast_in_dim3A_177 = arith.constant 0 : i32
        %broadcast_in_dim3A_178 = vector.broadcast %broadcast_in_dim3A_177 : i32 to vector<16xi32>
        %mul3A_179 = arith.constant 16 : i32
        %mul3A_180 = arith.muli %scan3A_176, %mul3A_179 : i32
        %swap3A_181 = arith.index_cast %mul3A_180 : i32 to index
        %swap3A_182 = tpu.vector_load %arg19[%swap3A_181] {strides = array<i32>} : memref<2320xi32, #tpu.memory_space<vmem>>, vector<16xi32>,
        tpu.vector_store %arg19[%swap3A_181], %broadcast_in_dim3A_178 {strides = array<i32>} : memref<2320xi32, #tpu.memory_space<vmem>>, vector<16xi32>,
        %scan3A_183 = arith.constant 0 : i32
        %scan3A_184 = arith.constant 2 : i32
        %scan3A_185 = arith.addi %scan3A_166, %scan3A_184 : i32
        %broadcast_in_dim3A_186 = arith.constant 0 : i32
        %broadcast_in_dim3A_187 = vector.broadcast %broadcast_in_dim3A_186 : i32 to vector<16xi32>
        %mul3A_188 = arith.constant 16 : i32
        %mul3A_189 = arith.muli %scan3A_185, %mul3A_188 : i32
        %swap3A_190 = arith.index_cast %mul3A_189 : i32 to index
        %swap3A_191 = tpu.vector_load %arg19[%swap3A_190] {strides = array<i32>} : memref<2320xi32, #tpu.memory_space<vmem>>, vector<16xi32>,
        tpu.vector_store %arg19[%swap3A_190], %broadcast_in_dim3A_187 {strides = array<i32>} : memref<2320xi32, #tpu.memory_space<vmem>>, vector<16xi32>,
        %scan3A_192 = arith.constant 0 : i32
        %scan3A_193 = arith.constant 3 : i32
        %scan3A_194 = arith.addi %scan3A_166, %scan3A_193 : i32
        %broadcast_in_dim3A_195 = arith.constant 0 : i32
        %broadcast_in_dim3A_196 = vector.broadcast %broadcast_in_dim3A_195 : i32 to vector<16xi32>
        %mul3A_197 = arith.constant 16 : i32
        %mul3A_198 = arith.muli %scan3A_194, %mul3A_197 : i32
        %swap3A_199 = arith.index_cast %mul3A_198 : i32 to index
        %swap3A_200 = tpu.vector_load %arg19[%swap3A_199] {strides = array<i32>} : memref<2320xi32, #tpu.memory_space<vmem>>, vector<16xi32>,
        tpu.vector_store %arg19[%swap3A_199], %broadcast_in_dim3A_196 {strides = array<i32>} : memref<2320xi32, #tpu.memory_space<vmem>>, vector<16xi32>,
        %scan3A_201 = arith.constant 0 : i32
        scf.yield %scan3A_201 : i32
      }
      %scan3A_19 = arith.constant 48 : i32
      %scan3A_20 = arith.addi %scan3A_14, %scan3A_19 : i32
      %broadcast_in_dim3A = arith.constant 0 : i32
      %broadcast_in_dim3A_21 = vector.broadcast %broadcast_in_dim3A : i32 to vector<16xi32>
      %mul3A_22 = arith.constant 16 : i32
      %mul3A_23 = arith.muli %scan3A_20, %mul3A_22 : i32
      %swap3A = arith.index_cast %mul3A_23 : i32 to index
      %swap3A_24 = tpu.vector_load %arg19[%swap3A] {strides = array<i32>} : memref<2320xi32, #tpu.memory_space<vmem>>, vector<16xi32>,
      tpu.vector_store %arg19[%swap3A], %broadcast_in_dim3A_21 {strides = array<i32>} : memref<2320xi32, #tpu.memory_space<vmem>>, vector<16xi32>,
      %scan3A_25 = arith.constant 0 : i32
      %scan3A_26 = arith.constant 49 : i32
      %scan3A_27 = arith.constant 0 : i32
      %scan3A_28 = arith.constant 0 : i32
      %scan3A_29 = arith.constant 16 : i32
      %scan3A_30 = arith.addi %scan3A_28, %scan3A_29 : i32
      %scan3A_31 = arith.constant 4 : i32
      %scan3A_32 = scf.for %scan3A_166 = %scan3A_28 to %scan3A_30 step %scan3A_31 iter_args(%scan3A_167 = %scan3A_27) -> (i32)  : i32 {
        %broadcast_in_dim3A_168 = arith.constant 0 : i32
        %broadcast_in_dim3A_169 = vector.broadcast %broadcast_in_dim3A_168 : i32 to vector<16xi32>
        %mul3A_170 = arith.constant 16 : i32
        %mul3A_171 = arith.muli %scan3A_166, %mul3A_170 : i32
        %add3A_172 = arith.constant 2048 : i32
        %add3A_173 = arith.addi %mul3A_171, %add3A_172 : i32
        %swap3A_174 = arith.index_cast %add3A_173 : i32 to index
        %swap3A_175 = tpu.vector_load %arg19[%swap3A_174] {strides = array<i32>} : memref<2320xi32, #tpu.memory_space<vmem>>, vector<16xi32>,
        tpu.vector_store %arg19[%swap3A_174], %broadcast_in_dim3A_169 {strides = array<i32>} : memref<2320xi32, #tpu.memory_space<vmem>>, vector<16xi32>,
        %scan3A_176 = arith.constant 0 : i32
        %scan3A_177 = arith.constant 1 : i32
        %scan3A_178 = arith.addi %scan3A_166, %scan3A_177 : i32
        %broadcast_in_dim3A_179 = arith.constant 0 : i32
        %broadcast_in_dim3A_180 = vector.broadcast %broadcast_in_dim3A_179 : i32 to vector<16xi32>
        %mul3A_181 = arith.constant 16 : i32
        %mul3A_182 = arith.muli %scan3A_178, %mul3A_181 : i32
        %add3A_183 = arith.constant 2048 : i32
        %add3A_184 = arith.addi %mul3A_182, %add3A_183 : i32
        %swap3A_185 = arith.index_cast %add3A_184 : i32 to index
        %swap3A_186 = tpu.vector_load %arg19[%swap3A_185] {strides = array<i32>} : memref<2320xi32, #tpu.memory_space<vmem>>, vector<16xi32>,
        tpu.vector_store %arg19[%swap3A_185], %broadcast_in_dim3A_180 {strides = array<i32>} : memref<2320xi32, #tpu.memory_space<vmem>>, vector<16xi32>,
        %scan3A_187 = arith.constant 0 : i32
        %scan3A_188 = arith.constant 2 : i32
        %scan3A_189 = arith.addi %scan3A_166, %scan3A_188 : i32
        %broadcast_in_dim3A_190 = arith.constant 0 : i32
        %broadcast_in_dim3A_191 = vector.broadcast %broadcast_in_dim3A_190 : i32 to vector<16xi32>
        %mul3A_192 = arith.constant 16 : i32
        %mul3A_193 = arith.muli %scan3A_189, %mul3A_192 : i32
        %add3A_194 = arith.constant 2048 : i32
        %add3A_195 = arith.addi %mul3A_193, %add3A_194 : i32
        %swap3A_196 = arith.index_cast %add3A_195 : i32 to index
        %swap3A_197 = tpu.vector_load %arg19[%swap3A_196] {strides = array<i32>} : memref<2320xi32, #tpu.memory_space<vmem>>, vector<16xi32>,
        tpu.vector_store %arg19[%swap3A_196], %broadcast_in_dim3A_191 {strides = array<i32>} : memref<2320xi32, #tpu.memory_space<vmem>>, vector<16xi32>,
        %scan3A_198 = arith.constant 0 : i32
        %scan3A_199 = arith.constant 3 : i32
        %scan3A_200 = arith.addi %scan3A_166, %scan3A_199 : i32
        %broadcast_in_dim3A_201 = arith.constant 0 : i32
        %broadcast_in_dim3A_202 = vector.broadcast %broadcast_in_dim3A_201 : i32 to vector<16xi32>
        %mul3A_203 = arith.constant 16 : i32
        %mul3A_204 = arith.muli %scan3A_200, %mul3A_203 : i32
        %add3A_205 = arith.constant 2048 : i32
        %add3A_206 = arith.addi %mul3A_204, %add3A_205 : i32
        %swap3A_207 = arith.index_cast %add3A_206 : i32 to index
        %swap3A_208 = tpu.vector_load %arg19[%swap3A_207] {strides = array<i32>} : memref<2320xi32, #tpu.memory_space<vmem>>, vector<16xi32>,
        tpu.vector_store %arg19[%swap3A_207], %broadcast_in_dim3A_202 {strides = array<i32>} : memref<2320xi32, #tpu.memory_space<vmem>>, vector<16xi32>,
        %scan3A_209 = arith.constant 0 : i32
        scf.yield %scan3A_209 : i32
      }
      %scan3A_33 = arith.constant 16 : i32
      %scan3A_34 = arith.addi %scan3A_28, %scan3A_33 : i32
      %broadcast_in_dim3A_35 = arith.constant 0 : i32
      %broadcast_in_dim3A_36 = vector.broadcast %broadcast_in_dim3A_35 : i32 to vector<16xi32>
      %mul3A_37 = arith.constant 16 : i32
      %mul3A_38 = arith.muli %scan3A_34, %mul3A_37 : i32
      %add3A_39 = arith.constant 2048 : i32
      %add3A_40 = arith.addi %mul3A_38, %add3A_39 : i32
      %swap3A_41 = arith.index_cast %add3A_40 : i32 to index
      %swap3A_42 = tpu.vector_load %arg19[%swap3A_41] {strides = array<i32>} : memref<2320xi32, #tpu.memory_space<vmem>>, vector<16xi32>,
      tpu.vector_store %arg19[%swap3A_41], %broadcast_in_dim3A_36 {strides = array<i32>} : memref<2320xi32, #tpu.memory_space<vmem>>, vector<16xi32>,
      %scan3A_43 = arith.constant 0 : i32
      %scan3A_44 = arith.constant 17 : i32
      %broadcast_in_dim3A_45 = arith.constant 0.000000e+00 : f32
      %broadcast_in_dim3A_46 = vector.broadcast %broadcast_in_dim3A_45 : f32 to vector<16xf32>
      %broadcast_in_dim3A_47 = arith.constant 3.000000e+38 : f32
      %broadcast_in_dim3A_48 = vector.broadcast %broadcast_in_dim3A_47 : f32 to vector<16xf32>
      %broadcast_in_dim3A_49 = arith.constant 3.000000e+38 : f32
      %broadcast_in_dim3A_50 = vector.broadcast %broadcast_in_dim3A_49 : f32 to vector<16xf32>
      %broadcast_in_dim3A_51 = arith.constant -3.000000e+38 : f32
      %broadcast_in_dim3A_52 = vector.broadcast %broadcast_in_dim3A_51 : f32 to vector<16xf32>
      %broadcast_in_dim3A_53 = arith.constant -3.000000e+38 : f32
      %broadcast_in_dim3A_54 = vector.broadcast %broadcast_in_dim3A_53 : f32 to vector<16xf32>
      %scan3A_55 = arith.constant 0 : i32
      %scan3A_56 = arith.constant 64 : i32
      %scan3A_57 = arith.addi %scan3A_55, %scan3A_56 : i32
      %scan3A_58 = arith.constant 8 : i32
      %scan3A_59:5 = scf.for %scan3A_166 = %scan3A_55 to %scan3A_57 step %scan3A_58 iter_args(%scan3A_167 = %broadcast_in_dim3A_46, %scan3A_168 = %broadcast_in_dim3A_48, %scan3A_169 = %broadcast_in_dim3A_50, %scan3A_170 = %broadcast_in_dim3A_52, %scan3A_171 = %broadcast_in_dim3A_54) -> (vector<16xf32>, vector<16xf32>, vector<16xf32>, vector<16xf32>, vector<16xf32>)  : i32 {
        %mul3A_172 = arith.constant 16 : i32
        %mul3A_173 = arith.muli %scan3A_166, %mul3A_172 : i32
        %get3A_174 = arith.index_cast %scan3A_11 : i32 to index
        %get3A_175 = arith.index_cast %mul3A_173 : i32 to index
        %get3A_176 = tpu.vector_load %arg12[%get3A_174, %get3A_175] {strides = array<i32>} : memref<64x1024xf32, #tpu.memory_space<vmem>>, vector<16xf32>,
        %mul3A_177 = arith.constant 7.670000e+02 : f32
        %mul3A_178 = vector.broadcast %mul3A_177 : f32 to vector<16xf32>
        %mul3A_179 = arith.mulf %get3A_176, %mul3A_178 : vector<16xf32>
        %add3A_180 = arith.constant 1.638400e+04 : f32
        %add3A_181 = vector.broadcast %add3A_180 : f32 to vector<16xf32>
        %add3A_182 = arith.addf %mul3A_179, %add3A_181 : vector<16xf32>
        %convert_element_type3A_183 = arith.fptosi %add3A_182 : vector<16xf32> to vector<16xi32>
        %sub3A_184 = arith.constant 16384 : i32
        %sub3A_185 = vector.broadcast %sub3A_184 : i32 to vector<16xi32>
        %sub3A_186 = arith.subi %convert_element_type3A_183, %sub3A_185 : vector<16xi32>
        %add3A_187 = arith.constant 2 : i32
        %add3A_188 = vector.broadcast %add3A_187 : i32 to vector<16xi32>
        %add3A_189 = arith.addi %sub3A_186, %add3A_188 : vector<16xi32>
        %jit3A = arith.constant 2 : i32
        %jit3A_190 = arith.constant 768 : i32
        %max3A = vector.broadcast %jit3A : i32 to vector<16xi32>
        %max3A_191 = arith.maxsi %max3A, %add3A_189 : vector<16xi32>
        %min3A = vector.broadcast %jit3A_190 : i32 to vector<16xi32>
        %min3A_192 = arith.minsi %min3A, %max3A_191 : vector<16xi32>
        %sub3A_193 = arith.constant 1 : i32
        %sub3A_194 = vector.broadcast %sub3A_193 : i32 to vector<16xi32>
        %sub3A_195 = arith.subi %min3A_192, %sub3A_194 : vector<16xi32>
        %gather3A = tpu.vector_load_idx %arg8[%sub3A_195] : memref<768xf32, #tpu.memory_space<vmem>>[vector<16xi32>], vector<16xf32>,
        %min3A_196 = arith.constant 767 : i32
        %min3A_197 = vector.broadcast %min3A_196 : i32 to vector<16xi32>
        %min3A_198 = arith.minsi %min3A_192, %min3A_197 : vector<16xi32>
        %gather3A_199 = tpu.vector_load_idx %arg8[%min3A_198] : memref<768xf32, #tpu.memory_space<vmem>>[vector<16xi32>], vector<16xf32>,
        %ge3A_200 = arith.constant 3 : i32
        %ge3A_201 = vector.broadcast %ge3A_200 : i32 to vector<16xi32>
        %ge3A_202 = arith.cmpi sge, %min3A_192, %ge3A_201 : vector<16xi32>
        %gt3A = arith.cmpf ogt, %gather3A, %get3A_176 : vector<16xf32>
        %and3A = arith.andi %ge3A_202, %gt3A : vector<16xi1>
        %convert_element_type3A_203 = arith.extui %and3A : vector<16xi1> to vector<16xi32>
        %sub3A_204 = arith.subi %min3A_192, %convert_element_type3A_203 : vector<16xi32>
        %le3A = arith.constant 767 : i32
        %le3A_205 = vector.broadcast %le3A : i32 to vector<16xi32>
        %le3A_206 = arith.cmpi sle, %min3A_192, %le3A_205 : vector<16xi32>
        %le3A_207 = arith.cmpf ole, %gather3A_199, %get3A_176 : vector<16xf32>
        %and3A_208 = arith.andi %le3A_206, %le3A_207 : vector<16xi1>
        %convert_element_type3A_209 = arith.extui %and3A_208 : vector<16xi1> to vector<16xi32>
        %add3A_210 = arith.addi %sub3A_204, %convert_element_type3A_209 : vector<16xi32>
        %swap3A_211 = arith.index_cast %mul3A_173 : i32 to index
        %swap3A_212 = tpu.vector_load %arg16[%swap3A_211] {strides = array<i32>} : memref<1024xi32, #tpu.memory_space<vmem>>, vector<16xi32>,
        tpu.vector_store %arg16[%swap3A_211], %add3A_210 {strides = array<i32>} : memref<1024xi32, #tpu.memory_space<vmem>>, vector<16xi32>,
        %broadcast_in_dim3A_213 = arith.constant 1 : i32
        %broadcast_in_dim3A_214 = vector.broadcast %broadcast_in_dim3A_213 : i32 to vector<16xi32>
        tpu.vector_store_idx %arg19[%add3A_210], %broadcast_in_dim3A_214 {add = true} : memref<2320xi32, #tpu.memory_space<vmem>>[vector<16xi32>], vector<16xi32>,
        %min3A_215 = arith.minimumf %scan3A_168, %get3A_176 : vector<16xf32>
        %max3A_216 = arith.maximumf %scan3A_168, %get3A_176 : vector<16xf32>
        %min3A_217 = arith.minimumf %scan3A_169, %max3A_216 : vector<16xf32>
        %max3A_218 = arith.maximumf %scan3A_170, %get3A_176 : vector<16xf32>
        %min3A_219 = arith.minimumf %scan3A_170, %get3A_176 : vector<16xf32>
        %max3A_220 = arith.maximumf %scan3A_171, %min3A_219 : vector<16xf32>
        %add3A_221 = arith.addf %scan3A_167, %get3A_176 : vector<16xf32>
        %scan3A_222 = arith.constant 1 : i32
        %scan3A_223 = arith.addi %scan3A_166, %scan3A_222 : i32
        %mul3A_224 = arith.constant 16 : i32
        %mul3A_225 = arith.muli %scan3A_223, %mul3A_224 : i32
        %get3A_226 = arith.index_cast %scan3A_11 : i32 to index
        %get3A_227 = arith.index_cast %mul3A_225 : i32 to index
        %get3A_228 = tpu.vector_load %arg12[%get3A_226, %get3A_227] {strides = array<i32>} : memref<64x1024xf32, #tpu.memory_space<vmem>>, vector<16xf32>,
        %mul3A_229 = arith.constant 7.670000e+02 : f32
        %mul3A_230 = vector.broadcast %mul3A_229 : f32 to vector<16xf32>
        %mul3A_231 = arith.mulf %get3A_228, %mul3A_230 : vector<16xf32>
        %add3A_232 = arith.constant 1.638400e+04 : f32
        %add3A_233 = vector.broadcast %add3A_232 : f32 to vector<16xf32>
        %add3A_234 = arith.addf %mul3A_231, %add3A_233 : vector<16xf32>
        %convert_element_type3A_235 = arith.fptosi %add3A_234 : vector<16xf32> to vector<16xi32>
        %sub3A_236 = arith.constant 16384 : i32
        %sub3A_237 = vector.broadcast %sub3A_236 : i32 to vector<16xi32>
        %sub3A_238 = arith.subi %convert_element_type3A_235, %sub3A_237 : vector<16xi32>
        %add3A_239 = arith.constant 2 : i32
        %add3A_240 = vector.broadcast %add3A_239 : i32 to vector<16xi32>
        %add3A_241 = arith.addi %sub3A_238, %add3A_240 : vector<16xi32>
        %jit3A_242 = arith.constant 2 : i32
        %jit3A_243 = arith.constant 768 : i32
        %max3A_244 = vector.broadcast %jit3A_242 : i32 to vector<16xi32>
        %max3A_245 = arith.maxsi %max3A_244, %add3A_241 : vector<16xi32>
        %min3A_246 = vector.broadcast %jit3A_243 : i32 to vector<16xi32>
        %min3A_247 = arith.minsi %min3A_246, %max3A_245 : vector<16xi32>
        %sub3A_248 = arith.constant 1 : i32
        %sub3A_249 = vector.broadcast %sub3A_248 : i32 to vector<16xi32>
        %sub3A_250 = arith.subi %min3A_247, %sub3A_249 : vector<16xi32>
        %gather3A_251 = tpu.vector_load_idx %arg8[%sub3A_250] : memref<768xf32, #tpu.memory_space<vmem>>[vector<16xi32>], vector<16xf32>,
        %min3A_252 = arith.constant 767 : i32
        %min3A_253 = vector.broadcast %min3A_252 : i32 to vector<16xi32>
        %min3A_254 = arith.minsi %min3A_247, %min3A_253 : vector<16xi32>
        %gather3A_255 = tpu.vector_load_idx %arg8[%min3A_254] : memref<768xf32, #tpu.memory_space<vmem>>[vector<16xi32>], vector<16xf32>,
        %ge3A_256 = arith.constant 3 : i32
        %ge3A_257 = vector.broadcast %ge3A_256 : i32 to vector<16xi32>
        %ge3A_258 = arith.cmpi sge, %min3A_247, %ge3A_257 : vector<16xi32>
        %gt3A_259 = arith.cmpf ogt, %gather3A_251, %get3A_228 : vector<16xf32>
        %and3A_260 = arith.andi %ge3A_258, %gt3A_259 : vector<16xi1>
        %convert_element_type3A_261 = arith.extui %and3A_260 : vector<16xi1> to vector<16xi32>
        %sub3A_262 = arith.subi %min3A_247, %convert_element_type3A_261 : vector<16xi32>
        %le3A_263 = arith.constant 767 : i32
        %le3A_264 = vector.broadcast %le3A_263 : i32 to vector<16xi32>
        %le3A_265 = arith.cmpi sle, %min3A_247, %le3A_264 : vector<16xi32>
        %le3A_266 = arith.cmpf ole, %gather3A_255, %get3A_228 : vector<16xf32>
        %and3A_267 = arith.andi %le3A_265, %le3A_266 : vector<16xi1>
        %convert_element_type3A_268 = arith.extui %and3A_267 : vector<16xi1> to vector<16xi32>
        %add3A_269 = arith.addi %sub3A_262, %convert_element_type3A_268 : vector<16xi32>
        %swap3A_270 = arith.index_cast %mul3A_225 : i32 to index
        %swap3A_271 = tpu.vector_load %arg16[%swap3A_270] {strides = array<i32>} : memref<1024xi32, #tpu.memory_space<vmem>>, vector<16xi32>,
        tpu.vector_store %arg16[%swap3A_270], %add3A_269 {strides = array<i32>} : memref<1024xi32, #tpu.memory_space<vmem>>, vector<16xi32>,
        %broadcast_in_dim3A_272 = arith.constant 1 : i32
        %broadcast_in_dim3A_273 = vector.broadcast %broadcast_in_dim3A_272 : i32 to vector<16xi32>
        tpu.vector_store_idx %arg19[%add3A_269], %broadcast_in_dim3A_273 {add = true} : memref<2320xi32, #tpu.memory_space<vmem>>[vector<16xi32>], vector<16xi32>,
        %min3A_274 = arith.minimumf %min3A_215, %get3A_228 : vector<16xf32>
        %max3A_275 = arith.maximumf %min3A_215, %get3A_228 : vector<16xf32>
        %min3A_276 = arith.minimumf %min3A_217, %max3A_275 : vector<16xf32>
        %max3A_277 = arith.maximumf %max3A_218, %get3A_228 : vector<16xf32>
        %min3A_278 = arith.minimumf %max3A_218, %get3A_228 : vector<16xf32>
        %max3A_279 = arith.maximumf %max3A_220, %min3A_278 : vector<16xf32>
        %add3A_280 = arith.addf %add3A_221, %get3A_228 : vector<16xf32>
        %scan3A_281 = arith.constant 2 : i32
        %scan3A_282 = arith.addi %scan3A_166, %scan3A_281 : i32
        %mul3A_283 = arith.constant 16 : i32
        %mul3A_284 = arith.muli %scan3A_282, %mul3A_283 : i32
        %get3A_285 = arith.index_cast %scan3A_11 : i32 to index
        %get3A_286 = arith.index_cast %mul3A_284 : i32 to index
        %get3A_287 = tpu.vector_load %arg12[%get3A_285, %get3A_286] {strides = array<i32>} : memref<64x1024xf32, #tpu.memory_space<vmem>>, vector<16xf32>,
        %mul3A_288 = arith.constant 7.670000e+02 : f32
        %mul3A_289 = vector.broadcast %mul3A_288 : f32 to vector<16xf32>
        %mul3A_290 = arith.mulf %get3A_287, %mul3A_289 : vector<16xf32>
        %add3A_291 = arith.constant 1.638400e+04 : f32
        %add3A_292 = vector.broadcast %add3A_291 : f32 to vector<16xf32>
        %add3A_293 = arith.addf %mul3A_290, %add3A_292 : vector<16xf32>
        %convert_element_type3A_294 = arith.fptosi %add3A_293 : vector<16xf32> to vector<16xi32>
        %sub3A_295 = arith.constant 16384 : i32
        %sub3A_296 = vector.broadcast %sub3A_295 : i32 to vector<16xi32>
        %sub3A_297 = arith.subi %convert_element_type3A_294, %sub3A_296 : vector<16xi32>
        %add3A_298 = arith.constant 2 : i32
        %add3A_299 = vector.broadcast %add3A_298 : i32 to vector<16xi32>
        %add3A_300 = arith.addi %sub3A_297, %add3A_299 : vector<16xi32>
        %jit3A_301 = arith.constant 2 : i32
        %jit3A_302 = arith.constant 768 : i32
        %max3A_303 = vector.broadcast %jit3A_301 : i32 to vector<16xi32>
        %max3A_304 = arith.maxsi %max3A_303, %add3A_300 : vector<16xi32>
        %min3A_305 = vector.broadcast %jit3A_302 : i32 to vector<16xi32>
        %min3A_306 = arith.minsi %min3A_305, %max3A_304 : vector<16xi32>
        %sub3A_307 = arith.constant 1 : i32
        %sub3A_308 = vector.broadcast %sub3A_307 : i32 to vector<16xi32>
        %sub3A_309 = arith.subi %min3A_306, %sub3A_308 : vector<16xi32>
        %gather3A_310 = tpu.vector_load_idx %arg8[%sub3A_309] : memref<768xf32, #tpu.memory_space<vmem>>[vector<16xi32>], vector<16xf32>,
        %min3A_311 = arith.constant 767 : i32
        %min3A_312 = vector.broadcast %min3A_311 : i32 to vector<16xi32>
        %min3A_313 = arith.minsi %min3A_306, %min3A_312 : vector<16xi32>
        %gather3A_314 = tpu.vector_load_idx %arg8[%min3A_313] : memref<768xf32, #tpu.memory_space<vmem>>[vector<16xi32>], vector<16xf32>,
        %ge3A_315 = arith.constant 3 : i32
        %ge3A_316 = vector.broadcast %ge3A_315 : i32 to vector<16xi32>
        %ge3A_317 = arith.cmpi sge, %min3A_306, %ge3A_316 : vector<16xi32>
        %gt3A_318 = arith.cmpf ogt, %gather3A_310, %get3A_287 : vector<16xf32>
        %and3A_319 = arith.andi %ge3A_317, %gt3A_318 : vector<16xi1>
        %convert_element_type3A_320 = arith.extui %and3A_319 : vector<16xi1> to vector<16xi32>
        %sub3A_321 = arith.subi %min3A_306, %convert_element_type3A_320 : vector<16xi32>
        %le3A_322 = arith.constant 767 : i32
        %le3A_323 = vector.broadcast %le3A_322 : i32 to vector<16xi32>
        %le3A_324 = arith.cmpi sle, %min3A_306, %le3A_323 : vector<16xi32>
        %le3A_325 = arith.cmpf ole, %gather3A_314, %get3A_287 : vector<16xf32>
        %and3A_326 = arith.andi %le3A_324, %le3A_325 : vector<16xi1>
        %convert_element_type3A_327 = arith.extui %and3A_326 : vector<16xi1> to vector<16xi32>
        %add3A_328 = arith.addi %sub3A_321, %convert_element_type3A_327 : vector<16xi32>
        %swap3A_329 = arith.index_cast %mul3A_284 : i32 to index
        %swap3A_330 = tpu.vector_load %arg16[%swap3A_329] {strides = array<i32>} : memref<1024xi32, #tpu.memory_space<vmem>>, vector<16xi32>,
        tpu.vector_store %arg16[%swap3A_329], %add3A_328 {strides = array<i32>} : memref<1024xi32, #tpu.memory_space<vmem>>, vector<16xi32>,
        %broadcast_in_dim3A_331 = arith.constant 1 : i32
        %broadcast_in_dim3A_332 = vector.broadcast %broadcast_in_dim3A_331 : i32 to vector<16xi32>
        tpu.vector_store_idx %arg19[%add3A_328], %broadcast_in_dim3A_332 {add = true} : memref<2320xi32, #tpu.memory_space<vmem>>[vector<16xi32>], vector<16xi32>,
        %min3A_333 = arith.minimumf %min3A_274, %get3A_287 : vector<16xf32>
        %max3A_334 = arith.maximumf %min3A_274, %get3A_287 : vector<16xf32>
        %min3A_335 = arith.minimumf %min3A_276, %max3A_334 : vector<16xf32>
        %max3A_336 = arith.maximumf %max3A_277, %get3A_287 : vector<16xf32>
        %min3A_337 = arith.minimumf %max3A_277, %get3A_287 : vector<16xf32>
        %max3A_338 = arith.maximumf %max3A_279, %min3A_337 : vector<16xf32>
        %add3A_339 = arith.addf %add3A_280, %get3A_287 : vector<16xf32>
        %scan3A_340 = arith.constant 3 : i32
        %scan3A_341 = arith.addi %scan3A_166, %scan3A_340 : i32
        %mul3A_342 = arith.constant 16 : i32
        %mul3A_343 = arith.muli %scan3A_341, %mul3A_342 : i32
        %get3A_344 = arith.index_cast %scan3A_11 : i32 to index
        %get3A_345 = arith.index_cast %mul3A_343 : i32 to index
        %get3A_346 = tpu.vector_load %arg12[%get3A_344, %get3A_345] {strides = array<i32>} : memref<64x1024xf32, #tpu.memory_space<vmem>>, vector<16xf32>,
        %mul3A_347 = arith.constant 7.670000e+02 : f32
        %mul3A_348 = vector.broadcast %mul3A_347 : f32 to vector<16xf32>
        %mul3A_349 = arith.mulf %get3A_346, %mul3A_348 : vector<16xf32>
        %add3A_350 = arith.constant 1.638400e+04 : f32
        %add3A_351 = vector.broadcast %add3A_350 : f32 to vector<16xf32>
        %add3A_352 = arith.addf %mul3A_349, %add3A_351 : vector<16xf32>
        %convert_element_type3A_353 = arith.fptosi %add3A_352 : vector<16xf32> to vector<16xi32>
        %sub3A_354 = arith.constant 16384 : i32
        %sub3A_355 = vector.broadcast %sub3A_354 : i32 to vector<16xi32>
        %sub3A_356 = arith.subi %convert_element_type3A_353, %sub3A_355 : vector<16xi32>
        %add3A_357 = arith.constant 2 : i32
        %add3A_358 = vector.broadcast %add3A_357 : i32 to vector<16xi32>
        %add3A_359 = arith.addi %sub3A_356, %add3A_358 : vector<16xi32>
        %jit3A_360 = arith.constant 2 : i32
        %jit3A_361 = arith.constant 768 : i32
        %max3A_362 = vector.broadcast %jit3A_360 : i32 to vector<16xi32>
        %max3A_363 = arith.maxsi %max3A_362, %add3A_359 : vector<16xi32>
        %min3A_364 = vector.broadcast %jit3A_361 : i32 to vector<16xi32>
        %min3A_365 = arith.minsi %min3A_364, %max3A_363 : vector<16xi32>
        %sub3A_366 = arith.constant 1 : i32
        %sub3A_367 = vector.broadcast %sub3A_366 : i32 to vector<16xi32>
        %sub3A_368 = arith.subi %min3A_365, %sub3A_367 : vector<16xi32>
        %gather3A_369 = tpu.vector_load_idx %arg8[%sub3A_368] : memref<768xf32, #tpu.memory_space<vmem>>[vector<16xi32>], vector<16xf32>,
        %min3A_370 = arith.constant 767 : i32
        %min3A_371 = vector.broadcast %min3A_370 : i32 to vector<16xi32>
        %min3A_372 = arith.minsi %min3A_365, %min3A_371 : vector<16xi32>
        %gather3A_373 = tpu.vector_load_idx %arg8[%min3A_372] : memref<768xf32, #tpu.memory_space<vmem>>[vector<16xi32>], vector<16xf32>,
        %ge3A_374 = arith.constant 3 : i32
        %ge3A_375 = vector.broadcast %ge3A_374 : i32 to vector<16xi32>
        %ge3A_376 = arith.cmpi sge, %min3A_365, %ge3A_375 : vector<16xi32>
        %gt3A_377 = arith.cmpf ogt, %gather3A_369, %get3A_346 : vector<16xf32>
        %and3A_378 = arith.andi %ge3A_376, %gt3A_377 : vector<16xi1>
        %convert_element_type3A_379 = arith.extui %and3A_378 : vector<16xi1> to vector<16xi32>
        %sub3A_380 = arith.subi %min3A_365, %convert_element_type3A_379 : vector<16xi32>
        %le3A_381 = arith.constant 767 : i32
        %le3A_382 = vector.broadcast %le3A_381 : i32 to vector<16xi32>
        %le3A_383 = arith.cmpi sle, %min3A_365, %le3A_382 : vector<16xi32>
        %le3A_384 = arith.cmpf ole, %gather3A_373, %get3A_346 : vector<16xf32>
        %and3A_385 = arith.andi %le3A_383, %le3A_384 : vector<16xi1>
        %convert_element_type3A_386 = arith.extui %and3A_385 : vector<16xi1> to vector<16xi32>
        %add3A_387 = arith.addi %sub3A_380, %convert_element_type3A_386 : vector<16xi32>
        %swap3A_388 = arith.index_cast %mul3A_343 : i32 to index
        %swap3A_389 = tpu.vector_load %arg16[%swap3A_388] {strides = array<i32>} : memref<1024xi32, #tpu.memory_space<vmem>>, vector<16xi32>,
        tpu.vector_store %arg16[%swap3A_388], %add3A_387 {strides = array<i32>} : memref<1024xi32, #tpu.memory_space<vmem>>, vector<16xi32>,
        %broadcast_in_dim3A_390 = arith.constant 1 : i32
        %broadcast_in_dim3A_391 = vector.broadcast %broadcast_in_dim3A_390 : i32 to vector<16xi32>
        tpu.vector_store_idx %arg19[%add3A_387], %broadcast_in_dim3A_391 {add = true} : memref<2320xi32, #tpu.memory_space<vmem>>[vector<16xi32>], vector<16xi32>,
        %min3A_392 = arith.minimumf %min3A_333, %get3A_346 : vector<16xf32>
        %max3A_393 = arith.maximumf %min3A_333, %get3A_346 : vector<16xf32>
        %min3A_394 = arith.minimumf %min3A_335, %max3A_393 : vector<16xf32>
        %max3A_395 = arith.maximumf %max3A_336, %get3A_346 : vector<16xf32>
        %min3A_396 = arith.minimumf %max3A_336, %get3A_346 : vector<16xf32>
        %max3A_397 = arith.maximumf %max3A_338, %min3A_396 : vector<16xf32>
        %add3A_398 = arith.addf %add3A_339, %get3A_346 : vector<16xf32>
        %scan3A_399 = arith.constant 4 : i32
        %scan3A_400 = arith.addi %scan3A_166, %scan3A_399 : i32
        %mul3A_401 = arith.constant 16 : i32
        %mul3A_402 = arith.muli %scan3A_400, %mul3A_401 : i32
        %get3A_403 = arith.index_cast %scan3A_11 : i32 to index
        %get3A_404 = arith.index_cast %mul3A_402 : i32 to index
        %get3A_405 = tpu.vector_load %arg12[%get3A_403, %get3A_404] {strides = array<i32>} : memref<64x1024xf32, #tpu.memory_space<vmem>>, vector<16xf32>,
        %mul3A_406 = arith.constant 7.670000e+02 : f32
        %mul3A_407 = vector.broadcast %mul3A_406 : f32 to vector<16xf32>
        %mul3A_408 = arith.mulf %get3A_405, %mul3A_407 : vector<16xf32>
        %add3A_409 = arith.constant 1.638400e+04 : f32
        %add3A_410 = vector.broadcast %add3A_409 : f32 to vector<16xf32>
        %add3A_411 = arith.addf %mul3A_408, %add3A_410 : vector<16xf32>
        %convert_element_type3A_412 = arith.fptosi %add3A_411 : vector<16xf32> to vector<16xi32>
        %sub3A_413 = arith.constant 16384 : i32
        %sub3A_414 = vector.broadcast %sub3A_413 : i32 to vector<16xi32>
        %sub3A_415 = arith.subi %convert_element_type3A_412, %sub3A_414 : vector<16xi32>
        %add3A_416 = arith.constant 2 : i32
        %add3A_417 = vector.broadcast %add3A_416 : i32 to vector<16xi32>
        %add3A_418 = arith.addi %sub3A_415, %add3A_417 : vector<16xi32>
        %jit3A_419 = arith.constant 2 : i32
        %jit3A_420 = arith.constant 768 : i32
        %max3A_421 = vector.broadcast %jit3A_419 : i32 to vector<16xi32>
        %max3A_422 = arith.maxsi %max3A_421, %add3A_418 : vector<16xi32>
        %min3A_423 = vector.broadcast %jit3A_420 : i32 to vector<16xi32>
        %min3A_424 = arith.minsi %min3A_423, %max3A_422 : vector<16xi32>
        %sub3A_425 = arith.constant 1 : i32
        %sub3A_426 = vector.broadcast %sub3A_425 : i32 to vector<16xi32>
        %sub3A_427 = arith.subi %min3A_424, %sub3A_426 : vector<16xi32>
        %gather3A_428 = tpu.vector_load_idx %arg8[%sub3A_427] : memref<768xf32, #tpu.memory_space<vmem>>[vector<16xi32>], vector<16xf32>,
        %min3A_429 = arith.constant 767 : i32
        %min3A_430 = vector.broadcast %min3A_429 : i32 to vector<16xi32>
        %min3A_431 = arith.minsi %min3A_424, %min3A_430 : vector<16xi32>
        %gather3A_432 = tpu.vector_load_idx %arg8[%min3A_431] : memref<768xf32, #tpu.memory_space<vmem>>[vector<16xi32>], vector<16xf32>,
        %ge3A_433 = arith.constant 3 : i32
        %ge3A_434 = vector.broadcast %ge3A_433 : i32 to vector<16xi32>
        %ge3A_435 = arith.cmpi sge, %min3A_424, %ge3A_434 : vector<16xi32>
        %gt3A_436 = arith.cmpf ogt, %gather3A_428, %get3A_405 : vector<16xf32>
        %and3A_437 = arith.andi %ge3A_435, %gt3A_436 : vector<16xi1>
        %convert_element_type3A_438 = arith.extui %and3A_437 : vector<16xi1> to vector<16xi32>
        %sub3A_439 = arith.subi %min3A_424, %convert_element_type3A_438 : vector<16xi32>
        %le3A_440 = arith.constant 767 : i32
        %le3A_441 = vector.broadcast %le3A_440 : i32 to vector<16xi32>
        %le3A_442 = arith.cmpi sle, %min3A_424, %le3A_441 : vector<16xi32>
        %le3A_443 = arith.cmpf ole, %gather3A_432, %get3A_405 : vector<16xf32>
        %and3A_444 = arith.andi %le3A_442, %le3A_443 : vector<16xi1>
        %convert_element_type3A_445 = arith.extui %and3A_444 : vector<16xi1> to vector<16xi32>
        %add3A_446 = arith.addi %sub3A_439, %convert_element_type3A_445 : vector<16xi32>
        %swap3A_447 = arith.index_cast %mul3A_402 : i32 to index
        %swap3A_448 = tpu.vector_load %arg16[%swap3A_447] {strides = array<i32>} : memref<1024xi32, #tpu.memory_space<vmem>>, vector<16xi32>,
        tpu.vector_store %arg16[%swap3A_447], %add3A_446 {strides = array<i32>} : memref<1024xi32, #tpu.memory_space<vmem>>, vector<16xi32>,
        %broadcast_in_dim3A_449 = arith.constant 1 : i32
        %broadcast_in_dim3A_450 = vector.broadcast %broadcast_in_dim3A_449 : i32 to vector<16xi32>
        tpu.vector_store_idx %arg19[%add3A_446], %broadcast_in_dim3A_450 {add = true} : memref<2320xi32, #tpu.memory_space<vmem>>[vector<16xi32>], vector<16xi32>,
        %min3A_451 = arith.minimumf %min3A_392, %get3A_405 : vector<16xf32>
        %max3A_452 = arith.maximumf %min3A_392, %get3A_405 : vector<16xf32>
        %min3A_453 = arith.minimumf %min3A_394, %max3A_452 : vector<16xf32>
        %max3A_454 = arith.maximumf %max3A_395, %get3A_405 : vector<16xf32>
        %min3A_455 = arith.minimumf %max3A_395, %get3A_405 : vector<16xf32>
        %max3A_456 = arith.maximumf %max3A_397, %min3A_455 : vector<16xf32>
        %add3A_457 = arith.addf %add3A_398, %get3A_405 : vector<16xf32>
        %scan3A_458 = arith.constant 5 : i32
        %scan3A_459 = arith.addi %scan3A_166, %scan3A_458 : i32
        %mul3A_460 = arith.constant 16 : i32
        %mul3A_461 = arith.muli %scan3A_459, %mul3A_460 : i32
        %get3A_462 = arith.index_cast %scan3A_11 : i32 to index
        %get3A_463 = arith.index_cast %mul3A_461 : i32 to index
        %get3A_464 = tpu.vector_load %arg12[%get3A_462, %get3A_463] {strides = array<i32>} : memref<64x1024xf32, #tpu.memory_space<vmem>>, vector<16xf32>,
        %mul3A_465 = arith.constant 7.670000e+02 : f32
        %mul3A_466 = vector.broadcast %mul3A_465 : f32 to vector<16xf32>
        %mul3A_467 = arith.mulf %get3A_464, %mul3A_466 : vector<16xf32>
        %add3A_468 = arith.constant 1.638400e+04 : f32
        %add3A_469 = vector.broadcast %add3A_468 : f32 to vector<16xf32>
        %add3A_470 = arith.addf %mul3A_467, %add3A_469 : vector<16xf32>
        %convert_element_type3A_471 = arith.fptosi %add3A_470 : vector<16xf32> to vector<16xi32>
        %sub3A_472 = arith.constant 16384 : i32
        %sub3A_473 = vector.broadcast %sub3A_472 : i32 to vector<16xi32>
        %sub3A_474 = arith.subi %convert_element_type3A_471, %sub3A_473 : vector<16xi32>
        %add3A_475 = arith.constant 2 : i32
        %add3A_476 = vector.broadcast %add3A_475 : i32 to vector<16xi32>
        %add3A_477 = arith.addi %sub3A_474, %add3A_476 : vector<16xi32>
        %jit3A_478 = arith.constant 2 : i32
        %jit3A_479 = arith.constant 768 : i32
        %max3A_480 = vector.broadcast %jit3A_478 : i32 to vector<16xi32>
        %max3A_481 = arith.maxsi %max3A_480, %add3A_477 : vector<16xi32>
        %min3A_482 = vector.broadcast %jit3A_479 : i32 to vector<16xi32>
        %min3A_483 = arith.minsi %min3A_482, %max3A_481 : vector<16xi32>
        %sub3A_484 = arith.constant 1 : i32
        %sub3A_485 = vector.broadcast %sub3A_484 : i32 to vector<16xi32>
        %sub3A_486 = arith.subi %min3A_483, %sub3A_485 : vector<16xi32>
        %gather3A_487 = tpu.vector_load_idx %arg8[%sub3A_486] : memref<768xf32, #tpu.memory_space<vmem>>[vector<16xi32>], vector<16xf32>,
        %min3A_488 = arith.constant 767 : i32
        %min3A_489 = vector.broadcast %min3A_488 : i32 to vector<16xi32>
        %min3A_490 = arith.minsi %min3A_483, %min3A_489 : vector<16xi32>
        %gather3A_491 = tpu.vector_load_idx %arg8[%min3A_490] : memref<768xf32, #tpu.memory_space<vmem>>[vector<16xi32>], vector<16xf32>,
        %ge3A_492 = arith.constant 3 : i32
        %ge3A_493 = vector.broadcast %ge3A_492 : i32 to vector<16xi32>
        %ge3A_494 = arith.cmpi sge, %min3A_483, %ge3A_493 : vector<16xi32>
        %gt3A_495 = arith.cmpf ogt, %gather3A_487, %get3A_464 : vector<16xf32>
        %and3A_496 = arith.andi %ge3A_494, %gt3A_495 : vector<16xi1>
        %convert_element_type3A_497 = arith.extui %and3A_496 : vector<16xi1> to vector<16xi32>
        %sub3A_498 = arith.subi %min3A_483, %convert_element_type3A_497 : vector<16xi32>
        %le3A_499 = arith.constant 767 : i32
        %le3A_500 = vector.broadcast %le3A_499 : i32 to vector<16xi32>
        %le3A_501 = arith.cmpi sle, %min3A_483, %le3A_500 : vector<16xi32>
        %le3A_502 = arith.cmpf ole, %gather3A_491, %get3A_464 : vector<16xf32>
        %and3A_503 = arith.andi %le3A_501, %le3A_502 : vector<16xi1>
        %convert_element_type3A_504 = arith.extui %and3A_503 : vector<16xi1> to vector<16xi32>
        %add3A_505 = arith.addi %sub3A_498, %convert_element_type3A_504 : vector<16xi32>
        %swap3A_506 = arith.index_cast %mul3A_461 : i32 to index
        %swap3A_507 = tpu.vector_load %arg16[%swap3A_506] {strides = array<i32>} : memref<1024xi32, #tpu.memory_space<vmem>>, vector<16xi32>,
        tpu.vector_store %arg16[%swap3A_506], %add3A_505 {strides = array<i32>} : memref<1024xi32, #tpu.memory_space<vmem>>, vector<16xi32>,
        %broadcast_in_dim3A_508 = arith.constant 1 : i32
        %broadcast_in_dim3A_509 = vector.broadcast %broadcast_in_dim3A_508 : i32 to vector<16xi32>
        tpu.vector_store_idx %arg19[%add3A_505], %broadcast_in_dim3A_509 {add = true} : memref<2320xi32, #tpu.memory_space<vmem>>[vector<16xi32>], vector<16xi32>,
        %min3A_510 = arith.minimumf %min3A_451, %get3A_464 : vector<16xf32>
        %max3A_511 = arith.maximumf %min3A_451, %get3A_464 : vector<16xf32>
        %min3A_512 = arith.minimumf %min3A_453, %max3A_511 : vector<16xf32>
        %max3A_513 = arith.maximumf %max3A_454, %get3A_464 : vector<16xf32>
        %min3A_514 = arith.minimumf %max3A_454, %get3A_464 : vector<16xf32>
        %max3A_515 = arith.maximumf %max3A_456, %min3A_514 : vector<16xf32>
        %add3A_516 = arith.addf %add3A_457, %get3A_464 : vector<16xf32>
        %scan3A_517 = arith.constant 6 : i32
        %scan3A_518 = arith.addi %scan3A_166, %scan3A_517 : i32
        %mul3A_519 = arith.constant 16 : i32
        %mul3A_520 = arith.muli %scan3A_518, %mul3A_519 : i32
        %get3A_521 = arith.index_cast %scan3A_11 : i32 to index
        %get3A_522 = arith.index_cast %mul3A_520 : i32 to index
        %get3A_523 = tpu.vector_load %arg12[%get3A_521, %get3A_522] {strides = array<i32>} : memref<64x1024xf32, #tpu.memory_space<vmem>>, vector<16xf32>,
        %mul3A_524 = arith.constant 7.670000e+02 : f32
        %mul3A_525 = vector.broadcast %mul3A_524 : f32 to vector<16xf32>
        %mul3A_526 = arith.mulf %get3A_523, %mul3A_525 : vector<16xf32>
        %add3A_527 = arith.constant 1.638400e+04 : f32
        %add3A_528 = vector.broadcast %add3A_527 : f32 to vector<16xf32>
        %add3A_529 = arith.addf %mul3A_526, %add3A_528 : vector<16xf32>
        %convert_element_type3A_530 = arith.fptosi %add3A_529 : vector<16xf32> to vector<16xi32>
        %sub3A_531 = arith.constant 16384 : i32
        %sub3A_532 = vector.broadcast %sub3A_531 : i32 to vector<16xi32>
        %sub3A_533 = arith.subi %convert_element_type3A_530, %sub3A_532 : vector<16xi32>
        %add3A_534 = arith.constant 2 : i32
        %add3A_535 = vector.broadcast %add3A_534 : i32 to vector<16xi32>
        %add3A_536 = arith.addi %sub3A_533, %add3A_535 : vector<16xi32>
        %jit3A_537 = arith.constant 2 : i32
        %jit3A_538 = arith.constant 768 : i32
        %max3A_539 = vector.broadcast %jit3A_537 : i32 to vector<16xi32>
        %max3A_540 = arith.maxsi %max3A_539, %add3A_536 : vector<16xi32>
        %min3A_541 = vector.broadcast %jit3A_538 : i32 to vector<16xi32>
        %min3A_542 = arith.minsi %min3A_541, %max3A_540 : vector<16xi32>
        %sub3A_543 = arith.constant 1 : i32
        %sub3A_544 = vector.broadcast %sub3A_543 : i32 to vector<16xi32>
        %sub3A_545 = arith.subi %min3A_542, %sub3A_544 : vector<16xi32>
        %gather3A_546 = tpu.vector_load_idx %arg8[%sub3A_545] : memref<768xf32, #tpu.memory_space<vmem>>[vector<16xi32>], vector<16xf32>,
        %min3A_547 = arith.constant 767 : i32
        %min3A_548 = vector.broadcast %min3A_547 : i32 to vector<16xi32>
        %min3A_549 = arith.minsi %min3A_542, %min3A_548 : vector<16xi32>
        %gather3A_550 = tpu.vector_load_idx %arg8[%min3A_549] : memref<768xf32, #tpu.memory_space<vmem>>[vector<16xi32>], vector<16xf32>,
        %ge3A_551 = arith.constant 3 : i32
        %ge3A_552 = vector.broadcast %ge3A_551 : i32 to vector<16xi32>
        %ge3A_553 = arith.cmpi sge, %min3A_542, %ge3A_552 : vector<16xi32>
        %gt3A_554 = arith.cmpf ogt, %gather3A_546, %get3A_523 : vector<16xf32>
        %and3A_555 = arith.andi %ge3A_553, %gt3A_554 : vector<16xi1>
        %convert_element_type3A_556 = arith.extui %and3A_555 : vector<16xi1> to vector<16xi32>
        %sub3A_557 = arith.subi %min3A_542, %convert_element_type3A_556 : vector<16xi32>
        %le3A_558 = arith.constant 767 : i32
        %le3A_559 = vector.broadcast %le3A_558 : i32 to vector<16xi32>
        %le3A_560 = arith.cmpi sle, %min3A_542, %le3A_559 : vector<16xi32>
        %le3A_561 = arith.cmpf ole, %gather3A_550, %get3A_523 : vector<16xf32>
        %and3A_562 = arith.andi %le3A_560, %le3A_561 : vector<16xi1>
        %convert_element_type3A_563 = arith.extui %and3A_562 : vector<16xi1> to vector<16xi32>
        %add3A_564 = arith.addi %sub3A_557, %convert_element_type3A_563 : vector<16xi32>
        %swap3A_565 = arith.index_cast %mul3A_520 : i32 to index
        %swap3A_566 = tpu.vector_load %arg16[%swap3A_565] {strides = array<i32>} : memref<1024xi32, #tpu.memory_space<vmem>>, vector<16xi32>,
        tpu.vector_store %arg16[%swap3A_565], %add3A_564 {strides = array<i32>} : memref<1024xi32, #tpu.memory_space<vmem>>, vector<16xi32>,
        %broadcast_in_dim3A_567 = arith.constant 1 : i32
        %broadcast_in_dim3A_568 = vector.broadcast %broadcast_in_dim3A_567 : i32 to vector<16xi32>
        tpu.vector_store_idx %arg19[%add3A_564], %broadcast_in_dim3A_568 {add = true} : memref<2320xi32, #tpu.memory_space<vmem>>[vector<16xi32>], vector<16xi32>,
        %min3A_569 = arith.minimumf %min3A_510, %get3A_523 : vector<16xf32>
        %max3A_570 = arith.maximumf %min3A_510, %get3A_523 : vector<16xf32>
        %min3A_571 = arith.minimumf %min3A_512, %max3A_570 : vector<16xf32>
        %max3A_572 = arith.maximumf %max3A_513, %get3A_523 : vector<16xf32>
        %min3A_573 = arith.minimumf %max3A_513, %get3A_523 : vector<16xf32>
        %max3A_574 = arith.maximumf %max3A_515, %min3A_573 : vector<16xf32>
        %add3A_575 = arith.addf %add3A_516, %get3A_523 : vector<16xf32>
        %scan3A_576 = arith.constant 7 : i32
        %scan3A_577 = arith.addi %scan3A_166, %scan3A_576 : i32
        %mul3A_578 = arith.constant 16 : i32
        %mul3A_579 = arith.muli %scan3A_577, %mul3A_578 : i32
        %get3A_580 = arith.index_cast %scan3A_11 : i32 to index
        %get3A_581 = arith.index_cast %mul3A_579 : i32 to index
        %get3A_582 = tpu.vector_load %arg12[%get3A_580, %get3A_581] {strides = array<i32>} : memref<64x1024xf32, #tpu.memory_space<vmem>>, vector<16xf32>,
        %mul3A_583 = arith.constant 7.670000e+02 : f32
        %mul3A_584 = vector.broadcast %mul3A_583 : f32 to vector<16xf32>
        %mul3A_585 = arith.mulf %get3A_582, %mul3A_584 : vector<16xf32>
        %add3A_586 = arith.constant 1.638400e+04 : f32
        %add3A_587 = vector.broadcast %add3A_586 : f32 to vector<16xf32>
        %add3A_588 = arith.addf %mul3A_585, %add3A_587 : vector<16xf32>
        %convert_element_type3A_589 = arith.fptosi %add3A_588 : vector<16xf32> to vector<16xi32>
        %sub3A_590 = arith.constant 16384 : i32
        %sub3A_591 = vector.broadcast %sub3A_590 : i32 to vector<16xi32>
        %sub3A_592 = arith.subi %convert_element_type3A_589, %sub3A_591 : vector<16xi32>
        %add3A_593 = arith.constant 2 : i32
        %add3A_594 = vector.broadcast %add3A_593 : i32 to vector<16xi32>
        %add3A_595 = arith.addi %sub3A_592, %add3A_594 : vector<16xi32>
        %jit3A_596 = arith.constant 2 : i32
        %jit3A_597 = arith.constant 768 : i32
        %max3A_598 = vector.broadcast %jit3A_596 : i32 to vector<16xi32>
        %max3A_599 = arith.maxsi %max3A_598, %add3A_595 : vector<16xi32>
        %min3A_600 = vector.broadcast %jit3A_597 : i32 to vector<16xi32>
        %min3A_601 = arith.minsi %min3A_600, %max3A_599 : vector<16xi32>
        %sub3A_602 = arith.constant 1 : i32
        %sub3A_603 = vector.broadcast %sub3A_602 : i32 to vector<16xi32>
        %sub3A_604 = arith.subi %min3A_601, %sub3A_603 : vector<16xi32>
        %gather3A_605 = tpu.vector_load_idx %arg8[%sub3A_604] : memref<768xf32, #tpu.memory_space<vmem>>[vector<16xi32>], vector<16xf32>,
        %min3A_606 = arith.constant 767 : i32
        %min3A_607 = vector.broadcast %min3A_606 : i32 to vector<16xi32>
        %min3A_608 = arith.minsi %min3A_601, %min3A_607 : vector<16xi32>
        %gather3A_609 = tpu.vector_load_idx %arg8[%min3A_608] : memref<768xf32, #tpu.memory_space<vmem>>[vector<16xi32>], vector<16xf32>,
        %ge3A_610 = arith.constant 3 : i32
        %ge3A_611 = vector.broadcast %ge3A_610 : i32 to vector<16xi32>
        %ge3A_612 = arith.cmpi sge, %min3A_601, %ge3A_611 : vector<16xi32>
        %gt3A_613 = arith.cmpf ogt, %gather3A_605, %get3A_582 : vector<16xf32>
        %and3A_614 = arith.andi %ge3A_612, %gt3A_613 : vector<16xi1>
        %convert_element_type3A_615 = arith.extui %and3A_614 : vector<16xi1> to vector<16xi32>
        %sub3A_616 = arith.subi %min3A_601, %convert_element_type3A_615 : vector<16xi32>
        %le3A_617 = arith.constant 767 : i32
        %le3A_618 = vector.broadcast %le3A_617 : i32 to vector<16xi32>
        %le3A_619 = arith.cmpi sle, %min3A_601, %le3A_618 : vector<16xi32>
        %le3A_620 = arith.cmpf ole, %gather3A_609, %get3A_582 : vector<16xf32>
        %and3A_621 = arith.andi %le3A_619, %le3A_620 : vector<16xi1>
        %convert_element_type3A_622 = arith.extui %and3A_621 : vector<16xi1> to vector<16xi32>
        %add3A_623 = arith.addi %sub3A_616, %convert_element_type3A_622 : vector<16xi32>
        %swap3A_624 = arith.index_cast %mul3A_579 : i32 to index
        %swap3A_625 = tpu.vector_load %arg16[%swap3A_624] {strides = array<i32>} : memref<1024xi32, #tpu.memory_space<vmem>>, vector<16xi32>,
        tpu.vector_store %arg16[%swap3A_624], %add3A_623 {strides = array<i32>} : memref<1024xi32, #tpu.memory_space<vmem>>, vector<16xi32>,
        %broadcast_in_dim3A_626 = arith.constant 1 : i32
        %broadcast_in_dim3A_627 = vector.broadcast %broadcast_in_dim3A_626 : i32 to vector<16xi32>
        tpu.vector_store_idx %arg19[%add3A_623], %broadcast_in_dim3A_627 {add = true} : memref<2320xi32, #tpu.memory_space<vmem>>[vector<16xi32>], vector<16xi32>,
        %min3A_628 = arith.minimumf %min3A_569, %get3A_582 : vector<16xf32>
        %max3A_629 = arith.maximumf %min3A_569, %get3A_582 : vector<16xf32>
        %min3A_630 = arith.minimumf %min3A_571, %max3A_629 : vector<16xf32>
        %max3A_631 = arith.maximumf %max3A_572, %get3A_582 : vector<16xf32>
        %min3A_632 = arith.minimumf %max3A_572, %get3A_582 : vector<16xf32>
        %max3A_633 = arith.maximumf %max3A_574, %min3A_632 : vector<16xf32>
        %add3A_634 = arith.addf %add3A_575, %get3A_582 : vector<16xf32>
        scf.yield %add3A_634, %min3A_628, %min3A_630, %max3A_631, %max3A_633 : vector<16xf32>, vector<16xf32>, vector<16xf32>, vector<16xf32>, vector<16xf32>
      }
      %scan3A_60 = arith.constant 64 : i32
      %reduce_sum3A = arith.constant true
      %reduce_sum3A_61 = vector.broadcast %reduce_sum3A : i1 to vector<16xi1>
      %reduce_sum3A_62 = tpu.scan <sum>, %scan3A_59#0 masked %reduce_sum3A_61 : vector<16xf32>, vector<16xi1> -> vector<16xf32>
      %reduce_sum3A_63 = vector.extract %reduce_sum3A_62[15] : f32 from vector<16xf32>
      %mul3A_64 = arith.constant 9.765625E-4 : f32
      %mul3A_65 = arith.mulf %reduce_sum3A_63, %mul3A_64 : f32
      %sub3A = arith.constant 5.000000e-01 : f32
      %sub3A_66 = arith.subf %mul3A_65, %sub3A : f32
      %reduce_min3A = arith.constant true
      %reduce_min3A_67 = vector.broadcast %reduce_min3A : i1 to vector<16xi1>
      %reduce_min3A_68 = tpu.scan <min>, %scan3A_59#1 masked %reduce_min3A_67 : vector<16xf32>, vector<16xi1> -> vector<16xf32>
      %reduce_min3A_69 = vector.extract %reduce_min3A_68[15] : f32 from vector<16xf32>
      %eq3A = vector.broadcast %reduce_min3A_69 : f32 to vector<16xf32>
      %eq3A_70 = arith.cmpf oeq, %scan3A_59#1, %eq3A : vector<16xf32>
      %convert_element_type3A = arith.extui %eq3A_70 : vector<16xi1> to vector<16xi32>
      %reduce_sum3A_71 = arith.constant true
      %reduce_sum3A_72 = vector.broadcast %reduce_sum3A_71 : i1 to vector<16xi1>
      %reduce_sum3A_73 = tpu.scan <sum>, %convert_element_type3A masked %reduce_sum3A_72 : vector<16xi32>, vector<16xi1> -> vector<16xi32>
      %reduce_sum3A_74 = vector.extract %reduce_sum3A_73[15] : i32 from vector<16xi32>
      %ge3A = arith.constant 2 : i32
      %ge3A_75 = arith.cmpi sge, %reduce_sum3A_74, %ge3A : i32
      %eq3A_76 = vector.broadcast %reduce_min3A_69 : f32 to vector<16xf32>
      %eq3A_77 = arith.cmpf oeq, %scan3A_59#1, %eq3A_76 : vector<16xf32>
      %select_n3A = arith.select %eq3A_77, %scan3A_59#2, %scan3A_59#1 : vector<16xi1>, vector<16xf32>
      %reduce_min3A_78 = arith.constant true
      %reduce_min3A_79 = vector.broadcast %reduce_min3A_78 : i1 to vector<16xi1>
      %reduce_min3A_80 = tpu.scan <min>, %select_n3A masked %reduce_min3A_79 : vector<16xf32>, vector<16xi1> -> vector<16xf32>
      %reduce_min3A_81 = vector.extract %reduce_min3A_80[15] : f32 from vector<16xf32>
      %select_n3A_82 = arith.select %ge3A_75, %reduce_min3A_69, %reduce_min3A_81 : f32
      %reduce_max3A = arith.constant true
      %reduce_max3A_83 = vector.broadcast %reduce_max3A : i1 to vector<16xi1>
      %reduce_max3A_84 = tpu.scan <max>, %scan3A_59#3 masked %reduce_max3A_83 : vector<16xf32>, vector<16xi1> -> vector<16xf32>
      %reduce_max3A_85 = vector.extract %reduce_max3A_84[15] : f32 from vector<16xf32>
      %eq3A_86 = vector.broadcast %reduce_max3A_85 : f32 to vector<16xf32>
      %eq3A_87 = arith.cmpf oeq, %scan3A_59#3, %eq3A_86 : vector<16xf32>
      %convert_element_type3A_88 = arith.extui %eq3A_87 : vector<16xi1> to vector<16xi32>
      %reduce_sum3A_89 = arith.constant true
      %reduce_sum3A_90 = vector.broadcast %reduce_sum3A_89 : i1 to vector<16xi1>
      %reduce_sum3A_91 = tpu.scan <sum>, %convert_element_type3A_88 masked %reduce_sum3A_90 : vector<16xi32>, vector<16xi1> -> vector<16xi32>
      %reduce_sum3A_92 = vector.extract %reduce_sum3A_91[15] : i32 from vector<16xi32>
      %ge3A_93 = arith.constant 2 : i32
      %ge3A_94 = arith.cmpi sge, %reduce_sum3A_92, %ge3A_93 : i32
      %eq3A_95 = vector.broadcast %reduce_max3A_85 : f32 to vector<16xf32>
      %eq3A_96 = arith.cmpf oeq, %scan3A_59#3, %eq3A_95 : vector<16xf32>
      %select_n3A_97 = arith.select %eq3A_96, %scan3A_59#4, %scan3A_59#3 : vector<16xi1>, vector<16xf32>
      %reduce_max3A_98 = arith.constant true
      %reduce_max3A_99 = vector.broadcast %reduce_max3A_98 : i1 to vector<16xi1>
      %reduce_max3A_100 = tpu.scan <max>, %select_n3A_97 masked %reduce_max3A_99 : vector<16xf32>, vector<16xi1> -> vector<16xf32>
      %reduce_max3A_101 = vector.extract %reduce_max3A_100[15] : f32 from vector<16xf32>
      %select_n3A_102 = arith.select %ge3A_94, %reduce_max3A_85, %reduce_max3A_101 : f32
      %scan3A_103 = arith.constant 0 : i32
      %scan3A_104 = arith.constant 0 : i32
      %scan3A_105 = arith.constant 48 : i32
      %scan3A_106 = arith.addi %scan3A_104, %scan3A_105 : i32
      %scan3A_107 = arith.constant 4 : i32
      %scan3A_108 = scf.for %scan3A_166 = %scan3A_104 to %scan3A_106 step %scan3A_107 iter_args(%scan3A_167 = %scan3A_103) -> (i32)  : i32 {
        %mul3A_168 = arith.constant 16 : i32
        %mul3A_169 = arith.muli %scan3A_166, %mul3A_168 : i32
        %get3A_170 = arith.index_cast %mul3A_169 : i32 to index
        %get3A_171 = tpu.vector_load %arg19[%get3A_170] {strides = array<i32>} : memref<2320xi32, #tpu.memory_space<vmem>>, vector<16xi32>,
        %broadcast_in_dim3A_172 = arith.constant true
        %broadcast_in_dim3A_173 = vector.broadcast %broadcast_in_dim3A_172 : i1 to vector<16xi1>
        %masked_cumsum3A_174 = tpu.scan <sum>, %get3A_171 masked %broadcast_in_dim3A_173 : vector<16xi32>, vector<16xi1> -> vector<16xi32>
        %sub3A_175 = arith.subi %masked_cumsum3A_174, %get3A_171 : vector<16xi32>
        %add3A_176 = vector.broadcast %scan3A_167 : i32 to vector<16xi32>
        %add3A_177 = arith.addi %sub3A_175, %add3A_176 : vector<16xi32>
        %mul3A_178 = arith.constant 16 : i32
        %mul3A_179 = arith.muli %scan3A_166, %mul3A_178 : i32
        %swap3A_180 = arith.index_cast %mul3A_179 : i32 to index
        %swap3A_181 = tpu.vector_load %arg19[%swap3A_180] {strides = array<i32>} : memref<2320xi32, #tpu.memory_space<vmem>>, vector<16xi32>,
        tpu.vector_store %arg19[%swap3A_180], %add3A_177 {strides = array<i32>} : memref<2320xi32, #tpu.memory_space<vmem>>, vector<16xi32>,
        %reduce_sum3A_182 = arith.constant true
        %reduce_sum3A_183 = vector.broadcast %reduce_sum3A_182 : i1 to vector<16xi1>
        %reduce_sum3A_184 = tpu.scan <sum>, %get3A_171 masked %reduce_sum3A_183 : vector<16xi32>, vector<16xi1> -> vector<16xi32>
        %reduce_sum3A_185 = vector.extract %reduce_sum3A_184[15] : i32 from vector<16xi32>
        %add3A_186 = arith.addi %scan3A_167, %reduce_sum3A_185 : i32
        %scan3A_187 = arith.constant 1 : i32
        %scan3A_188 = arith.addi %scan3A_166, %scan3A_187 : i32
        %mul3A_189 = arith.constant 16 : i32
        %mul3A_190 = arith.muli %scan3A_188, %mul3A_189 : i32
        %get3A_191 = arith.index_cast %mul3A_190 : i32 to index
        %get3A_192 = tpu.vector_load %arg19[%get3A_191] {strides = array<i32>} : memref<2320xi32, #tpu.memory_space<vmem>>, vector<16xi32>,
        %broadcast_in_dim3A_193 = arith.constant true
        %broadcast_in_dim3A_194 = vector.broadcast %broadcast_in_dim3A_193 : i1 to vector<16xi1>
        %masked_cumsum3A_195 = tpu.scan <sum>, %get3A_192 masked %broadcast_in_dim3A_194 : vector<16xi32>, vector<16xi1> -> vector<16xi32>
        %sub3A_196 = arith.subi %masked_cumsum3A_195, %get3A_192 : vector<16xi32>
        %add3A_197 = vector.broadcast %add3A_186 : i32 to vector<16xi32>
        %add3A_198 = arith.addi %sub3A_196, %add3A_197 : vector<16xi32>
        %mul3A_199 = arith.constant 16 : i32
        %mul3A_200 = arith.muli %scan3A_188, %mul3A_199 : i32
        %swap3A_201 = arith.index_cast %mul3A_200 : i32 to index
        %swap3A_202 = tpu.vector_load %arg19[%swap3A_201] {strides = array<i32>} : memref<2320xi32, #tpu.memory_space<vmem>>, vector<16xi32>,
        tpu.vector_store %arg19[%swap3A_201], %add3A_198 {strides = array<i32>} : memref<2320xi32, #tpu.memory_space<vmem>>, vector<16xi32>,
        %reduce_sum3A_203 = arith.constant true
        %reduce_sum3A_204 = vector.broadcast %reduce_sum3A_203 : i1 to vector<16xi1>
        %reduce_sum3A_205 = tpu.scan <sum>, %get3A_192 masked %reduce_sum3A_204 : vector<16xi32>, vector<16xi1> -> vector<16xi32>
        %reduce_sum3A_206 = vector.extract %reduce_sum3A_205[15] : i32 from vector<16xi32>
        %add3A_207 = arith.addi %add3A_186, %reduce_sum3A_206 : i32
        %scan3A_208 = arith.constant 2 : i32
        %scan3A_209 = arith.addi %scan3A_166, %scan3A_208 : i32
        %mul3A_210 = arith.constant 16 : i32
        %mul3A_211 = arith.muli %scan3A_209, %mul3A_210 : i32
        %get3A_212 = arith.index_cast %mul3A_211 : i32 to index
        %get3A_213 = tpu.vector_load %arg19[%get3A_212] {strides = array<i32>} : memref<2320xi32, #tpu.memory_space<vmem>>, vector<16xi32>,
        %broadcast_in_dim3A_214 = arith.constant true
        %broadcast_in_dim3A_215 = vector.broadcast %broadcast_in_dim3A_214 : i1 to vector<16xi1>
        %masked_cumsum3A_216 = tpu.scan <sum>, %get3A_213 masked %broadcast_in_dim3A_215 : vector<16xi32>, vector<16xi1> -> vector<16xi32>
        %sub3A_217 = arith.subi %masked_cumsum3A_216, %get3A_213 : vector<16xi32>
        %add3A_218 = vector.broadcast %add3A_207 : i32 to vector<16xi32>
        %add3A_219 = arith.addi %sub3A_217, %add3A_218 : vector<16xi32>
        %mul3A_220 = arith.constant 16 : i32
        %mul3A_221 = arith.muli %scan3A_209, %mul3A_220 : i32
        %swap3A_222 = arith.index_cast %mul3A_221 : i32 to index
        %swap3A_223 = tpu.vector_load %arg19[%swap3A_222] {strides = array<i32>} : memref<2320xi32, #tpu.memory_space<vmem>>, vector<16xi32>,
        tpu.vector_store %arg19[%swap3A_222], %add3A_219 {strides = array<i32>} : memref<2320xi32, #tpu.memory_space<vmem>>, vector<16xi32>,
        %reduce_sum3A_224 = arith.constant true
        %reduce_sum3A_225 = vector.broadcast %reduce_sum3A_224 : i1 to vector<16xi1>
        %reduce_sum3A_226 = tpu.scan <sum>, %get3A_213 masked %reduce_sum3A_225 : vector<16xi32>, vector<16xi1> -> vector<16xi32>
        %reduce_sum3A_227 = vector.extract %reduce_sum3A_226[15] : i32 from vector<16xi32>
        %add3A_228 = arith.addi %add3A_207, %reduce_sum3A_227 : i32
        %scan3A_229 = arith.constant 3 : i32
        %scan3A_230 = arith.addi %scan3A_166, %scan3A_229 : i32
        %mul3A_231 = arith.constant 16 : i32
        %mul3A_232 = arith.muli %scan3A_230, %mul3A_231 : i32
        %get3A_233 = arith.index_cast %mul3A_232 : i32 to index
        %get3A_234 = tpu.vector_load %arg19[%get3A_233] {strides = array<i32>} : memref<2320xi32, #tpu.memory_space<vmem>>, vector<16xi32>,
        %broadcast_in_dim3A_235 = arith.constant true
        %broadcast_in_dim3A_236 = vector.broadcast %broadcast_in_dim3A_235 : i1 to vector<16xi1>
        %masked_cumsum3A_237 = tpu.scan <sum>, %get3A_234 masked %broadcast_in_dim3A_236 : vector<16xi32>, vector<16xi1> -> vector<16xi32>
        %sub3A_238 = arith.subi %masked_cumsum3A_237, %get3A_234 : vector<16xi32>
        %add3A_239 = vector.broadcast %add3A_228 : i32 to vector<16xi32>
        %add3A_240 = arith.addi %sub3A_238, %add3A_239 : vector<16xi32>
        %mul3A_241 = arith.constant 16 : i32
        %mul3A_242 = arith.muli %scan3A_230, %mul3A_241 : i32
        %swap3A_243 = arith.index_cast %mul3A_242 : i32 to index
        %swap3A_244 = tpu.vector_load %arg19[%swap3A_243] {strides = array<i32>} : memref<2320xi32, #tpu.memory_space<vmem>>, vector<16xi32>,
        tpu.vector_store %arg19[%swap3A_243], %add3A_240 {strides = array<i32>} : memref<2320xi32, #tpu.memory_space<vmem>>, vector<16xi32>,
        %reduce_sum3A_245 = arith.constant true
        %reduce_sum3A_246 = vector.broadcast %reduce_sum3A_245 : i1 to vector<16xi1>
        %reduce_sum3A_247 = tpu.scan <sum>, %get3A_234 masked %reduce_sum3A_246 : vector<16xi32>, vector<16xi1> -> vector<16xi32>
        %reduce_sum3A_248 = vector.extract %reduce_sum3A_247[15] : i32 from vector<16xi32>
        %add3A_249 = arith.addi %add3A_228, %reduce_sum3A_248 : i32
        scf.yield %add3A_249 : i32
      }
      %scan3A_109 = arith.constant 48 : i32
      %scan3A_110 = arith.addi %scan3A_104, %scan3A_109 : i32
      %mul3A_111 = arith.constant 16 : i32
      %mul3A_112 = arith.muli %scan3A_110, %mul3A_111 : i32
      %get3A = arith.index_cast %mul3A_112 : i32 to index
      %get3A_113 = tpu.vector_load %arg19[%get3A] {strides = array<i32>} : memref<2320xi32, #tpu.memory_space<vmem>>, vector<16xi32>,
      %broadcast_in_dim3A_114 = arith.constant true
      %broadcast_in_dim3A_115 = vector.broadcast %broadcast_in_dim3A_114 : i1 to vector<16xi1>
      %masked_cumsum3A = tpu.scan <sum>, %get3A_113 masked %broadcast_in_dim3A_115 : vector<16xi32>, vector<16xi1> -> vector<16xi32>
      %sub3A_116 = arith.subi %masked_cumsum3A, %get3A_113 : vector<16xi32>
      %add3A_117 = vector.broadcast %scan3A_108 : i32 to vector<16xi32>
      %add3A_118 = arith.addi %sub3A_116, %add3A_117 : vector<16xi32>
      %mul3A_119 = arith.constant 16 : i32
      %mul3A_120 = arith.muli %scan3A_110, %mul3A_119 : i32
      %swap3A_121 = arith.index_cast %mul3A_120 : i32 to index
      %swap3A_122 = tpu.vector_load %arg19[%swap3A_121] {strides = array<i32>} : memref<2320xi32, #tpu.memory_space<vmem>>, vector<16xi32>,
      tpu.vector_store %arg19[%swap3A_121], %add3A_118 {strides = array<i32>} : memref<2320xi32, #tpu.memory_space<vmem>>, vector<16xi32>,
      %reduce_sum3A_123 = arith.constant true
      %reduce_sum3A_124 = vector.broadcast %reduce_sum3A_123 : i1 to vector<16xi1>
      %reduce_sum3A_125 = tpu.scan <sum>, %get3A_113 masked %reduce_sum3A_124 : vector<16xi32>, vector<16xi1> -> vector<16xi32>
      %reduce_sum3A_126 = vector.extract %reduce_sum3A_125[15] : i32 from vector<16xi32>
      %add3A_127 = arith.addi %scan3A_108, %reduce_sum3A_126 : i32
      %scan3A_128 = arith.constant 49 : i32
      %scan3A_129 = arith.constant 0 : i32
      %scan3A_130 = arith.constant 0 : i32
      %scan3A_131 = arith.constant 64 : i32
      %scan3A_132 = arith.addi %scan3A_130, %scan3A_131 : i32
      %scan3A_133 = arith.constant 4 : i32
      %scan3A_134 = scf.for %scan3A_166 = %scan3A_130 to %scan3A_132 step %scan3A_133 iter_args(%scan3A_167 = %scan3A_129) -> (i32)  : i32 {
        %mul3A_168 = arith.constant 16 : i32
        %mul3A_169 = arith.muli %scan3A_166, %mul3A_168 : i32
        %get3A_170 = arith.index_cast %mul3A_169 : i32 to index
        %get3A_171 = tpu.vector_load %arg16[%get3A_170] {strides = array<i32>} : memref<1024xi32, #tpu.memory_space<vmem>>, vector<16xi32>,
        %gather3A = tpu.vector_load_idx %arg19[%get3A_171] : memref<2320xi32, #tpu.memory_space<vmem>>[vector<16xi32>], vector<16xi32>,
        %broadcast_in_dim3A_172 = arith.constant true
        %broadcast_in_dim3A_173 = vector.broadcast %broadcast_in_dim3A_172 : i1 to vector<16xi1>
        %unique3A, %unique3A_174 = tpu.scan_count mask(%broadcast_in_dim3A_173 : vector<16xi1>) value(%get3A_171 : vector<16xi32>) : vector<16xi1>, vector<16xi32>
        %add3A_175 = arith.addi %gather3A, %unique3A_174 : vector<16xi32>
        %sub3A_176 = arith.constant 1 : i32
        %sub3A_177 = vector.broadcast %sub3A_176 : i32 to vector<16xi32>
        %sub3A_178 = arith.subi %add3A_175, %sub3A_177 : vector<16xi32>
        %get3A_179 = arith.index_cast %scan3A_11 : i32 to index
        %get3A_180 = arith.index_cast %mul3A_169 : i32 to index
        %get3A_181 = tpu.vector_load %arg12[%get3A_179, %get3A_180] {strides = array<i32>} : memref<64x1024xf32, #tpu.memory_space<vmem>>, vector<16xf32>,
        tpu.vector_store_idx %arg13[%sub3A_178], %get3A_181 : memref<1024xf32, #tpu.memory_space<vmem>>[vector<16xi32>], vector<16xf32>,
        %broadcast_in_dim3A_182 = arith.constant 1 : i32
        %broadcast_in_dim3A_183 = vector.broadcast %broadcast_in_dim3A_182 : i32 to vector<16xi32>
        tpu.vector_store_idx %arg19[%get3A_171], %broadcast_in_dim3A_183 {add = true} : memref<2320xi32, #tpu.memory_space<vmem>>[vector<16xi32>], vector<16xi32>,
        %scan3A_184 = arith.constant 0 : i32
        %scan3A_185 = arith.constant 1 : i32
        %scan3A_186 = arith.addi %scan3A_166, %scan3A_185 : i32
        %mul3A_187 = arith.constant 16 : i32
        %mul3A_188 = arith.muli %scan3A_186, %mul3A_187 : i32
        %get3A_189 = arith.index_cast %mul3A_188 : i32 to index
        %get3A_190 = tpu.vector_load %arg16[%get3A_189] {strides = array<i32>} : memref<1024xi32, #tpu.memory_space<vmem>>, vector<16xi32>,
        %gather3A_191 = tpu.vector_load_idx %arg19[%get3A_190] : memref<2320xi32, #tpu.memory_space<vmem>>[vector<16xi32>], vector<16xi32>,
        %broadcast_in_dim3A_192 = arith.constant true
        %broadcast_in_dim3A_193 = vector.broadcast %broadcast_in_dim3A_192 : i1 to vector<16xi1>
        %unique3A_194, %unique3A_195 = tpu.scan_count mask(%broadcast_in_dim3A_193 : vector<16xi1>) value(%get3A_190 : vector<16xi32>) : vector<16xi1>, vector<16xi32>
        %add3A_196 = arith.addi %gather3A_191, %unique3A_195 : vector<16xi32>
        %sub3A_197 = arith.constant 1 : i32
        %sub3A_198 = vector.broadcast %sub3A_197 : i32 to vector<16xi32>
        %sub3A_199 = arith.subi %add3A_196, %sub3A_198 : vector<16xi32>
        %get3A_200 = arith.index_cast %scan3A_11 : i32 to index
        %get3A_201 = arith.index_cast %mul3A_188 : i32 to index
        %get3A_202 = tpu.vector_load %arg12[%get3A_200, %get3A_201] {strides = array<i32>} : memref<64x1024xf32, #tpu.memory_space<vmem>>, vector<16xf32>,
        tpu.vector_store_idx %arg13[%sub3A_199], %get3A_202 : memref<1024xf32, #tpu.memory_space<vmem>>[vector<16xi32>], vector<16xf32>,
        %broadcast_in_dim3A_203 = arith.constant 1 : i32
        %broadcast_in_dim3A_204 = vector.broadcast %broadcast_in_dim3A_203 : i32 to vector<16xi32>
        tpu.vector_store_idx %arg19[%get3A_190], %broadcast_in_dim3A_204 {add = true} : memref<2320xi32, #tpu.memory_space<vmem>>[vector<16xi32>], vector<16xi32>,
        %scan3A_205 = arith.constant 0 : i32
        %scan3A_206 = arith.constant 2 : i32
        %scan3A_207 = arith.addi %scan3A_166, %scan3A_206 : i32
        %mul3A_208 = arith.constant 16 : i32
        %mul3A_209 = arith.muli %scan3A_207, %mul3A_208 : i32
        %get3A_210 = arith.index_cast %mul3A_209 : i32 to index
        %get3A_211 = tpu.vector_load %arg16[%get3A_210] {strides = array<i32>} : memref<1024xi32, #tpu.memory_space<vmem>>, vector<16xi32>,
        %gather3A_212 = tpu.vector_load_idx %arg19[%get3A_211] : memref<2320xi32, #tpu.memory_space<vmem>>[vector<16xi32>], vector<16xi32>,
        %broadcast_in_dim3A_213 = arith.constant true
        %broadcast_in_dim3A_214 = vector.broadcast %broadcast_in_dim3A_213 : i1 to vector<16xi1>
        %unique3A_215, %unique3A_216 = tpu.scan_count mask(%broadcast_in_dim3A_214 : vector<16xi1>) value(%get3A_211 : vector<16xi32>) : vector<16xi1>, vector<16xi32>
        %add3A_217 = arith.addi %gather3A_212, %unique3A_216 : vector<16xi32>
        %sub3A_218 = arith.constant 1 : i32
        %sub3A_219 = vector.broadcast %sub3A_218 : i32 to vector<16xi32>
        %sub3A_220 = arith.subi %add3A_217, %sub3A_219 : vector<16xi32>
        %get3A_221 = arith.index_cast %scan3A_11 : i32 to index
        %get3A_222 = arith.index_cast %mul3A_209 : i32 to index
        %get3A_223 = tpu.vector_load %arg12[%get3A_221, %get3A_222] {strides = array<i32>} : memref<64x1024xf32, #tpu.memory_space<vmem>>, vector<16xf32>,
        tpu.vector_store_idx %arg13[%sub3A_220], %get3A_223 : memref<1024xf32, #tpu.memory_space<vmem>>[vector<16xi32>], vector<16xf32>,
        %broadcast_in_dim3A_224 = arith.constant 1 : i32
        %broadcast_in_dim3A_225 = vector.broadcast %broadcast_in_dim3A_224 : i32 to vector<16xi32>
        tpu.vector_store_idx %arg19[%get3A_211], %broadcast_in_dim3A_225 {add = true} : memref<2320xi32, #tpu.memory_space<vmem>>[vector<16xi32>], vector<16xi32>,
        %scan3A_226 = arith.constant 0 : i32
        %scan3A_227 = arith.constant 3 : i32
        %scan3A_228 = arith.addi %scan3A_166, %scan3A_227 : i32
        %mul3A_229 = arith.constant 16 : i32
        %mul3A_230 = arith.muli %scan3A_228, %mul3A_229 : i32
        %get3A_231 = arith.index_cast %mul3A_230 : i32 to index
        %get3A_232 = tpu.vector_load %arg16[%get3A_231] {strides = array<i32>} : memref<1024xi32, #tpu.memory_space<vmem>>, vector<16xi32>,
        %gather3A_233 = tpu.vector_load_idx %arg19[%get3A_232] : memref<2320xi32, #tpu.memory_space<vmem>>[vector<16xi32>], vector<16xi32>,
        %broadcast_in_dim3A_234 = arith.constant true
        %broadcast_in_dim3A_235 = vector.broadcast %broadcast_in_dim3A_234 : i1 to vector<16xi1>
        %unique3A_236, %unique3A_237 = tpu.scan_count mask(%broadcast_in_dim3A_235 : vector<16xi1>) value(%get3A_232 : vector<16xi32>) : vector<16xi1>, vector<16xi32>
        %add3A_238 = arith.addi %gather3A_233, %unique3A_237 : vector<16xi32>
        %sub3A_239 = arith.constant 1 : i32
        %sub3A_240 = vector.broadcast %sub3A_239 : i32 to vector<16xi32>
        %sub3A_241 = arith.subi %add3A_238, %sub3A_240 : vector<16xi32>
        %get3A_242 = arith.index_cast %scan3A_11 : i32 to index
        %get3A_243 = arith.index_cast %mul3A_230 : i32 to index
        %get3A_244 = tpu.vector_load %arg12[%get3A_242, %get3A_243] {strides = array<i32>} : memref<64x1024xf32, #tpu.memory_space<vmem>>, vector<16xf32>,
        tpu.vector_store_idx %arg13[%sub3A_241], %get3A_244 : memref<1024xf32, #tpu.memory_space<vmem>>[vector<16xi32>], vector<16xf32>,
        %broadcast_in_dim3A_245 = arith.constant 1 : i32
        %broadcast_in_dim3A_246 = vector.broadcast %broadcast_in_dim3A_245 : i32 to vector<16xi32>
        tpu.vector_store_idx %arg19[%get3A_232], %broadcast_in_dim3A_246 {add = true} : memref<2320xi32, #tpu.memory_space<vmem>>[vector<16xi32>], vector<16xi32>,
        %scan3A_247 = arith.constant 0 : i32
        scf.yield %scan3A_247 : i32
      }
      %scan3A_135 = arith.constant 64 : i32
      %scan3A_136 = arith.constant -3.000000e+38 : f32
      %scan3A_137 = arith.constant 3.000000e+38 : f32
      %scan3A_138 = arith.constant 0 : i32
      %scan3A_139 = arith.constant 64 : i32
      %scan3A_140 = arith.addi %scan3A_138, %scan3A_139 : i32
      %scan3A_141 = arith.constant 4 : i32
      %scan3A_142:2 = scf.for %scan3A_166 = %scan3A_138 to %scan3A_140 step %scan3A_141 iter_args(%scan3A_167 = %scan3A_136, %scan3A_168 = %scan3A_137) -> (f32, f32)  : i32 {
        %mul3A_169 = arith.constant 16 : i32
        %mul3A_170 = arith.muli %scan3A_166, %mul3A_169 : i32
        %get3A_171 = arith.index_cast %mul3A_170 : i32 to index
        %get3A_172 = tpu.vector_load %arg13[%get3A_171] {strides = array<i32>} : memref<1024xf32, #tpu.memory_space<vmem>>, vector<16xf32>,
        %broadcast_in_dim3A_173 = arith.constant true
        %broadcast_in_dim3A_174 = vector.broadcast %broadcast_in_dim3A_173 : i1 to vector<16xi1>
        %masked_cummax3A = tpu.scan <max>, %get3A_172 masked %broadcast_in_dim3A_174 : vector<16xf32>, vector<16xi1> -> vector<16xf32>
        %max3A = vector.broadcast %scan3A_167 : f32 to vector<16xf32>
        %max3A_175 = arith.maximumf %masked_cummax3A, %max3A : vector<16xf32>
        %swap3A_176 = arith.index_cast %mul3A_170 : i32 to index
        %swap3A_177 = tpu.vector_load %arg14[%swap3A_176] {strides = array<i32>} : memref<1024xf32, #tpu.memory_space<vmem>>, vector<16xf32>,
        tpu.vector_store %arg14[%swap3A_176], %max3A_175 {strides = array<i32>} : memref<1024xf32, #tpu.memory_space<vmem>>, vector<16xf32>,
        %sub3A_178 = arith.constant 63 : i32
        %sub3A_179 = arith.subi %sub3A_178, %scan3A_166 : i32
        %mul3A_180 = arith.constant 16 : i32
        %mul3A_181 = arith.muli %sub3A_179, %mul3A_180 : i32
        %get3A_182 = arith.index_cast %mul3A_181 : i32 to index
        %get3A_183 = tpu.vector_load %arg13[%get3A_182] {strides = array<i32>} : memref<1024xf32, #tpu.memory_space<vmem>>, vector<16xf32>,
        %rev3A = arith.constant 15 : i32
        %rev3A_184 = vector.broadcast %rev3A : i32 to vector<16xi32>
        %rev3A_185 = tpu.iota {dimensions = array<i32: 0>} : vector<16xi32>
        %rev3A_186 = arith.subi %rev3A_184, %rev3A_185 : vector<16xi32>
        %rev3A_187 = tpu.dynamic_gather %get3A_183[%rev3A_186] in [0] : vector<16xf32>, vector<16xi32> -> vector<16xf32>
        %neg3A = arith.constant 0.000000e+00 : f32
        %neg3A_188 = vector.broadcast %neg3A : f32 to vector<16xf32>
        %neg3A_189 = arith.subf %neg3A_188, %rev3A_187 : vector<16xf32>
        %broadcast_in_dim3A_190 = arith.constant true
        %broadcast_in_dim3A_191 = vector.broadcast %broadcast_in_dim3A_190 : i1 to vector<16xi1>
        %masked_cummax3A_192 = tpu.scan <max>, %neg3A_189 masked %broadcast_in_dim3A_191 : vector<16xf32>, vector<16xi1> -> vector<16xf32>
        %neg3A_193 = arith.constant 0.000000e+00 : f32
        %neg3A_194 = vector.broadcast %neg3A_193 : f32 to vector<16xf32>
        %neg3A_195 = arith.subf %neg3A_194, %masked_cummax3A_192 : vector<16xf32>
        %rev3A_196 = arith.constant 15 : i32
        %rev3A_197 = vector.broadcast %rev3A_196 : i32 to vector<16xi32>
        %rev3A_198 = tpu.iota {dimensions = array<i32: 0>} : vector<16xi32>
        %rev3A_199 = arith.subi %rev3A_197, %rev3A_198 : vector<16xi32>
        %rev3A_200 = tpu.dynamic_gather %neg3A_195[%rev3A_199] in [0] : vector<16xf32>, vector<16xi32> -> vector<16xf32>
        %min3A = vector.broadcast %scan3A_168 : f32 to vector<16xf32>
        %min3A_201 = arith.minimumf %rev3A_200, %min3A : vector<16xf32>
        %swap3A_202 = arith.index_cast %mul3A_181 : i32 to index
        %swap3A_203 = tpu.vector_load %arg15[%swap3A_202] {strides = array<i32>} : memref<1024xf32, #tpu.memory_space<vmem>>, vector<16xf32>,
        tpu.vector_store %arg15[%swap3A_202], %min3A_201 {strides = array<i32>} : memref<1024xf32, #tpu.memory_space<vmem>>, vector<16xf32>,
        %reduce_max3A_204 = arith.constant true
        %reduce_max3A_205 = vector.broadcast %reduce_max3A_204 : i1 to vector<16xi1>
        %reduce_max3A_206 = tpu.scan <max>, %get3A_172 masked %reduce_max3A_205 : vector<16xf32>, vector<16xi1> -> vector<16xf32>
        %reduce_max3A_207 = vector.extract %reduce_max3A_206[15] : f32 from vector<16xf32>
        %max3A_208 = arith.maximumf %scan3A_167, %reduce_max3A_207 : f32
        %reduce_min3A_209 = arith.constant true
        %reduce_min3A_210 = vector.broadcast %reduce_min3A_209 : i1 to vector<16xi1>
        %reduce_min3A_211 = tpu.scan <min>, %get3A_183 masked %reduce_min3A_210 : vector<16xf32>, vector<16xi1> -> vector<16xf32>
        %reduce_min3A_212 = vector.extract %reduce_min3A_211[15] : f32 from vector<16xf32>
        %min3A_213 = arith.minimumf %scan3A_168, %reduce_min3A_212 : f32
        %scan3A_214 = arith.constant 1 : i32
        %scan3A_215 = arith.addi %scan3A_166, %scan3A_214 : i32
        %mul3A_216 = arith.constant 16 : i32
        %mul3A_217 = arith.muli %scan3A_215, %mul3A_216 : i32
        %get3A_218 = arith.index_cast %mul3A_217 : i32 to index
        %get3A_219 = tpu.vector_load %arg13[%get3A_218] {strides = array<i32>} : memref<1024xf32, #tpu.memory_space<vmem>>, vector<16xf32>,
        %broadcast_in_dim3A_220 = arith.constant true
        %broadcast_in_dim3A_221 = vector.broadcast %broadcast_in_dim3A_220 : i1 to vector<16xi1>
        %masked_cummax3A_222 = tpu.scan <max>, %get3A_219 masked %broadcast_in_dim3A_221 : vector<16xf32>, vector<16xi1> -> vector<16xf32>
        %max3A_223 = vector.broadcast %max3A_208 : f32 to vector<16xf32>
        %max3A_224 = arith.maximumf %masked_cummax3A_222, %max3A_223 : vector<16xf32>
        %swap3A_225 = arith.index_cast %mul3A_217 : i32 to index
        %swap3A_226 = tpu.vector_load %arg14[%swap3A_225] {strides = array<i32>} : memref<1024xf32, #tpu.memory_space<vmem>>, vector<16xf32>,
        tpu.vector_store %arg14[%swap3A_225], %max3A_224 {strides = array<i32>} : memref<1024xf32, #tpu.memory_space<vmem>>, vector<16xf32>,
        %sub3A_227 = arith.constant 63 : i32
        %sub3A_228 = arith.subi %sub3A_227, %scan3A_215 : i32
        %mul3A_229 = arith.constant 16 : i32
        %mul3A_230 = arith.muli %sub3A_228, %mul3A_229 : i32
        %get3A_231 = arith.index_cast %mul3A_230 : i32 to index
        %get3A_232 = tpu.vector_load %arg13[%get3A_231] {strides = array<i32>} : memref<1024xf32, #tpu.memory_space<vmem>>, vector<16xf32>,
        %rev3A_233 = arith.constant 15 : i32
        %rev3A_234 = vector.broadcast %rev3A_233 : i32 to vector<16xi32>
        %rev3A_235 = tpu.iota {dimensions = array<i32: 0>} : vector<16xi32>
        %rev3A_236 = arith.subi %rev3A_234, %rev3A_235 : vector<16xi32>
        %rev3A_237 = tpu.dynamic_gather %get3A_232[%rev3A_236] in [0] : vector<16xf32>, vector<16xi32> -> vector<16xf32>
        %neg3A_238 = arith.constant 0.000000e+00 : f32
        %neg3A_239 = vector.broadcast %neg3A_238 : f32 to vector<16xf32>
        %neg3A_240 = arith.subf %neg3A_239, %rev3A_237 : vector<16xf32>
        %broadcast_in_dim3A_241 = arith.constant true
        %broadcast_in_dim3A_242 = vector.broadcast %broadcast_in_dim3A_241 : i1 to vector<16xi1>
        %masked_cummax3A_243 = tpu.scan <max>, %neg3A_240 masked %broadcast_in_dim3A_242 : vector<16xf32>, vector<16xi1> -> vector<16xf32>
        %neg3A_244 = arith.constant 0.000000e+00 : f32
        %neg3A_245 = vector.broadcast %neg3A_244 : f32 to vector<16xf32>
        %neg3A_246 = arith.subf %neg3A_245, %masked_cummax3A_243 : vector<16xf32>
        %rev3A_247 = arith.constant 15 : i32
        %rev3A_248 = vector.broadcast %rev3A_247 : i32 to vector<16xi32>
        %rev3A_249 = tpu.iota {dimensions = array<i32: 0>} : vector<16xi32>
        %rev3A_250 = arith.subi %rev3A_248, %rev3A_249 : vector<16xi32>
        %rev3A_251 = tpu.dynamic_gather %neg3A_246[%rev3A_250] in [0] : vector<16xf32>, vector<16xi32> -> vector<16xf32>
        %min3A_252 = vector.broadcast %min3A_213 : f32 to vector<16xf32>
        %min3A_253 = arith.minimumf %rev3A_251, %min3A_252 : vector<16xf32>
        %swap3A_254 = arith.index_cast %mul3A_230 : i32 to index
        %swap3A_255 = tpu.vector_load %arg15[%swap3A_254] {strides = array<i32>} : memref<1024xf32, #tpu.memory_space<vmem>>, vector<16xf32>,
        tpu.vector_store %arg15[%swap3A_254], %min3A_253 {strides = array<i32>} : memref<1024xf32, #tpu.memory_space<vmem>>, vector<16xf32>,
        %reduce_max3A_256 = arith.constant true
        %reduce_max3A_257 = vector.broadcast %reduce_max3A_256 : i1 to vector<16xi1>
        %reduce_max3A_258 = tpu.scan <max>, %get3A_219 masked %reduce_max3A_257 : vector<16xf32>, vector<16xi1> -> vector<16xf32>
        %reduce_max3A_259 = vector.extract %reduce_max3A_258[15] : f32 from vector<16xf32>
        %max3A_260 = arith.maximumf %max3A_208, %reduce_max3A_259 : f32
        %reduce_min3A_261 = arith.constant true
        %reduce_min3A_262 = vector.broadcast %reduce_min3A_261 : i1 to vector<16xi1>
        %reduce_min3A_263 = tpu.scan <min>, %get3A_232 masked %reduce_min3A_262 : vector<16xf32>, vector<16xi1> -> vector<16xf32>
        %reduce_min3A_264 = vector.extract %reduce_min3A_263[15] : f32 from vector<16xf32>
        %min3A_265 = arith.minimumf %min3A_213, %reduce_min3A_264 : f32
        %scan3A_266 = arith.constant 2 : i32
        %scan3A_267 = arith.addi %scan3A_166, %scan3A_266 : i32
        %mul3A_268 = arith.constant 16 : i32
        %mul3A_269 = arith.muli %scan3A_267, %mul3A_268 : i32
        %get3A_270 = arith.index_cast %mul3A_269 : i32 to index
        %get3A_271 = tpu.vector_load %arg13[%get3A_270] {strides = array<i32>} : memref<1024xf32, #tpu.memory_space<vmem>>, vector<16xf32>,
        %broadcast_in_dim3A_272 = arith.constant true
        %broadcast_in_dim3A_273 = vector.broadcast %broadcast_in_dim3A_272 : i1 to vector<16xi1>
        %masked_cummax3A_274 = tpu.scan <max>, %get3A_271 masked %broadcast_in_dim3A_273 : vector<16xf32>, vector<16xi1> -> vector<16xf32>
        %max3A_275 = vector.broadcast %max3A_260 : f32 to vector<16xf32>
        %max3A_276 = arith.maximumf %masked_cummax3A_274, %max3A_275 : vector<16xf32>
        %swap3A_277 = arith.index_cast %mul3A_269 : i32 to index
        %swap3A_278 = tpu.vector_load %arg14[%swap3A_277] {strides = array<i32>} : memref<1024xf32, #tpu.memory_space<vmem>>, vector<16xf32>,
        tpu.vector_store %arg14[%swap3A_277], %max3A_276 {strides = array<i32>} : memref<1024xf32, #tpu.memory_space<vmem>>, vector<16xf32>,
        %sub3A_279 = arith.constant 63 : i32
        %sub3A_280 = arith.subi %sub3A_279, %scan3A_267 : i32
        %mul3A_281 = arith.constant 16 : i32
        %mul3A_282 = arith.muli %sub3A_280, %mul3A_281 : i32
        %get3A_283 = arith.index_cast %mul3A_282 : i32 to index
        %get3A_284 = tpu.vector_load %arg13[%get3A_283] {strides = array<i32>} : memref<1024xf32, #tpu.memory_space<vmem>>, vector<16xf32>,
        %rev3A_285 = arith.constant 15 : i32
        %rev3A_286 = vector.broadcast %rev3A_285 : i32 to vector<16xi32>
        %rev3A_287 = tpu.iota {dimensions = array<i32: 0>} : vector<16xi32>
        %rev3A_288 = arith.subi %rev3A_286, %rev3A_287 : vector<16xi32>
        %rev3A_289 = tpu.dynamic_gather %get3A_284[%rev3A_288] in [0] : vector<16xf32>, vector<16xi32> -> vector<16xf32>
        %neg3A_290 = arith.constant 0.000000e+00 : f32
        %neg3A_291 = vector.broadcast %neg3A_290 : f32 to vector<16xf32>
        %neg3A_292 = arith.subf %neg3A_291, %rev3A_289 : vector<16xf32>
        %broadcast_in_dim3A_293 = arith.constant true
        %broadcast_in_dim3A_294 = vector.broadcast %broadcast_in_dim3A_293 : i1 to vector<16xi1>
        %masked_cummax3A_295 = tpu.scan <max>, %neg3A_292 masked %broadcast_in_dim3A_294 : vector<16xf32>, vector<16xi1> -> vector<16xf32>
        %neg3A_296 = arith.constant 0.000000e+00 : f32
        %neg3A_297 = vector.broadcast %neg3A_296 : f32 to vector<16xf32>
        %neg3A_298 = arith.subf %neg3A_297, %masked_cummax3A_295 : vector<16xf32>
        %rev3A_299 = arith.constant 15 : i32
        %rev3A_300 = vector.broadcast %rev3A_299 : i32 to vector<16xi32>
        %rev3A_301 = tpu.iota {dimensions = array<i32: 0>} : vector<16xi32>
        %rev3A_302 = arith.subi %rev3A_300, %rev3A_301 : vector<16xi32>
        %rev3A_303 = tpu.dynamic_gather %neg3A_298[%rev3A_302] in [0] : vector<16xf32>, vector<16xi32> -> vector<16xf32>
        %min3A_304 = vector.broadcast %min3A_265 : f32 to vector<16xf32>
        %min3A_305 = arith.minimumf %rev3A_303, %min3A_304 : vector<16xf32>
        %swap3A_306 = arith.index_cast %mul3A_282 : i32 to index
        %swap3A_307 = tpu.vector_load %arg15[%swap3A_306] {strides = array<i32>} : memref<1024xf32, #tpu.memory_space<vmem>>, vector<16xf32>,
        tpu.vector_store %arg15[%swap3A_306], %min3A_305 {strides = array<i32>} : memref<1024xf32, #tpu.memory_space<vmem>>, vector<16xf32>,
        %reduce_max3A_308 = arith.constant true
        %reduce_max3A_309 = vector.broadcast %reduce_max3A_308 : i1 to vector<16xi1>
        %reduce_max3A_310 = tpu.scan <max>, %get3A_271 masked %reduce_max3A_309 : vector<16xf32>, vector<16xi1> -> vector<16xf32>
        %reduce_max3A_311 = vector.extract %reduce_max3A_310[15] : f32 from vector<16xf32>
        %max3A_312 = arith.maximumf %max3A_260, %reduce_max3A_311 : f32
        %reduce_min3A_313 = arith.constant true
        %reduce_min3A_314 = vector.broadcast %reduce_min3A_313 : i1 to vector<16xi1>
        %reduce_min3A_315 = tpu.scan <min>, %get3A_284 masked %reduce_min3A_314 : vector<16xf32>, vector<16xi1> -> vector<16xf32>
        %reduce_min3A_316 = vector.extract %reduce_min3A_315[15] : f32 from vector<16xf32>
        %min3A_317 = arith.minimumf %min3A_265, %reduce_min3A_316 : f32
        %scan3A_318 = arith.constant 3 : i32
        %scan3A_319 = arith.addi %scan3A_166, %scan3A_318 : i32
        %mul3A_320 = arith.constant 16 : i32
        %mul3A_321 = arith.muli %scan3A_319, %mul3A_320 : i32
        %get3A_322 = arith.index_cast %mul3A_321 : i32 to index
        %get3A_323 = tpu.vector_load %arg13[%get3A_322] {strides = array<i32>} : memref<1024xf32, #tpu.memory_space<vmem>>, vector<16xf32>,
        %broadcast_in_dim3A_324 = arith.constant true
        %broadcast_in_dim3A_325 = vector.broadcast %broadcast_in_dim3A_324 : i1 to vector<16xi1>
        %masked_cummax3A_326 = tpu.scan <max>, %get3A_323 masked %broadcast_in_dim3A_325 : vector<16xf32>, vector<16xi1> -> vector<16xf32>
        %max3A_327 = vector.broadcast %max3A_312 : f32 to vector<16xf32>
        %max3A_328 = arith.maximumf %masked_cummax3A_326, %max3A_327 : vector<16xf32>
        %swap3A_329 = arith.index_cast %mul3A_321 : i32 to index
        %swap3A_330 = tpu.vector_load %arg14[%swap3A_329] {strides = array<i32>} : memref<1024xf32, #tpu.memory_space<vmem>>, vector<16xf32>,
        tpu.vector_store %arg14[%swap3A_329], %max3A_328 {strides = array<i32>} : memref<1024xf32, #tpu.memory_space<vmem>>, vector<16xf32>,
        %sub3A_331 = arith.constant 63 : i32
        %sub3A_332 = arith.subi %sub3A_331, %scan3A_319 : i32
        %mul3A_333 = arith.constant 16 : i32
        %mul3A_334 = arith.muli %sub3A_332, %mul3A_333 : i32
        %get3A_335 = arith.index_cast %mul3A_334 : i32 to index
        %get3A_336 = tpu.vector_load %arg13[%get3A_335] {strides = array<i32>} : memref<1024xf32, #tpu.memory_space<vmem>>, vector<16xf32>,
        %rev3A_337 = arith.constant 15 : i32
        %rev3A_338 = vector.broadcast %rev3A_337 : i32 to vector<16xi32>
        %rev3A_339 = tpu.iota {dimensions = array<i32: 0>} : vector<16xi32>
        %rev3A_340 = arith.subi %rev3A_338, %rev3A_339 : vector<16xi32>
        %rev3A_341 = tpu.dynamic_gather %get3A_336[%rev3A_340] in [0] : vector<16xf32>, vector<16xi32> -> vector<16xf32>
        %neg3A_342 = arith.constant 0.000000e+00 : f32
        %neg3A_343 = vector.broadcast %neg3A_342 : f32 to vector<16xf32>
        %neg3A_344 = arith.subf %neg3A_343, %rev3A_341 : vector<16xf32>
        %broadcast_in_dim3A_345 = arith.constant true
        %broadcast_in_dim3A_346 = vector.broadcast %broadcast_in_dim3A_345 : i1 to vector<16xi1>
        %masked_cummax3A_347 = tpu.scan <max>, %neg3A_344 masked %broadcast_in_dim3A_346 : vector<16xf32>, vector<16xi1> -> vector<16xf32>
        %neg3A_348 = arith.constant 0.000000e+00 : f32
        %neg3A_349 = vector.broadcast %neg3A_348 : f32 to vector<16xf32>
        %neg3A_350 = arith.subf %neg3A_349, %masked_cummax3A_347 : vector<16xf32>
        %rev3A_351 = arith.constant 15 : i32
        %rev3A_352 = vector.broadcast %rev3A_351 : i32 to vector<16xi32>
        %rev3A_353 = tpu.iota {dimensions = array<i32: 0>} : vector<16xi32>
        %rev3A_354 = arith.subi %rev3A_352, %rev3A_353 : vector<16xi32>
        %rev3A_355 = tpu.dynamic_gather %neg3A_350[%rev3A_354] in [0] : vector<16xf32>, vector<16xi32> -> vector<16xf32>
        %min3A_356 = vector.broadcast %min3A_317 : f32 to vector<16xf32>
        %min3A_357 = arith.minimumf %rev3A_355, %min3A_356 : vector<16xf32>
        %swap3A_358 = arith.index_cast %mul3A_334 : i32 to index
        %swap3A_359 = tpu.vector_load %arg15[%swap3A_358] {strides = array<i32>} : memref<1024xf32, #tpu.memory_space<vmem>>, vector<16xf32>,
        tpu.vector_store %arg15[%swap3A_358], %min3A_357 {strides = array<i32>} : memref<1024xf32, #tpu.memory_space<vmem>>, vector<16xf32>,
        %reduce_max3A_360 = arith.constant true
        %reduce_max3A_361 = vector.broadcast %reduce_max3A_360 : i1 to vector<16xi1>
        %reduce_max3A_362 = tpu.scan <max>, %get3A_323 masked %reduce_max3A_361 : vector<16xf32>, vector<16xi1> -> vector<16xf32>
        %reduce_max3A_363 = vector.extract %reduce_max3A_362[15] : f32 from vector<16xf32>
        %max3A_364 = arith.maximumf %max3A_312, %reduce_max3A_363 : f32
        %reduce_min3A_365 = arith.constant true
        %reduce_min3A_366 = vector.broadcast %reduce_min3A_365 : i1 to vector<16xi1>
        %reduce_min3A_367 = tpu.scan <min>, %get3A_336 masked %reduce_min3A_366 : vector<16xf32>, vector<16xi1> -> vector<16xf32>
        %reduce_min3A_368 = vector.extract %reduce_min3A_367[15] : f32 from vector<16xf32>
        %min3A_369 = arith.minimumf %min3A_317, %reduce_min3A_368 : f32
        scf.yield %max3A_364, %min3A_369 : f32, f32
      }
      %scan3A_143 = arith.constant 64 : i32
      %scan3A_144 = arith.constant 0 : i32
      %scan3A_145 = arith.constant 0 : i32
      %scan3A_146 = arith.constant 48 : i32
      %scan3A_147 = arith.addi %scan3A_145, %scan3A_146 : i32
      %scan3A_148 = arith.constant 8 : i32
      %scan3A_149 = scf.for %scan3A_166 = %scan3A_145 to %scan3A_147 step %scan3A_148 iter_args(%scan3A_167 = %scan3A_144) -> (i32)  : i32 {
        %mul3A_168 = arith.constant 16 : i32
        %mul3A_169 = arith.muli %scan3A_166, %mul3A_168 : i32
        %get3A_170 = arith.index_cast %mul3A_169 : i32 to index
        %get3A_171 = tpu.vector_load %arg19[%get3A_170] {strides = array<i32>} : memref<2320xi32, #tpu.memory_space<vmem>>, vector<16xi32>,
        %eq3A_172 = arith.constant 0 : i32
        %eq3A_173 = vector.broadcast %eq3A_172 : i32 to vector<16xi32>
        %eq3A_174 = arith.cmpi eq, %get3A_171, %eq3A_173 : vector<16xi32>
        %eq3A_175 = arith.constant 1024 : i32
        %eq3A_176 = vector.broadcast %eq3A_175 : i32 to vector<16xi32>
        %eq3A_177 = arith.cmpi eq, %get3A_171, %eq3A_176 : vector<16xi32>
        %sub3A_178 = arith.constant 1 : i32
        %sub3A_179 = vector.broadcast %sub3A_178 : i32 to vector<16xi32>
        %sub3A_180 = arith.subi %get3A_171, %sub3A_179 : vector<16xi32>
        %jit3A = arith.constant 0 : i32
        %jit3A_181 = arith.constant 1023 : i32
        %max3A = vector.broadcast %jit3A : i32 to vector<16xi32>
        %max3A_182 = arith.maxsi %max3A, %sub3A_180 : vector<16xi32>
        %min3A = vector.broadcast %jit3A_181 : i32 to vector<16xi32>
        %min3A_183 = arith.minsi %min3A, %max3A_182 : vector<16xi32>
        %gather3A = tpu.vector_load_idx %arg14[%min3A_183] : memref<1024xf32, #tpu.memory_space<vmem>>[vector<16xi32>], vector<16xf32>,
        %jit3A_184 = arith.constant 0 : i32
        %jit3A_185 = arith.constant 1023 : i32
        %max3A_186 = vector.broadcast %jit3A_184 : i32 to vector<16xi32>
        %max3A_187 = arith.maxsi %max3A_186, %get3A_171 : vector<16xi32>
        %min3A_188 = vector.broadcast %jit3A_185 : i32 to vector<16xi32>
        %min3A_189 = arith.minsi %min3A_188, %max3A_187 : vector<16xi32>
        %gather3A_190 = tpu.vector_load_idx %arg15[%min3A_189] : memref<1024xf32, #tpu.memory_space<vmem>>[vector<16xi32>], vector<16xf32>,
        %broadcast_in_dim3A_191 = vector.broadcast %select_n3A_102 : f32 to vector<16xf32>
        %select_n3A_192 = arith.select %eq3A_177, %broadcast_in_dim3A_191, %gather3A : vector<16xi1>, vector<16xf32>
        %broadcast_in_dim3A_193 = vector.broadcast %reduce_min3A_69 : f32 to vector<16xf32>
        %select_n3A_194 = arith.select %eq3A_174, %broadcast_in_dim3A_193, %select_n3A_192 : vector<16xi1>, vector<16xf32>
        %broadcast_in_dim3A_195 = vector.broadcast %reduce_max3A_85 : f32 to vector<16xf32>
        %select_n3A_196 = arith.select %eq3A_177, %broadcast_in_dim3A_195, %gather3A_190 : vector<16xi1>, vector<16xf32>
        %broadcast_in_dim3A_197 = vector.broadcast %select_n3A_82 : f32 to vector<16xf32>
        %select_n3A_198 = arith.select %eq3A_174, %broadcast_in_dim3A_197, %select_n3A_196 : vector<16xi1>, vector<16xf32>
        %jit3A_199 = arith.constant 1 : i32
        %jit3A_200 = arith.constant 1023 : i32
        %max3A_201 = vector.broadcast %jit3A_199 : i32 to vector<16xi32>
        %max3A_202 = arith.maxsi %max3A_201, %get3A_171 : vector<16xi32>
        %min3A_203 = vector.broadcast %jit3A_200 : i32 to vector<16xi32>
        %min3A_204 = arith.minsi %min3A_203, %max3A_202 : vector<16xi32>
        %convert_element_type3A_205 = arith.sitofp %min3A_204 : vector<16xi32> to vector<16xf32>
        %mul3A_206 = arith.constant 9.765625E-4 : f32
        %mul3A_207 = vector.broadcast %mul3A_206 : f32 to vector<16xf32>
        %mul3A_208 = arith.mulf %convert_element_type3A_205, %mul3A_207 : vector<16xf32>
        %get3A_209 = arith.index_cast %mul3A_169 : i32 to index
        %get3A_210 = tpu.vector_load %arg8[%get3A_209] {strides = array<i32>} : memref<768xf32, #tpu.memory_space<vmem>>, vector<16xf32>,
        %get3A_211 = arith.index_cast %mul3A_169 : i32 to index
        %get3A_212 = tpu.vector_load %arg9[%get3A_211] {strides = array<i32>} : memref<768xf32, #tpu.memory_space<vmem>>, vector<16xf32>,
        %add3A_213 = arith.addf %get3A_212, %mul3A_208 : vector<16xf32>
        %sub3A_214 = arith.subf %get3A_210, %select_n3A_194 : vector<16xf32>
        %mul3A_215 = arith.constant 9.765625E-4 : f32
        %mul3A_216 = vector.broadcast %mul3A_215 : f32 to vector<16xf32>
        %mul3A_217 = arith.mulf %mul3A_216, %sub3A_214 : vector<16xf32>
        %sub3A_218 = arith.subf %select_n3A_198, %select_n3A_194 : vector<16xf32>
        %div3A = arith.divf %mul3A_217, %sub3A_218 : vector<16xf32>
        %add3A_219 = arith.addf %add3A_213, %div3A : vector<16xf32>
        %get3A_220 = arith.index_cast %mul3A_169 : i32 to index
        %get3A_221 = tpu.vector_load %arg11[%get3A_220] {strides = array<i32>} : memref<768xi32, #tpu.memory_space<vmem>>, vector<16xi32>,
        tpu.vector_store_idx %arg17[%get3A_221], %add3A_219 : memref<768xf32, #tpu.memory_space<vmem>>[vector<16xi32>], vector<16xf32>,
        %add3A_222 = vector.broadcast %sub3A_66 : f32 to vector<16xf32>
        %add3A_223 = arith.addf %add3A_219, %add3A_222 : vector<16xf32>
        %mul3A_224 = arith.constant 2.560000e+02 : f32
        %mul3A_225 = vector.broadcast %mul3A_224 : f32 to vector<16xf32>
        %mul3A_226 = arith.mulf %add3A_223, %mul3A_225 : vector<16xf32>
        %add3A_227 = arith.constant 1.638400e+04 : f32
        %add3A_228 = vector.broadcast %add3A_227 : f32 to vector<16xf32>
        %add3A_229 = arith.addf %mul3A_226, %add3A_228 : vector<16xf32>
        %convert_element_type3A_230 = arith.fptosi %add3A_229 : vector<16xf32> to vector<16xi32>
        %sub3A_231 = arith.constant 16384 : i32
        %sub3A_232 = vector.broadcast %sub3A_231 : i32 to vector<16xi32>
        %sub3A_233 = arith.subi %convert_element_type3A_230, %sub3A_232 : vector<16xi32>
        %add3A_234 = arith.constant 1 : i32
        %add3A_235 = vector.broadcast %add3A_234 : i32 to vector<16xi32>
        %add3A_236 = arith.addi %sub3A_233, %add3A_235 : vector<16xi32>
        %jit3A_237 = arith.constant 0 : i32
        %jit3A_238 = arith.constant 256 : i32
        %max3A_239 = vector.broadcast %jit3A_237 : i32 to vector<16xi32>
        %max3A_240 = arith.maxsi %max3A_239, %add3A_236 : vector<16xi32>
        %min3A_241 = vector.broadcast %jit3A_238 : i32 to vector<16xi32>
        %min3A_242 = arith.minsi %min3A_241, %max3A_240 : vector<16xi32>
        %sub3A_243 = arith.constant 1 : i32
        %sub3A_244 = vector.broadcast %sub3A_243 : i32 to vector<16xi32>
        %sub3A_245 = arith.subi %min3A_242, %sub3A_244 : vector<16xi32>
        %jit3A_246 = arith.constant 0 : i32
        %jit3A_247 = arith.constant 255 : i32
        %max3A_248 = vector.broadcast %jit3A_246 : i32 to vector<16xi32>
        %max3A_249 = arith.maxsi %max3A_248, %sub3A_245 : vector<16xi32>
        %min3A_250 = vector.broadcast %jit3A_247 : i32 to vector<16xi32>
        %min3A_251 = arith.minsi %min3A_250, %max3A_249 : vector<16xi32>
        %gather3A_252 = tpu.vector_load_idx %arg10[%min3A_251] : memref<256xf32, #tpu.memory_space<vmem>>[vector<16xi32>], vector<16xf32>,
        %jit3A_253 = arith.constant 0 : i32
        %jit3A_254 = arith.constant 255 : i32
        %max3A_255 = vector.broadcast %jit3A_253 : i32 to vector<16xi32>
        %max3A_256 = arith.maxsi %max3A_255, %min3A_242 : vector<16xi32>
        %min3A_257 = vector.broadcast %jit3A_254 : i32 to vector<16xi32>
        %min3A_258 = arith.minsi %min3A_257, %max3A_256 : vector<16xi32>
        %gather3A_259 = tpu.vector_load_idx %arg10[%min3A_258] : memref<256xf32, #tpu.memory_space<vmem>>[vector<16xi32>], vector<16xf32>,
        %ge3A_260 = arith.constant 1 : i32
        %ge3A_261 = vector.broadcast %ge3A_260 : i32 to vector<16xi32>
        %ge3A_262 = arith.cmpi sge, %min3A_242, %ge3A_261 : vector<16xi32>
        %sub3A_263 = vector.broadcast %sub3A_66 : f32 to vector<16xf32>
        %sub3A_264 = arith.subf %gather3A_252, %sub3A_263 : vector<16xf32>
        %gt3A = arith.cmpf ogt, %sub3A_264, %add3A_219 : vector<16xf32>
        %and3A = arith.andi %ge3A_262, %gt3A : vector<16xi1>
        %convert_element_type3A_265 = arith.extui %and3A : vector<16xi1> to vector<16xi32>
        %sub3A_266 = arith.subi %min3A_242, %convert_element_type3A_265 : vector<16xi32>
        %le3A = arith.constant 255 : i32
        %le3A_267 = vector.broadcast %le3A : i32 to vector<16xi32>
        %le3A_268 = arith.cmpi sle, %min3A_242, %le3A_267 : vector<16xi32>
        %sub3A_269 = vector.broadcast %sub3A_66 : f32 to vector<16xf32>
        %sub3A_270 = arith.subf %gather3A_259, %sub3A_269 : vector<16xf32>
        %le3A_271 = arith.cmpf ole, %sub3A_270, %add3A_219 : vector<16xf32>
        %and3A_272 = arith.andi %le3A_268, %le3A_271 : vector<16xi1>
        %convert_element_type3A_273 = arith.extui %and3A_272 : vector<16xi1> to vector<16xi32>
        %add3A_274 = arith.addi %sub3A_266, %convert_element_type3A_273 : vector<16xi32>
        %add3A_275 = arith.constant 2048 : i32
        %add3A_276 = vector.broadcast %add3A_275 : i32 to vector<16xi32>
        %add3A_277 = arith.addi %add3A_274, %add3A_276 : vector<16xi32>
        %broadcast_in_dim3A_278 = arith.constant 1 : i32
        %broadcast_in_dim3A_279 = vector.broadcast %broadcast_in_dim3A_278 : i32 to vector<16xi32>
        tpu.vector_store_idx %arg19[%add3A_277], %broadcast_in_dim3A_279 {add = true} : memref<2320xi32, #tpu.memory_space<vmem>>[vector<16xi32>], vector<16xi32>,
        %scan3A_280 = arith.constant 0 : i32
        %scan3A_281 = arith.constant 1 : i32
        %scan3A_282 = arith.addi %scan3A_166, %scan3A_281 : i32
        %mul3A_283 = arith.constant 16 : i32
        %mul3A_284 = arith.muli %scan3A_282, %mul3A_283 : i32
        %get3A_285 = arith.index_cast %mul3A_284 : i32 to index
        %get3A_286 = tpu.vector_load %arg19[%get3A_285] {strides = array<i32>} : memref<2320xi32, #tpu.memory_space<vmem>>, vector<16xi32>,
        %eq3A_287 = arith.constant 0 : i32
        %eq3A_288 = vector.broadcast %eq3A_287 : i32 to vector<16xi32>
        %eq3A_289 = arith.cmpi eq, %get3A_286, %eq3A_288 : vector<16xi32>
        %eq3A_290 = arith.constant 1024 : i32
        %eq3A_291 = vector.broadcast %eq3A_290 : i32 to vector<16xi32>
        %eq3A_292 = arith.cmpi eq, %get3A_286, %eq3A_291 : vector<16xi32>
        %sub3A_293 = arith.constant 1 : i32
        %sub3A_294 = vector.broadcast %sub3A_293 : i32 to vector<16xi32>
        %sub3A_295 = arith.subi %get3A_286, %sub3A_294 : vector<16xi32>
        %jit3A_296 = arith.constant 0 : i32
        %jit3A_297 = arith.constant 1023 : i32
        %max3A_298 = vector.broadcast %jit3A_296 : i32 to vector<16xi32>
        %max3A_299 = arith.maxsi %max3A_298, %sub3A_295 : vector<16xi32>
        %min3A_300 = vector.broadcast %jit3A_297 : i32 to vector<16xi32>
        %min3A_301 = arith.minsi %min3A_300, %max3A_299 : vector<16xi32>
        %gather3A_302 = tpu.vector_load_idx %arg14[%min3A_301] : memref<1024xf32, #tpu.memory_space<vmem>>[vector<16xi32>], vector<16xf32>,
        %jit3A_303 = arith.constant 0 : i32
        %jit3A_304 = arith.constant 1023 : i32
        %max3A_305 = vector.broadcast %jit3A_303 : i32 to vector<16xi32>
        %max3A_306 = arith.maxsi %max3A_305, %get3A_286 : vector<16xi32>
        %min3A_307 = vector.broadcast %jit3A_304 : i32 to vector<16xi32>
        %min3A_308 = arith.minsi %min3A_307, %max3A_306 : vector<16xi32>
        %gather3A_309 = tpu.vector_load_idx %arg15[%min3A_308] : memref<1024xf32, #tpu.memory_space<vmem>>[vector<16xi32>], vector<16xf32>,
        %broadcast_in_dim3A_310 = vector.broadcast %select_n3A_102 : f32 to vector<16xf32>
        %select_n3A_311 = arith.select %eq3A_292, %broadcast_in_dim3A_310, %gather3A_302 : vector<16xi1>, vector<16xf32>
        %broadcast_in_dim3A_312 = vector.broadcast %reduce_min3A_69 : f32 to vector<16xf32>
        %select_n3A_313 = arith.select %eq3A_289, %broadcast_in_dim3A_312, %select_n3A_311 : vector<16xi1>, vector<16xf32>
        %broadcast_in_dim3A_314 = vector.broadcast %reduce_max3A_85 : f32 to vector<16xf32>
        %select_n3A_315 = arith.select %eq3A_292, %broadcast_in_dim3A_314, %gather3A_309 : vector<16xi1>, vector<16xf32>
        %broadcast_in_dim3A_316 = vector.broadcast %select_n3A_82 : f32 to vector<16xf32>
        %select_n3A_317 = arith.select %eq3A_289, %broadcast_in_dim3A_316, %select_n3A_315 : vector<16xi1>, vector<16xf32>
        %jit3A_318 = arith.constant 1 : i32
        %jit3A_319 = arith.constant 1023 : i32
        %max3A_320 = vector.broadcast %jit3A_318 : i32 to vector<16xi32>
        %max3A_321 = arith.maxsi %max3A_320, %get3A_286 : vector<16xi32>
        %min3A_322 = vector.broadcast %jit3A_319 : i32 to vector<16xi32>
        %min3A_323 = arith.minsi %min3A_322, %max3A_321 : vector<16xi32>
        %convert_element_type3A_324 = arith.sitofp %min3A_323 : vector<16xi32> to vector<16xf32>
        %mul3A_325 = arith.constant 9.765625E-4 : f32
        %mul3A_326 = vector.broadcast %mul3A_325 : f32 to vector<16xf32>
        %mul3A_327 = arith.mulf %convert_element_type3A_324, %mul3A_326 : vector<16xf32>
        %get3A_328 = arith.index_cast %mul3A_284 : i32 to index
        %get3A_329 = tpu.vector_load %arg8[%get3A_328] {strides = array<i32>} : memref<768xf32, #tpu.memory_space<vmem>>, vector<16xf32>,
        %get3A_330 = arith.index_cast %mul3A_284 : i32 to index
        %get3A_331 = tpu.vector_load %arg9[%get3A_330] {strides = array<i32>} : memref<768xf32, #tpu.memory_space<vmem>>, vector<16xf32>,
        %add3A_332 = arith.addf %get3A_331, %mul3A_327 : vector<16xf32>
        %sub3A_333 = arith.subf %get3A_329, %select_n3A_313 : vector<16xf32>
        %mul3A_334 = arith.constant 9.765625E-4 : f32
        %mul3A_335 = vector.broadcast %mul3A_334 : f32 to vector<16xf32>
        %mul3A_336 = arith.mulf %mul3A_335, %sub3A_333 : vector<16xf32>
        %sub3A_337 = arith.subf %select_n3A_317, %select_n3A_313 : vector<16xf32>
        %div3A_338 = arith.divf %mul3A_336, %sub3A_337 : vector<16xf32>
        %add3A_339 = arith.addf %add3A_332, %div3A_338 : vector<16xf32>
        %get3A_340 = arith.index_cast %mul3A_284 : i32 to index
        %get3A_341 = tpu.vector_load %arg11[%get3A_340] {strides = array<i32>} : memref<768xi32, #tpu.memory_space<vmem>>, vector<16xi32>,
        tpu.vector_store_idx %arg17[%get3A_341], %add3A_339 : memref<768xf32, #tpu.memory_space<vmem>>[vector<16xi32>], vector<16xf32>,
        %add3A_342 = vector.broadcast %sub3A_66 : f32 to vector<16xf32>
        %add3A_343 = arith.addf %add3A_339, %add3A_342 : vector<16xf32>
        %mul3A_344 = arith.constant 2.560000e+02 : f32
        %mul3A_345 = vector.broadcast %mul3A_344 : f32 to vector<16xf32>
        %mul3A_346 = arith.mulf %add3A_343, %mul3A_345 : vector<16xf32>
        %add3A_347 = arith.constant 1.638400e+04 : f32
        %add3A_348 = vector.broadcast %add3A_347 : f32 to vector<16xf32>
        %add3A_349 = arith.addf %mul3A_346, %add3A_348 : vector<16xf32>
        %convert_element_type3A_350 = arith.fptosi %add3A_349 : vector<16xf32> to vector<16xi32>
        %sub3A_351 = arith.constant 16384 : i32
        %sub3A_352 = vector.broadcast %sub3A_351 : i32 to vector<16xi32>
        %sub3A_353 = arith.subi %convert_element_type3A_350, %sub3A_352 : vector<16xi32>
        %add3A_354 = arith.constant 1 : i32
        %add3A_355 = vector.broadcast %add3A_354 : i32 to vector<16xi32>
        %add3A_356 = arith.addi %sub3A_353, %add3A_355 : vector<16xi32>
        %jit3A_357 = arith.constant 0 : i32
        %jit3A_358 = arith.constant 256 : i32
        %max3A_359 = vector.broadcast %jit3A_357 : i32 to vector<16xi32>
        %max3A_360 = arith.maxsi %max3A_359, %add3A_356 : vector<16xi32>
        %min3A_361 = vector.broadcast %jit3A_358 : i32 to vector<16xi32>
        %min3A_362 = arith.minsi %min3A_361, %max3A_360 : vector<16xi32>
        %sub3A_363 = arith.constant 1 : i32
        %sub3A_364 = vector.broadcast %sub3A_363 : i32 to vector<16xi32>
        %sub3A_365 = arith.subi %min3A_362, %sub3A_364 : vector<16xi32>
        %jit3A_366 = arith.constant 0 : i32
        %jit3A_367 = arith.constant 255 : i32
        %max3A_368 = vector.broadcast %jit3A_366 : i32 to vector<16xi32>
        %max3A_369 = arith.maxsi %max3A_368, %sub3A_365 : vector<16xi32>
        %min3A_370 = vector.broadcast %jit3A_367 : i32 to vector<16xi32>
        %min3A_371 = arith.minsi %min3A_370, %max3A_369 : vector<16xi32>
        %gather3A_372 = tpu.vector_load_idx %arg10[%min3A_371] : memref<256xf32, #tpu.memory_space<vmem>>[vector<16xi32>], vector<16xf32>,
        %jit3A_373 = arith.constant 0 : i32
        %jit3A_374 = arith.constant 255 : i32
        %max3A_375 = vector.broadcast %jit3A_373 : i32 to vector<16xi32>
        %max3A_376 = arith.maxsi %max3A_375, %min3A_362 : vector<16xi32>
        %min3A_377 = vector.broadcast %jit3A_374 : i32 to vector<16xi32>
        %min3A_378 = arith.minsi %min3A_377, %max3A_376 : vector<16xi32>
        %gather3A_379 = tpu.vector_load_idx %arg10[%min3A_378] : memref<256xf32, #tpu.memory_space<vmem>>[vector<16xi32>], vector<16xf32>,
        %ge3A_380 = arith.constant 1 : i32
        %ge3A_381 = vector.broadcast %ge3A_380 : i32 to vector<16xi32>
        %ge3A_382 = arith.cmpi sge, %min3A_362, %ge3A_381 : vector<16xi32>
        %sub3A_383 = vector.broadcast %sub3A_66 : f32 to vector<16xf32>
        %sub3A_384 = arith.subf %gather3A_372, %sub3A_383 : vector<16xf32>
        %gt3A_385 = arith.cmpf ogt, %sub3A_384, %add3A_339 : vector<16xf32>
        %and3A_386 = arith.andi %ge3A_382, %gt3A_385 : vector<16xi1>
        %convert_element_type3A_387 = arith.extui %and3A_386 : vector<16xi1> to vector<16xi32>
        %sub3A_388 = arith.subi %min3A_362, %convert_element_type3A_387 : vector<16xi32>
        %le3A_389 = arith.constant 255 : i32
        %le3A_390 = vector.broadcast %le3A_389 : i32 to vector<16xi32>
        %le3A_391 = arith.cmpi sle, %min3A_362, %le3A_390 : vector<16xi32>
        %sub3A_392 = vector.broadcast %sub3A_66 : f32 to vector<16xf32>
        %sub3A_393 = arith.subf %gather3A_379, %sub3A_392 : vector<16xf32>
        %le3A_394 = arith.cmpf ole, %sub3A_393, %add3A_339 : vector<16xf32>
        %and3A_395 = arith.andi %le3A_391, %le3A_394 : vector<16xi1>
        %convert_element_type3A_396 = arith.extui %and3A_395 : vector<16xi1> to vector<16xi32>
        %add3A_397 = arith.addi %sub3A_388, %convert_element_type3A_396 : vector<16xi32>
        %add3A_398 = arith.constant 2048 : i32
        %add3A_399 = vector.broadcast %add3A_398 : i32 to vector<16xi32>
        %add3A_400 = arith.addi %add3A_397, %add3A_399 : vector<16xi32>
        %broadcast_in_dim3A_401 = arith.constant 1 : i32
        %broadcast_in_dim3A_402 = vector.broadcast %broadcast_in_dim3A_401 : i32 to vector<16xi32>
        tpu.vector_store_idx %arg19[%add3A_400], %broadcast_in_dim3A_402 {add = true} : memref<2320xi32, #tpu.memory_space<vmem>>[vector<16xi32>], vector<16xi32>,
        %scan3A_403 = arith.constant 0 : i32
        %scan3A_404 = arith.constant 2 : i32
        %scan3A_405 = arith.addi %scan3A_166, %scan3A_404 : i32
        %mul3A_406 = arith.constant 16 : i32
        %mul3A_407 = arith.muli %scan3A_405, %mul3A_406 : i32
        %get3A_408 = arith.index_cast %mul3A_407 : i32 to index
        %get3A_409 = tpu.vector_load %arg19[%get3A_408] {strides = array<i32>} : memref<2320xi32, #tpu.memory_space<vmem>>, vector<16xi32>,
        %eq3A_410 = arith.constant 0 : i32
        %eq3A_411 = vector.broadcast %eq3A_410 : i32 to vector<16xi32>
        %eq3A_412 = arith.cmpi eq, %get3A_409, %eq3A_411 : vector<16xi32>
        %eq3A_413 = arith.constant 1024 : i32
        %eq3A_414 = vector.broadcast %eq3A_413 : i32 to vector<16xi32>
        %eq3A_415 = arith.cmpi eq, %get3A_409, %eq3A_414 : vector<16xi32>
        %sub3A_416 = arith.constant 1 : i32
        %sub3A_417 = vector.broadcast %sub3A_416 : i32 to vector<16xi32>
        %sub3A_418 = arith.subi %get3A_409, %sub3A_417 : vector<16xi32>
        %jit3A_419 = arith.constant 0 : i32
        %jit3A_420 = arith.constant 1023 : i32
        %max3A_421 = vector.broadcast %jit3A_419 : i32 to vector<16xi32>
        %max3A_422 = arith.maxsi %max3A_421, %sub3A_418 : vector<16xi32>
        %min3A_423 = vector.broadcast %jit3A_420 : i32 to vector<16xi32>
        %min3A_424 = arith.minsi %min3A_423, %max3A_422 : vector<16xi32>
        %gather3A_425 = tpu.vector_load_idx %arg14[%min3A_424] : memref<1024xf32, #tpu.memory_space<vmem>>[vector<16xi32>], vector<16xf32>,
        %jit3A_426 = arith.constant 0 : i32
        %jit3A_427 = arith.constant 1023 : i32
        %max3A_428 = vector.broadcast %jit3A_426 : i32 to vector<16xi32>
        %max3A_429 = arith.maxsi %max3A_428, %get3A_409 : vector<16xi32>
        %min3A_430 = vector.broadcast %jit3A_427 : i32 to vector<16xi32>
        %min3A_431 = arith.minsi %min3A_430, %max3A_429 : vector<16xi32>
        %gather3A_432 = tpu.vector_load_idx %arg15[%min3A_431] : memref<1024xf32, #tpu.memory_space<vmem>>[vector<16xi32>], vector<16xf32>,
        %broadcast_in_dim3A_433 = vector.broadcast %select_n3A_102 : f32 to vector<16xf32>
        %select_n3A_434 = arith.select %eq3A_415, %broadcast_in_dim3A_433, %gather3A_425 : vector<16xi1>, vector<16xf32>
        %broadcast_in_dim3A_435 = vector.broadcast %reduce_min3A_69 : f32 to vector<16xf32>
        %select_n3A_436 = arith.select %eq3A_412, %broadcast_in_dim3A_435, %select_n3A_434 : vector<16xi1>, vector<16xf32>
        %broadcast_in_dim3A_437 = vector.broadcast %reduce_max3A_85 : f32 to vector<16xf32>
        %select_n3A_438 = arith.select %eq3A_415, %broadcast_in_dim3A_437, %gather3A_432 : vector<16xi1>, vector<16xf32>
        %broadcast_in_dim3A_439 = vector.broadcast %select_n3A_82 : f32 to vector<16xf32>
        %select_n3A_440 = arith.select %eq3A_412, %broadcast_in_dim3A_439, %select_n3A_438 : vector<16xi1>, vector<16xf32>
        %jit3A_441 = arith.constant 1 : i32
        %jit3A_442 = arith.constant 1023 : i32
        %max3A_443 = vector.broadcast %jit3A_441 : i32 to vector<16xi32>
        %max3A_444 = arith.maxsi %max3A_443, %get3A_409 : vector<16xi32>
        %min3A_445 = vector.broadcast %jit3A_442 : i32 to vector<16xi32>
        %min3A_446 = arith.minsi %min3A_445, %max3A_444 : vector<16xi32>
        %convert_element_type3A_447 = arith.sitofp %min3A_446 : vector<16xi32> to vector<16xf32>
        %mul3A_448 = arith.constant 9.765625E-4 : f32
        %mul3A_449 = vector.broadcast %mul3A_448 : f32 to vector<16xf32>
        %mul3A_450 = arith.mulf %convert_element_type3A_447, %mul3A_449 : vector<16xf32>
        %get3A_451 = arith.index_cast %mul3A_407 : i32 to index
        %get3A_452 = tpu.vector_load %arg8[%get3A_451] {strides = array<i32>} : memref<768xf32, #tpu.memory_space<vmem>>, vector<16xf32>,
        %get3A_453 = arith.index_cast %mul3A_407 : i32 to index
        %get3A_454 = tpu.vector_load %arg9[%get3A_453] {strides = array<i32>} : memref<768xf32, #tpu.memory_space<vmem>>, vector<16xf32>,
        %add3A_455 = arith.addf %get3A_454, %mul3A_450 : vector<16xf32>
        %sub3A_456 = arith.subf %get3A_452, %select_n3A_436 : vector<16xf32>
        %mul3A_457 = arith.constant 9.765625E-4 : f32
        %mul3A_458 = vector.broadcast %mul3A_457 : f32 to vector<16xf32>
        %mul3A_459 = arith.mulf %mul3A_458, %sub3A_456 : vector<16xf32>
        %sub3A_460 = arith.subf %select_n3A_440, %select_n3A_436 : vector<16xf32>
        %div3A_461 = arith.divf %mul3A_459, %sub3A_460 : vector<16xf32>
        %add3A_462 = arith.addf %add3A_455, %div3A_461 : vector<16xf32>
        %get3A_463 = arith.index_cast %mul3A_407 : i32 to index
        %get3A_464 = tpu.vector_load %arg11[%get3A_463] {strides = array<i32>} : memref<768xi32, #tpu.memory_space<vmem>>, vector<16xi32>,
        tpu.vector_store_idx %arg17[%get3A_464], %add3A_462 : memref<768xf32, #tpu.memory_space<vmem>>[vector<16xi32>], vector<16xf32>,
        %add3A_465 = vector.broadcast %sub3A_66 : f32 to vector<16xf32>
        %add3A_466 = arith.addf %add3A_462, %add3A_465 : vector<16xf32>
        %mul3A_467 = arith.constant 2.560000e+02 : f32
        %mul3A_468 = vector.broadcast %mul3A_467 : f32 to vector<16xf32>
        %mul3A_469 = arith.mulf %add3A_466, %mul3A_468 : vector<16xf32>
        %add3A_470 = arith.constant 1.638400e+04 : f32
        %add3A_471 = vector.broadcast %add3A_470 : f32 to vector<16xf32>
        %add3A_472 = arith.addf %mul3A_469, %add3A_471 : vector<16xf32>
        %convert_element_type3A_473 = arith.fptosi %add3A_472 : vector<16xf32> to vector<16xi32>
        %sub3A_474 = arith.constant 16384 : i32
        %sub3A_475 = vector.broadcast %sub3A_474 : i32 to vector<16xi32>
        %sub3A_476 = arith.subi %convert_element_type3A_473, %sub3A_475 : vector<16xi32>
        %add3A_477 = arith.constant 1 : i32
        %add3A_478 = vector.broadcast %add3A_477 : i32 to vector<16xi32>
        %add3A_479 = arith.addi %sub3A_476, %add3A_478 : vector<16xi32>
        %jit3A_480 = arith.constant 0 : i32
        %jit3A_481 = arith.constant 256 : i32
        %max3A_482 = vector.broadcast %jit3A_480 : i32 to vector<16xi32>
        %max3A_483 = arith.maxsi %max3A_482, %add3A_479 : vector<16xi32>
        %min3A_484 = vector.broadcast %jit3A_481 : i32 to vector<16xi32>
        %min3A_485 = arith.minsi %min3A_484, %max3A_483 : vector<16xi32>
        %sub3A_486 = arith.constant 1 : i32
        %sub3A_487 = vector.broadcast %sub3A_486 : i32 to vector<16xi32>
        %sub3A_488 = arith.subi %min3A_485, %sub3A_487 : vector<16xi32>
        %jit3A_489 = arith.constant 0 : i32
        %jit3A_490 = arith.constant 255 : i32
        %max3A_491 = vector.broadcast %jit3A_489 : i32 to vector<16xi32>
        %max3A_492 = arith.maxsi %max3A_491, %sub3A_488 : vector<16xi32>
        %min3A_493 = vector.broadcast %jit3A_490 : i32 to vector<16xi32>
        %min3A_494 = arith.minsi %min3A_493, %max3A_492 : vector<16xi32>
        %gather3A_495 = tpu.vector_load_idx %arg10[%min3A_494] : memref<256xf32, #tpu.memory_space<vmem>>[vector<16xi32>], vector<16xf32>,
        %jit3A_496 = arith.constant 0 : i32
        %jit3A_497 = arith.constant 255 : i32
        %max3A_498 = vector.broadcast %jit3A_496 : i32 to vector<16xi32>
        %max3A_499 = arith.maxsi %max3A_498, %min3A_485 : vector<16xi32>
        %min3A_500 = vector.broadcast %jit3A_497 : i32 to vector<16xi32>
        %min3A_501 = arith.minsi %min3A_500, %max3A_499 : vector<16xi32>
        %gather3A_502 = tpu.vector_load_idx %arg10[%min3A_501] : memref<256xf32, #tpu.memory_space<vmem>>[vector<16xi32>], vector<16xf32>,
        %ge3A_503 = arith.constant 1 : i32
        %ge3A_504 = vector.broadcast %ge3A_503 : i32 to vector<16xi32>
        %ge3A_505 = arith.cmpi sge, %min3A_485, %ge3A_504 : vector<16xi32>
        %sub3A_506 = vector.broadcast %sub3A_66 : f32 to vector<16xf32>
        %sub3A_507 = arith.subf %gather3A_495, %sub3A_506 : vector<16xf32>
        %gt3A_508 = arith.cmpf ogt, %sub3A_507, %add3A_462 : vector<16xf32>
        %and3A_509 = arith.andi %ge3A_505, %gt3A_508 : vector<16xi1>
        %convert_element_type3A_510 = arith.extui %and3A_509 : vector<16xi1> to vector<16xi32>
        %sub3A_511 = arith.subi %min3A_485, %convert_element_type3A_510 : vector<16xi32>
        %le3A_512 = arith.constant 255 : i32
        %le3A_513 = vector.broadcast %le3A_512 : i32 to vector<16xi32>
        %le3A_514 = arith.cmpi sle, %min3A_485, %le3A_513 : vector<16xi32>
        %sub3A_515 = vector.broadcast %sub3A_66 : f32 to vector<16xf32>
        %sub3A_516 = arith.subf %gather3A_502, %sub3A_515 : vector<16xf32>
        %le3A_517 = arith.cmpf ole, %sub3A_516, %add3A_462 : vector<16xf32>
        %and3A_518 = arith.andi %le3A_514, %le3A_517 : vector<16xi1>
        %convert_element_type3A_519 = arith.extui %and3A_518 : vector<16xi1> to vector<16xi32>
        %add3A_520 = arith.addi %sub3A_511, %convert_element_type3A_519 : vector<16xi32>
        %add3A_521 = arith.constant 2048 : i32
        %add3A_522 = vector.broadcast %add3A_521 : i32 to vector<16xi32>
        %add3A_523 = arith.addi %add3A_520, %add3A_522 : vector<16xi32>
        %broadcast_in_dim3A_524 = arith.constant 1 : i32
        %broadcast_in_dim3A_525 = vector.broadcast %broadcast_in_dim3A_524 : i32 to vector<16xi32>
        tpu.vector_store_idx %arg19[%add3A_523], %broadcast_in_dim3A_525 {add = true} : memref<2320xi32, #tpu.memory_space<vmem>>[vector<16xi32>], vector<16xi32>,
        %scan3A_526 = arith.constant 0 : i32
        %scan3A_527 = arith.constant 3 : i32
        %scan3A_528 = arith.addi %scan3A_166, %scan3A_527 : i32
        %mul3A_529 = arith.constant 16 : i32
        %mul3A_530 = arith.muli %scan3A_528, %mul3A_529 : i32
        %get3A_531 = arith.index_cast %mul3A_530 : i32 to index
        %get3A_532 = tpu.vector_load %arg19[%get3A_531] {strides = array<i32>} : memref<2320xi32, #tpu.memory_space<vmem>>, vector<16xi32>,
        %eq3A_533 = arith.constant 0 : i32
        %eq3A_534 = vector.broadcast %eq3A_533 : i32 to vector<16xi32>
        %eq3A_535 = arith.cmpi eq, %get3A_532, %eq3A_534 : vector<16xi32>
        %eq3A_536 = arith.constant 1024 : i32
        %eq3A_537 = vector.broadcast %eq3A_536 : i32 to vector<16xi32>
        %eq3A_538 = arith.cmpi eq, %get3A_532, %eq3A_537 : vector<16xi32>
        %sub3A_539 = arith.constant 1 : i32
        %sub3A_540 = vector.broadcast %sub3A_539 : i32 to vector<16xi32>
        %sub3A_541 = arith.subi %get3A_532, %sub3A_540 : vector<16xi32>
        %jit3A_542 = arith.constant 0 : i32
        %jit3A_543 = arith.constant 1023 : i32
        %max3A_544 = vector.broadcast %jit3A_542 : i32 to vector<16xi32>
        %max3A_545 = arith.maxsi %max3A_544, %sub3A_541 : vector<16xi32>
        %min3A_546 = vector.broadcast %jit3A_543 : i32 to vector<16xi32>
        %min3A_547 = arith.minsi %min3A_546, %max3A_545 : vector<16xi32>
        %gather3A_548 = tpu.vector_load_idx %arg14[%min3A_547] : memref<1024xf32, #tpu.memory_space<vmem>>[vector<16xi32>], vector<16xf32>,
        %jit3A_549 = arith.constant 0 : i32
        %jit3A_550 = arith.constant 1023 : i32
        %max3A_551 = vector.broadcast %jit3A_549 : i32 to vector<16xi32>
        %max3A_552 = arith.maxsi %max3A_551, %get3A_532 : vector<16xi32>
        %min3A_553 = vector.broadcast %jit3A_550 : i32 to vector<16xi32>
        %min3A_554 = arith.minsi %min3A_553, %max3A_552 : vector<16xi32>
        %gather3A_555 = tpu.vector_load_idx %arg15[%min3A_554] : memref<1024xf32, #tpu.memory_space<vmem>>[vector<16xi32>], vector<16xf32>,
        %broadcast_in_dim3A_556 = vector.broadcast %select_n3A_102 : f32 to vector<16xf32>
        %select_n3A_557 = arith.select %eq3A_538, %broadcast_in_dim3A_556, %gather3A_548 : vector<16xi1>, vector<16xf32>
        %broadcast_in_dim3A_558 = vector.broadcast %reduce_min3A_69 : f32 to vector<16xf32>
        %select_n3A_559 = arith.select %eq3A_535, %broadcast_in_dim3A_558, %select_n3A_557 : vector<16xi1>, vector<16xf32>
        %broadcast_in_dim3A_560 = vector.broadcast %reduce_max3A_85 : f32 to vector<16xf32>
        %select_n3A_561 = arith.select %eq3A_538, %broadcast_in_dim3A_560, %gather3A_555 : vector<16xi1>, vector<16xf32>
        %broadcast_in_dim3A_562 = vector.broadcast %select_n3A_82 : f32 to vector<16xf32>
        %select_n3A_563 = arith.select %eq3A_535, %broadcast_in_dim3A_562, %select_n3A_561 : vector<16xi1>, vector<16xf32>
        %jit3A_564 = arith.constant 1 : i32
        %jit3A_565 = arith.constant 1023 : i32
        %max3A_566 = vector.broadcast %jit3A_564 : i32 to vector<16xi32>
        %max3A_567 = arith.maxsi %max3A_566, %get3A_532 : vector<16xi32>
        %min3A_568 = vector.broadcast %jit3A_565 : i32 to vector<16xi32>
        %min3A_569 = arith.minsi %min3A_568, %max3A_567 : vector<16xi32>
        %convert_element_type3A_570 = arith.sitofp %min3A_569 : vector<16xi32> to vector<16xf32>
        %mul3A_571 = arith.constant 9.765625E-4 : f32
        %mul3A_572 = vector.broadcast %mul3A_571 : f32 to vector<16xf32>
        %mul3A_573 = arith.mulf %convert_element_type3A_570, %mul3A_572 : vector<16xf32>
        %get3A_574 = arith.index_cast %mul3A_530 : i32 to index
        %get3A_575 = tpu.vector_load %arg8[%get3A_574] {strides = array<i32>} : memref<768xf32, #tpu.memory_space<vmem>>, vector<16xf32>,
        %get3A_576 = arith.index_cast %mul3A_530 : i32 to index
        %get3A_577 = tpu.vector_load %arg9[%get3A_576] {strides = array<i32>} : memref<768xf32, #tpu.memory_space<vmem>>, vector<16xf32>,
        %add3A_578 = arith.addf %get3A_577, %mul3A_573 : vector<16xf32>
        %sub3A_579 = arith.subf %get3A_575, %select_n3A_559 : vector<16xf32>
        %mul3A_580 = arith.constant 9.765625E-4 : f32
        %mul3A_581 = vector.broadcast %mul3A_580 : f32 to vector<16xf32>
        %mul3A_582 = arith.mulf %mul3A_581, %sub3A_579 : vector<16xf32>
        %sub3A_583 = arith.subf %select_n3A_563, %select_n3A_559 : vector<16xf32>
        %div3A_584 = arith.divf %mul3A_582, %sub3A_583 : vector<16xf32>
        %add3A_585 = arith.addf %add3A_578, %div3A_584 : vector<16xf32>
        %get3A_586 = arith.index_cast %mul3A_530 : i32 to index
        %get3A_587 = tpu.vector_load %arg11[%get3A_586] {strides = array<i32>} : memref<768xi32, #tpu.memory_space<vmem>>, vector<16xi32>,
        tpu.vector_store_idx %arg17[%get3A_587], %add3A_585 : memref<768xf32, #tpu.memory_space<vmem>>[vector<16xi32>], vector<16xf32>,
        %add3A_588 = vector.broadcast %sub3A_66 : f32 to vector<16xf32>
        %add3A_589 = arith.addf %add3A_585, %add3A_588 : vector<16xf32>
        %mul3A_590 = arith.constant 2.560000e+02 : f32
        %mul3A_591 = vector.broadcast %mul3A_590 : f32 to vector<16xf32>
        %mul3A_592 = arith.mulf %add3A_589, %mul3A_591 : vector<16xf32>
        %add3A_593 = arith.constant 1.638400e+04 : f32
        %add3A_594 = vector.broadcast %add3A_593 : f32 to vector<16xf32>
        %add3A_595 = arith.addf %mul3A_592, %add3A_594 : vector<16xf32>
        %convert_element_type3A_596 = arith.fptosi %add3A_595 : vector<16xf32> to vector<16xi32>
        %sub3A_597 = arith.constant 16384 : i32
        %sub3A_598 = vector.broadcast %sub3A_597 : i32 to vector<16xi32>
        %sub3A_599 = arith.subi %convert_element_type3A_596, %sub3A_598 : vector<16xi32>
        %add3A_600 = arith.constant 1 : i32
        %add3A_601 = vector.broadcast %add3A_600 : i32 to vector<16xi32>
        %add3A_602 = arith.addi %sub3A_599, %add3A_601 : vector<16xi32>
        %jit3A_603 = arith.constant 0 : i32
        %jit3A_604 = arith.constant 256 : i32
        %max3A_605 = vector.broadcast %jit3A_603 : i32 to vector<16xi32>
        %max3A_606 = arith.maxsi %max3A_605, %add3A_602 : vector<16xi32>
        %min3A_607 = vector.broadcast %jit3A_604 : i32 to vector<16xi32>
        %min3A_608 = arith.minsi %min3A_607, %max3A_606 : vector<16xi32>
        %sub3A_609 = arith.constant 1 : i32
        %sub3A_610 = vector.broadcast %sub3A_609 : i32 to vector<16xi32>
        %sub3A_611 = arith.subi %min3A_608, %sub3A_610 : vector<16xi32>
        %jit3A_612 = arith.constant 0 : i32
        %jit3A_613 = arith.constant 255 : i32
        %max3A_614 = vector.broadcast %jit3A_612 : i32 to vector<16xi32>
        %max3A_615 = arith.maxsi %max3A_614, %sub3A_611 : vector<16xi32>
        %min3A_616 = vector.broadcast %jit3A_613 : i32 to vector<16xi32>
        %min3A_617 = arith.minsi %min3A_616, %max3A_615 : vector<16xi32>
        %gather3A_618 = tpu.vector_load_idx %arg10[%min3A_617] : memref<256xf32, #tpu.memory_space<vmem>>[vector<16xi32>], vector<16xf32>,
        %jit3A_619 = arith.constant 0 : i32
        %jit3A_620 = arith.constant 255 : i32
        %max3A_621 = vector.broadcast %jit3A_619 : i32 to vector<16xi32>
        %max3A_622 = arith.maxsi %max3A_621, %min3A_608 : vector<16xi32>
        %min3A_623 = vector.broadcast %jit3A_620 : i32 to vector<16xi32>
        %min3A_624 = arith.minsi %min3A_623, %max3A_622 : vector<16xi32>
        %gather3A_625 = tpu.vector_load_idx %arg10[%min3A_624] : memref<256xf32, #tpu.memory_space<vmem>>[vector<16xi32>], vector<16xf32>,
        %ge3A_626 = arith.constant 1 : i32
        %ge3A_627 = vector.broadcast %ge3A_626 : i32 to vector<16xi32>
        %ge3A_628 = arith.cmpi sge, %min3A_608, %ge3A_627 : vector<16xi32>
        %sub3A_629 = vector.broadcast %sub3A_66 : f32 to vector<16xf32>
        %sub3A_630 = arith.subf %gather3A_618, %sub3A_629 : vector<16xf32>
        %gt3A_631 = arith.cmpf ogt, %sub3A_630, %add3A_585 : vector<16xf32>
        %and3A_632 = arith.andi %ge3A_628, %gt3A_631 : vector<16xi1>
        %convert_element_type3A_633 = arith.extui %and3A_632 : vector<16xi1> to vector<16xi32>
        %sub3A_634 = arith.subi %min3A_608, %convert_element_type3A_633 : vector<16xi32>
        %le3A_635 = arith.constant 255 : i32
        %le3A_636 = vector.broadcast %le3A_635 : i32 to vector<16xi32>
        %le3A_637 = arith.cmpi sle, %min3A_608, %le3A_636 : vector<16xi32>
        %sub3A_638 = vector.broadcast %sub3A_66 : f32 to vector<16xf32>
        %sub3A_639 = arith.subf %gather3A_625, %sub3A_638 : vector<16xf32>
        %le3A_640 = arith.cmpf ole, %sub3A_639, %add3A_585 : vector<16xf32>
        %and3A_641 = arith.andi %le3A_637, %le3A_640 : vector<16xi1>
        %convert_element_type3A_642 = arith.extui %and3A_641 : vector<16xi1> to vector<16xi32>
        %add3A_643 = arith.addi %sub3A_634, %convert_element_type3A_642 : vector<16xi32>
        %add3A_644 = arith.constant 2048 : i32
        %add3A_645 = vector.broadcast %add3A_644 : i32 to vector<16xi32>
        %add3A_646 = arith.addi %add3A_643, %add3A_645 : vector<16xi32>
        %broadcast_in_dim3A_647 = arith.constant 1 : i32
        %broadcast_in_dim3A_648 = vector.broadcast %broadcast_in_dim3A_647 : i32 to vector<16xi32>
        tpu.vector_store_idx %arg19[%add3A_646], %broadcast_in_dim3A_648 {add = true} : memref<2320xi32, #tpu.memory_space<vmem>>[vector<16xi32>], vector<16xi32>,
        %scan3A_649 = arith.constant 0 : i32
        %scan3A_650 = arith.constant 4 : i32
        %scan3A_651 = arith.addi %scan3A_166, %scan3A_650 : i32
        %mul3A_652 = arith.constant 16 : i32
        %mul3A_653 = arith.muli %scan3A_651, %mul3A_652 : i32
        %get3A_654 = arith.index_cast %mul3A_653 : i32 to index
        %get3A_655 = tpu.vector_load %arg19[%get3A_654] {strides = array<i32>} : memref<2320xi32, #tpu.memory_space<vmem>>, vector<16xi32>,
        %eq3A_656 = arith.constant 0 : i32
        %eq3A_657 = vector.broadcast %eq3A_656 : i32 to vector<16xi32>
        %eq3A_658 = arith.cmpi eq, %get3A_655, %eq3A_657 : vector<16xi32>
        %eq3A_659 = arith.constant 1024 : i32
        %eq3A_660 = vector.broadcast %eq3A_659 : i32 to vector<16xi32>
        %eq3A_661 = arith.cmpi eq, %get3A_655, %eq3A_660 : vector<16xi32>
        %sub3A_662 = arith.constant 1 : i32
        %sub3A_663 = vector.broadcast %sub3A_662 : i32 to vector<16xi32>
        %sub3A_664 = arith.subi %get3A_655, %sub3A_663 : vector<16xi32>
        %jit3A_665 = arith.constant 0 : i32
        %jit3A_666 = arith.constant 1023 : i32
        %max3A_667 = vector.broadcast %jit3A_665 : i32 to vector<16xi32>
        %max3A_668 = arith.maxsi %max3A_667, %sub3A_664 : vector<16xi32>
        %min3A_669 = vector.broadcast %jit3A_666 : i32 to vector<16xi32>
        %min3A_670 = arith.minsi %min3A_669, %max3A_668 : vector<16xi32>
        %gather3A_671 = tpu.vector_load_idx %arg14[%min3A_670] : memref<1024xf32, #tpu.memory_space<vmem>>[vector<16xi32>], vector<16xf32>,
        %jit3A_672 = arith.constant 0 : i32
        %jit3A_673 = arith.constant 1023 : i32
        %max3A_674 = vector.broadcast %jit3A_672 : i32 to vector<16xi32>
        %max3A_675 = arith.maxsi %max3A_674, %get3A_655 : vector<16xi32>
        %min3A_676 = vector.broadcast %jit3A_673 : i32 to vector<16xi32>
        %min3A_677 = arith.minsi %min3A_676, %max3A_675 : vector<16xi32>
        %gather3A_678 = tpu.vector_load_idx %arg15[%min3A_677] : memref<1024xf32, #tpu.memory_space<vmem>>[vector<16xi32>], vector<16xf32>,
        %broadcast_in_dim3A_679 = vector.broadcast %select_n3A_102 : f32 to vector<16xf32>
        %select_n3A_680 = arith.select %eq3A_661, %broadcast_in_dim3A_679, %gather3A_671 : vector<16xi1>, vector<16xf32>
        %broadcast_in_dim3A_681 = vector.broadcast %reduce_min3A_69 : f32 to vector<16xf32>
        %select_n3A_682 = arith.select %eq3A_658, %broadcast_in_dim3A_681, %select_n3A_680 : vector<16xi1>, vector<16xf32>
        %broadcast_in_dim3A_683 = vector.broadcast %reduce_max3A_85 : f32 to vector<16xf32>
        %select_n3A_684 = arith.select %eq3A_661, %broadcast_in_dim3A_683, %gather3A_678 : vector<16xi1>, vector<16xf32>
        %broadcast_in_dim3A_685 = vector.broadcast %select_n3A_82 : f32 to vector<16xf32>
        %select_n3A_686 = arith.select %eq3A_658, %broadcast_in_dim3A_685, %select_n3A_684 : vector<16xi1>, vector<16xf32>
        %jit3A_687 = arith.constant 1 : i32
        %jit3A_688 = arith.constant 1023 : i32
        %max3A_689 = vector.broadcast %jit3A_687 : i32 to vector<16xi32>
        %max3A_690 = arith.maxsi %max3A_689, %get3A_655 : vector<16xi32>
        %min3A_691 = vector.broadcast %jit3A_688 : i32 to vector<16xi32>
        %min3A_692 = arith.minsi %min3A_691, %max3A_690 : vector<16xi32>
        %convert_element_type3A_693 = arith.sitofp %min3A_692 : vector<16xi32> to vector<16xf32>
        %mul3A_694 = arith.constant 9.765625E-4 : f32
        %mul3A_695 = vector.broadcast %mul3A_694 : f32 to vector<16xf32>
        %mul3A_696 = arith.mulf %convert_element_type3A_693, %mul3A_695 : vector<16xf32>
        %get3A_697 = arith.index_cast %mul3A_653 : i32 to index
        %get3A_698 = tpu.vector_load %arg8[%get3A_697] {strides = array<i32>} : memref<768xf32, #tpu.memory_space<vmem>>, vector<16xf32>,
        %get3A_699 = arith.index_cast %mul3A_653 : i32 to index
        %get3A_700 = tpu.vector_load %arg9[%get3A_699] {strides = array<i32>} : memref<768xf32, #tpu.memory_space<vmem>>, vector<16xf32>,
        %add3A_701 = arith.addf %get3A_700, %mul3A_696 : vector<16xf32>
        %sub3A_702 = arith.subf %get3A_698, %select_n3A_682 : vector<16xf32>
        %mul3A_703 = arith.constant 9.765625E-4 : f32
        %mul3A_704 = vector.broadcast %mul3A_703 : f32 to vector<16xf32>
        %mul3A_705 = arith.mulf %mul3A_704, %sub3A_702 : vector<16xf32>
        %sub3A_706 = arith.subf %select_n3A_686, %select_n3A_682 : vector<16xf32>
        %div3A_707 = arith.divf %mul3A_705, %sub3A_706 : vector<16xf32>
        %add3A_708 = arith.addf %add3A_701, %div3A_707 : vector<16xf32>
        %get3A_709 = arith.index_cast %mul3A_653 : i32 to index
        %get3A_710 = tpu.vector_load %arg11[%get3A_709] {strides = array<i32>} : memref<768xi32, #tpu.memory_space<vmem>>, vector<16xi32>,
        tpu.vector_store_idx %arg17[%get3A_710], %add3A_708 : memref<768xf32, #tpu.memory_space<vmem>>[vector<16xi32>], vector<16xf32>,
        %add3A_711 = vector.broadcast %sub3A_66 : f32 to vector<16xf32>
        %add3A_712 = arith.addf %add3A_708, %add3A_711 : vector<16xf32>
        %mul3A_713 = arith.constant 2.560000e+02 : f32
        %mul3A_714 = vector.broadcast %mul3A_713 : f32 to vector<16xf32>
        %mul3A_715 = arith.mulf %add3A_712, %mul3A_714 : vector<16xf32>
        %add3A_716 = arith.constant 1.638400e+04 : f32
        %add3A_717 = vector.broadcast %add3A_716 : f32 to vector<16xf32>
        %add3A_718 = arith.addf %mul3A_715, %add3A_717 : vector<16xf32>
        %convert_element_type3A_719 = arith.fptosi %add3A_718 : vector<16xf32> to vector<16xi32>
        %sub3A_720 = arith.constant 16384 : i32
        %sub3A_721 = vector.broadcast %sub3A_720 : i32 to vector<16xi32>
        %sub3A_722 = arith.subi %convert_element_type3A_719, %sub3A_721 : vector<16xi32>
        %add3A_723 = arith.constant 1 : i32
        %add3A_724 = vector.broadcast %add3A_723 : i32 to vector<16xi32>
        %add3A_725 = arith.addi %sub3A_722, %add3A_724 : vector<16xi32>
        %jit3A_726 = arith.constant 0 : i32
        %jit3A_727 = arith.constant 256 : i32
        %max3A_728 = vector.broadcast %jit3A_726 : i32 to vector<16xi32>
        %max3A_729 = arith.maxsi %max3A_728, %add3A_725 : vector<16xi32>
        %min3A_730 = vector.broadcast %jit3A_727 : i32 to vector<16xi32>
        %min3A_731 = arith.minsi %min3A_730, %max3A_729 : vector<16xi32>
        %sub3A_732 = arith.constant 1 : i32
        %sub3A_733 = vector.broadcast %sub3A_732 : i32 to vector<16xi32>
        %sub3A_734 = arith.subi %min3A_731, %sub3A_733 : vector<16xi32>
        %jit3A_735 = arith.constant 0 : i32
        %jit3A_736 = arith.constant 255 : i32
        %max3A_737 = vector.broadcast %jit3A_735 : i32 to vector<16xi32>
        %max3A_738 = arith.maxsi %max3A_737, %sub3A_734 : vector<16xi32>
        %min3A_739 = vector.broadcast %jit3A_736 : i32 to vector<16xi32>
        %min3A_740 = arith.minsi %min3A_739, %max3A_738 : vector<16xi32>
        %gather3A_741 = tpu.vector_load_idx %arg10[%min3A_740] : memref<256xf32, #tpu.memory_space<vmem>>[vector<16xi32>], vector<16xf32>,
        %jit3A_742 = arith.constant 0 : i32
        %jit3A_743 = arith.constant 255 : i32
        %max3A_744 = vector.broadcast %jit3A_742 : i32 to vector<16xi32>
        %max3A_745 = arith.maxsi %max3A_744, %min3A_731 : vector<16xi32>
        %min3A_746 = vector.broadcast %jit3A_743 : i32 to vector<16xi32>
        %min3A_747 = arith.minsi %min3A_746, %max3A_745 : vector<16xi32>
        %gather3A_748 = tpu.vector_load_idx %arg10[%min3A_747] : memref<256xf32, #tpu.memory_space<vmem>>[vector<16xi32>], vector<16xf32>,
        %ge3A_749 = arith.constant 1 : i32
        %ge3A_750 = vector.broadcast %ge3A_749 : i32 to vector<16xi32>
        %ge3A_751 = arith.cmpi sge, %min3A_731, %ge3A_750 : vector<16xi32>
        %sub3A_752 = vector.broadcast %sub3A_66 : f32 to vector<16xf32>
        %sub3A_753 = arith.subf %gather3A_741, %sub3A_752 : vector<16xf32>
        %gt3A_754 = arith.cmpf ogt, %sub3A_753, %add3A_708 : vector<16xf32>
        %and3A_755 = arith.andi %ge3A_751, %gt3A_754 : vector<16xi1>
        %convert_element_type3A_756 = arith.extui %and3A_755 : vector<16xi1> to vector<16xi32>
        %sub3A_757 = arith.subi %min3A_731, %convert_element_type3A_756 : vector<16xi32>
        %le3A_758 = arith.constant 255 : i32
        %le3A_759 = vector.broadcast %le3A_758 : i32 to vector<16xi32>
        %le3A_760 = arith.cmpi sle, %min3A_731, %le3A_759 : vector<16xi32>
        %sub3A_761 = vector.broadcast %sub3A_66 : f32 to vector<16xf32>
        %sub3A_762 = arith.subf %gather3A_748, %sub3A_761 : vector<16xf32>
        %le3A_763 = arith.cmpf ole, %sub3A_762, %add3A_708 : vector<16xf32>
        %and3A_764 = arith.andi %le3A_760, %le3A_763 : vector<16xi1>
        %convert_element_type3A_765 = arith.extui %and3A_764 : vector<16xi1> to vector<16xi32>
        %add3A_766 = arith.addi %sub3A_757, %convert_element_type3A_765 : vector<16xi32>
        %add3A_767 = arith.constant 2048 : i32
        %add3A_768 = vector.broadcast %add3A_767 : i32 to vector<16xi32>
        %add3A_769 = arith.addi %add3A_766, %add3A_768 : vector<16xi32>
        %broadcast_in_dim3A_770 = arith.constant 1 : i32
        %broadcast_in_dim3A_771 = vector.broadcast %broadcast_in_dim3A_770 : i32 to vector<16xi32>
        tpu.vector_store_idx %arg19[%add3A_769], %broadcast_in_dim3A_771 {add = true} : memref<2320xi32, #tpu.memory_space<vmem>>[vector<16xi32>], vector<16xi32>,
        %scan3A_772 = arith.constant 0 : i32
        %scan3A_773 = arith.constant 5 : i32
        %scan3A_774 = arith.addi %scan3A_166, %scan3A_773 : i32
        %mul3A_775 = arith.constant 16 : i32
        %mul3A_776 = arith.muli %scan3A_774, %mul3A_775 : i32
        %get3A_777 = arith.index_cast %mul3A_776 : i32 to index
        %get3A_778 = tpu.vector_load %arg19[%get3A_777] {strides = array<i32>} : memref<2320xi32, #tpu.memory_space<vmem>>, vector<16xi32>,
        %eq3A_779 = arith.constant 0 : i32
        %eq3A_780 = vector.broadcast %eq3A_779 : i32 to vector<16xi32>
        %eq3A_781 = arith.cmpi eq, %get3A_778, %eq3A_780 : vector<16xi32>
        %eq3A_782 = arith.constant 1024 : i32
        %eq3A_783 = vector.broadcast %eq3A_782 : i32 to vector<16xi32>
        %eq3A_784 = arith.cmpi eq, %get3A_778, %eq3A_783 : vector<16xi32>
        %sub3A_785 = arith.constant 1 : i32
        %sub3A_786 = vector.broadcast %sub3A_785 : i32 to vector<16xi32>
        %sub3A_787 = arith.subi %get3A_778, %sub3A_786 : vector<16xi32>
        %jit3A_788 = arith.constant 0 : i32
        %jit3A_789 = arith.constant 1023 : i32
        %max3A_790 = vector.broadcast %jit3A_788 : i32 to vector<16xi32>
        %max3A_791 = arith.maxsi %max3A_790, %sub3A_787 : vector<16xi32>
        %min3A_792 = vector.broadcast %jit3A_789 : i32 to vector<16xi32>
        %min3A_793 = arith.minsi %min3A_792, %max3A_791 : vector<16xi32>
        %gather3A_794 = tpu.vector_load_idx %arg14[%min3A_793] : memref<1024xf32, #tpu.memory_space<vmem>>[vector<16xi32>], vector<16xf32>,
        %jit3A_795 = arith.constant 0 : i32
        %jit3A_796 = arith.constant 1023 : i32
        %max3A_797 = vector.broadcast %jit3A_795 : i32 to vector<16xi32>
        %max3A_798 = arith.maxsi %max3A_797, %get3A_778 : vector<16xi32>
        %min3A_799 = vector.broadcast %jit3A_796 : i32 to vector<16xi32>
        %min3A_800 = arith.minsi %min3A_799, %max3A_798 : vector<16xi32>
        %gather3A_801 = tpu.vector_load_idx %arg15[%min3A_800] : memref<1024xf32, #tpu.memory_space<vmem>>[vector<16xi32>], vector<16xf32>,
        %broadcast_in_dim3A_802 = vector.broadcast %select_n3A_102 : f32 to vector<16xf32>
        %select_n3A_803 = arith.select %eq3A_784, %broadcast_in_dim3A_802, %gather3A_794 : vector<16xi1>, vector<16xf32>
        %broadcast_in_dim3A_804 = vector.broadcast %reduce_min3A_69 : f32 to vector<16xf32>
        %select_n3A_805 = arith.select %eq3A_781, %broadcast_in_dim3A_804, %select_n3A_803 : vector<16xi1>, vector<16xf32>
        %broadcast_in_dim3A_806 = vector.broadcast %reduce_max3A_85 : f32 to vector<16xf32>
        %select_n3A_807 = arith.select %eq3A_784, %broadcast_in_dim3A_806, %gather3A_801 : vector<16xi1>, vector<16xf32>
        %broadcast_in_dim3A_808 = vector.broadcast %select_n3A_82 : f32 to vector<16xf32>
        %select_n3A_809 = arith.select %eq3A_781, %broadcast_in_dim3A_808, %select_n3A_807 : vector<16xi1>, vector<16xf32>
        %jit3A_810 = arith.constant 1 : i32
        %jit3A_811 = arith.constant 1023 : i32
        %max3A_812 = vector.broadcast %jit3A_810 : i32 to vector<16xi32>
        %max3A_813 = arith.maxsi %max3A_812, %get3A_778 : vector<16xi32>
        %min3A_814 = vector.broadcast %jit3A_811 : i32 to vector<16xi32>
        %min3A_815 = arith.minsi %min3A_814, %max3A_813 : vector<16xi32>
        %convert_element_type3A_816 = arith.sitofp %min3A_815 : vector<16xi32> to vector<16xf32>
        %mul3A_817 = arith.constant 9.765625E-4 : f32
        %mul3A_818 = vector.broadcast %mul3A_817 : f32 to vector<16xf32>
        %mul3A_819 = arith.mulf %convert_element_type3A_816, %mul3A_818 : vector<16xf32>
        %get3A_820 = arith.index_cast %mul3A_776 : i32 to index
        %get3A_821 = tpu.vector_load %arg8[%get3A_820] {strides = array<i32>} : memref<768xf32, #tpu.memory_space<vmem>>, vector<16xf32>,
        %get3A_822 = arith.index_cast %mul3A_776 : i32 to index
        %get3A_823 = tpu.vector_load %arg9[%get3A_822] {strides = array<i32>} : memref<768xf32, #tpu.memory_space<vmem>>, vector<16xf32>,
        %add3A_824 = arith.addf %get3A_823, %mul3A_819 : vector<16xf32>
        %sub3A_825 = arith.subf %get3A_821, %select_n3A_805 : vector<16xf32>
        %mul3A_826 = arith.constant 9.765625E-4 : f32
        %mul3A_827 = vector.broadcast %mul3A_826 : f32 to vector<16xf32>
        %mul3A_828 = arith.mulf %mul3A_827, %sub3A_825 : vector<16xf32>
        %sub3A_829 = arith.subf %select_n3A_809, %select_n3A_805 : vector<16xf32>
        %div3A_830 = arith.divf %mul3A_828, %sub3A_829 : vector<16xf32>
        %add3A_831 = arith.addf %add3A_824, %div3A_830 : vector<16xf32>
        %get3A_832 = arith.index_cast %mul3A_776 : i32 to index
        %get3A_833 = tpu.vector_load %arg11[%get3A_832] {strides = array<i32>} : memref<768xi32, #tpu.memory_space<vmem>>, vector<16xi32>,
        tpu.vector_store_idx %arg17[%get3A_833], %add3A_831 : memref<768xf32, #tpu.memory_space<vmem>>[vector<16xi32>], vector<16xf32>,
        %add3A_834 = vector.broadcast %sub3A_66 : f32 to vector<16xf32>
        %add3A_835 = arith.addf %add3A_831, %add3A_834 : vector<16xf32>
        %mul3A_836 = arith.constant 2.560000e+02 : f32
        %mul3A_837 = vector.broadcast %mul3A_836 : f32 to vector<16xf32>
        %mul3A_838 = arith.mulf %add3A_835, %mul3A_837 : vector<16xf32>
        %add3A_839 = arith.constant 1.638400e+04 : f32
        %add3A_840 = vector.broadcast %add3A_839 : f32 to vector<16xf32>
        %add3A_841 = arith.addf %mul3A_838, %add3A_840 : vector<16xf32>
        %convert_element_type3A_842 = arith.fptosi %add3A_841 : vector<16xf32> to vector<16xi32>
        %sub3A_843 = arith.constant 16384 : i32
        %sub3A_844 = vector.broadcast %sub3A_843 : i32 to vector<16xi32>
        %sub3A_845 = arith.subi %convert_element_type3A_842, %sub3A_844 : vector<16xi32>
        %add3A_846 = arith.constant 1 : i32
        %add3A_847 = vector.broadcast %add3A_846 : i32 to vector<16xi32>
        %add3A_848 = arith.addi %sub3A_845, %add3A_847 : vector<16xi32>
        %jit3A_849 = arith.constant 0 : i32
        %jit3A_850 = arith.constant 256 : i32
        %max3A_851 = vector.broadcast %jit3A_849 : i32 to vector<16xi32>
        %max3A_852 = arith.maxsi %max3A_851, %add3A_848 : vector<16xi32>
        %min3A_853 = vector.broadcast %jit3A_850 : i32 to vector<16xi32>
        %min3A_854 = arith.minsi %min3A_853, %max3A_852 : vector<16xi32>
        %sub3A_855 = arith.constant 1 : i32
        %sub3A_856 = vector.broadcast %sub3A_855 : i32 to vector<16xi32>
        %sub3A_857 = arith.subi %min3A_854, %sub3A_856 : vector<16xi32>
        %jit3A_858 = arith.constant 0 : i32
        %jit3A_859 = arith.constant 255 : i32
        %max3A_860 = vector.broadcast %jit3A_858 : i32 to vector<16xi32>
        %max3A_861 = arith.maxsi %max3A_860, %sub3A_857 : vector<16xi32>
        %min3A_862 = vector.broadcast %jit3A_859 : i32 to vector<16xi32>
        %min3A_863 = arith.minsi %min3A_862, %max3A_861 : vector<16xi32>
        %gather3A_864 = tpu.vector_load_idx %arg10[%min3A_863] : memref<256xf32, #tpu.memory_space<vmem>>[vector<16xi32>], vector<16xf32>,
        %jit3A_865 = arith.constant 0 : i32
        %jit3A_866 = arith.constant 255 : i32
        %max3A_867 = vector.broadcast %jit3A_865 : i32 to vector<16xi32>
        %max3A_868 = arith.maxsi %max3A_867, %min3A_854 : vector<16xi32>
        %min3A_869 = vector.broadcast %jit3A_866 : i32 to vector<16xi32>
        %min3A_870 = arith.minsi %min3A_869, %max3A_868 : vector<16xi32>
        %gather3A_871 = tpu.vector_load_idx %arg10[%min3A_870] : memref<256xf32, #tpu.memory_space<vmem>>[vector<16xi32>], vector<16xf32>,
        %ge3A_872 = arith.constant 1 : i32
        %ge3A_873 = vector.broadcast %ge3A_872 : i32 to vector<16xi32>
        %ge3A_874 = arith.cmpi sge, %min3A_854, %ge3A_873 : vector<16xi32>
        %sub3A_875 = vector.broadcast %sub3A_66 : f32 to vector<16xf32>
        %sub3A_876 = arith.subf %gather3A_864, %sub3A_875 : vector<16xf32>
        %gt3A_877 = arith.cmpf ogt, %sub3A_876, %add3A_831 : vector<16xf32>
        %and3A_878 = arith.andi %ge3A_874, %gt3A_877 : vector<16xi1>
        %convert_element_type3A_879 = arith.extui %and3A_878 : vector<16xi1> to vector<16xi32>
        %sub3A_880 = arith.subi %min3A_854, %convert_element_type3A_879 : vector<16xi32>
        %le3A_881 = arith.constant 255 : i32
        %le3A_882 = vector.broadcast %le3A_881 : i32 to vector<16xi32>
        %le3A_883 = arith.cmpi sle, %min3A_854, %le3A_882 : vector<16xi32>
        %sub3A_884 = vector.broadcast %sub3A_66 : f32 to vector<16xf32>
        %sub3A_885 = arith.subf %gather3A_871, %sub3A_884 : vector<16xf32>
        %le3A_886 = arith.cmpf ole, %sub3A_885, %add3A_831 : vector<16xf32>
        %and3A_887 = arith.andi %le3A_883, %le3A_886 : vector<16xi1>
        %convert_element_type3A_888 = arith.extui %and3A_887 : vector<16xi1> to vector<16xi32>
        %add3A_889 = arith.addi %sub3A_880, %convert_element_type3A_888 : vector<16xi32>
        %add3A_890 = arith.constant 2048 : i32
        %add3A_891 = vector.broadcast %add3A_890 : i32 to vector<16xi32>
        %add3A_892 = arith.addi %add3A_889, %add3A_891 : vector<16xi32>
        %broadcast_in_dim3A_893 = arith.constant 1 : i32
        %broadcast_in_dim3A_894 = vector.broadcast %broadcast_in_dim3A_893 : i32 to vector<16xi32>
        tpu.vector_store_idx %arg19[%add3A_892], %broadcast_in_dim3A_894 {add = true} : memref<2320xi32, #tpu.memory_space<vmem>>[vector<16xi32>], vector<16xi32>,
        %scan3A_895 = arith.constant 0 : i32
        %scan3A_896 = arith.constant 6 : i32
        %scan3A_897 = arith.addi %scan3A_166, %scan3A_896 : i32
        %mul3A_898 = arith.constant 16 : i32
        %mul3A_899 = arith.muli %scan3A_897, %mul3A_898 : i32
        %get3A_900 = arith.index_cast %mul3A_899 : i32 to index
        %get3A_901 = tpu.vector_load %arg19[%get3A_900] {strides = array<i32>} : memref<2320xi32, #tpu.memory_space<vmem>>, vector<16xi32>,
        %eq3A_902 = arith.constant 0 : i32
        %eq3A_903 = vector.broadcast %eq3A_902 : i32 to vector<16xi32>
        %eq3A_904 = arith.cmpi eq, %get3A_901, %eq3A_903 : vector<16xi32>
        %eq3A_905 = arith.constant 1024 : i32
        %eq3A_906 = vector.broadcast %eq3A_905 : i32 to vector<16xi32>
        %eq3A_907 = arith.cmpi eq, %get3A_901, %eq3A_906 : vector<16xi32>
        %sub3A_908 = arith.constant 1 : i32
        %sub3A_909 = vector.broadcast %sub3A_908 : i32 to vector<16xi32>
        %sub3A_910 = arith.subi %get3A_901, %sub3A_909 : vector<16xi32>
        %jit3A_911 = arith.constant 0 : i32
        %jit3A_912 = arith.constant 1023 : i32
        %max3A_913 = vector.broadcast %jit3A_911 : i32 to vector<16xi32>
        %max3A_914 = arith.maxsi %max3A_913, %sub3A_910 : vector<16xi32>
        %min3A_915 = vector.broadcast %jit3A_912 : i32 to vector<16xi32>
        %min3A_916 = arith.minsi %min3A_915, %max3A_914 : vector<16xi32>
        %gather3A_917 = tpu.vector_load_idx %arg14[%min3A_916] : memref<1024xf32, #tpu.memory_space<vmem>>[vector<16xi32>], vector<16xf32>,
        %jit3A_918 = arith.constant 0 : i32
        %jit3A_919 = arith.constant 1023 : i32
        %max3A_920 = vector.broadcast %jit3A_918 : i32 to vector<16xi32>
        %max3A_921 = arith.maxsi %max3A_920, %get3A_901 : vector<16xi32>
        %min3A_922 = vector.broadcast %jit3A_919 : i32 to vector<16xi32>
        %min3A_923 = arith.minsi %min3A_922, %max3A_921 : vector<16xi32>
        %gather3A_924 = tpu.vector_load_idx %arg15[%min3A_923] : memref<1024xf32, #tpu.memory_space<vmem>>[vector<16xi32>], vector<16xf32>,
        %broadcast_in_dim3A_925 = vector.broadcast %select_n3A_102 : f32 to vector<16xf32>
        %select_n3A_926 = arith.select %eq3A_907, %broadcast_in_dim3A_925, %gather3A_917 : vector<16xi1>, vector<16xf32>
        %broadcast_in_dim3A_927 = vector.broadcast %reduce_min3A_69 : f32 to vector<16xf32>
        %select_n3A_928 = arith.select %eq3A_904, %broadcast_in_dim3A_927, %select_n3A_926 : vector<16xi1>, vector<16xf32>
        %broadcast_in_dim3A_929 = vector.broadcast %reduce_max3A_85 : f32 to vector<16xf32>
        %select_n3A_930 = arith.select %eq3A_907, %broadcast_in_dim3A_929, %gather3A_924 : vector<16xi1>, vector<16xf32>
        %broadcast_in_dim3A_931 = vector.broadcast %select_n3A_82 : f32 to vector<16xf32>
        %select_n3A_932 = arith.select %eq3A_904, %broadcast_in_dim3A_931, %select_n3A_930 : vector<16xi1>, vector<16xf32>
        %jit3A_933 = arith.constant 1 : i32
        %jit3A_934 = arith.constant 1023 : i32
        %max3A_935 = vector.broadcast %jit3A_933 : i32 to vector<16xi32>
        %max3A_936 = arith.maxsi %max3A_935, %get3A_901 : vector<16xi32>
        %min3A_937 = vector.broadcast %jit3A_934 : i32 to vector<16xi32>
        %min3A_938 = arith.minsi %min3A_937, %max3A_936 : vector<16xi32>
        %convert_element_type3A_939 = arith.sitofp %min3A_938 : vector<16xi32> to vector<16xf32>
        %mul3A_940 = arith.constant 9.765625E-4 : f32
        %mul3A_941 = vector.broadcast %mul3A_940 : f32 to vector<16xf32>
        %mul3A_942 = arith.mulf %convert_element_type3A_939, %mul3A_941 : vector<16xf32>
        %get3A_943 = arith.index_cast %mul3A_899 : i32 to index
        %get3A_944 = tpu.vector_load %arg8[%get3A_943] {strides = array<i32>} : memref<768xf32, #tpu.memory_space<vmem>>, vector<16xf32>,
        %get3A_945 = arith.index_cast %mul3A_899 : i32 to index
        %get3A_946 = tpu.vector_load %arg9[%get3A_945] {strides = array<i32>} : memref<768xf32, #tpu.memory_space<vmem>>, vector<16xf32>,
        %add3A_947 = arith.addf %get3A_946, %mul3A_942 : vector<16xf32>
        %sub3A_948 = arith.subf %get3A_944, %select_n3A_928 : vector<16xf32>
        %mul3A_949 = arith.constant 9.765625E-4 : f32
        %mul3A_950 = vector.broadcast %mul3A_949 : f32 to vector<16xf32>
        %mul3A_951 = arith.mulf %mul3A_950, %sub3A_948 : vector<16xf32>
        %sub3A_952 = arith.subf %select_n3A_932, %select_n3A_928 : vector<16xf32>
        %div3A_953 = arith.divf %mul3A_951, %sub3A_952 : vector<16xf32>
        %add3A_954 = arith.addf %add3A_947, %div3A_953 : vector<16xf32>
        %get3A_955 = arith.index_cast %mul3A_899 : i32 to index
        %get3A_956 = tpu.vector_load %arg11[%get3A_955] {strides = array<i32>} : memref<768xi32, #tpu.memory_space<vmem>>, vector<16xi32>,
        tpu.vector_store_idx %arg17[%get3A_956], %add3A_954 : memref<768xf32, #tpu.memory_space<vmem>>[vector<16xi32>], vector<16xf32>,
        %add3A_957 = vector.broadcast %sub3A_66 : f32 to vector<16xf32>
        %add3A_958 = arith.addf %add3A_954, %add3A_957 : vector<16xf32>
        %mul3A_959 = arith.constant 2.560000e+02 : f32
        %mul3A_960 = vector.broadcast %mul3A_959 : f32 to vector<16xf32>
        %mul3A_961 = arith.mulf %add3A_958, %mul3A_960 : vector<16xf32>
        %add3A_962 = arith.constant 1.638400e+04 : f32
        %add3A_963 = vector.broadcast %add3A_962 : f32 to vector<16xf32>
        %add3A_964 = arith.addf %mul3A_961, %add3A_963 : vector<16xf32>
        %convert_element_type3A_965 = arith.fptosi %add3A_964 : vector<16xf32> to vector<16xi32>
        %sub3A_966 = arith.constant 16384 : i32
        %sub3A_967 = vector.broadcast %sub3A_966 : i32 to vector<16xi32>
        %sub3A_968 = arith.subi %convert_element_type3A_965, %sub3A_967 : vector<16xi32>
        %add3A_969 = arith.constant 1 : i32
        %add3A_970 = vector.broadcast %add3A_969 : i32 to vector<16xi32>
        %add3A_971 = arith.addi %sub3A_968, %add3A_970 : vector<16xi32>
        %jit3A_972 = arith.constant 0 : i32
        %jit3A_973 = arith.constant 256 : i32
        %max3A_974 = vector.broadcast %jit3A_972 : i32 to vector<16xi32>
        %max3A_975 = arith.maxsi %max3A_974, %add3A_971 : vector<16xi32>
        %min3A_976 = vector.broadcast %jit3A_973 : i32 to vector<16xi32>
        %min3A_977 = arith.minsi %min3A_976, %max3A_975 : vector<16xi32>
        %sub3A_978 = arith.constant 1 : i32
        %sub3A_979 = vector.broadcast %sub3A_978 : i32 to vector<16xi32>
        %sub3A_980 = arith.subi %min3A_977, %sub3A_979 : vector<16xi32>
        %jit3A_981 = arith.constant 0 : i32
        %jit3A_982 = arith.constant 255 : i32
        %max3A_983 = vector.broadcast %jit3A_981 : i32 to vector<16xi32>
        %max3A_984 = arith.maxsi %max3A_983, %sub3A_980 : vector<16xi32>
        %min3A_985 = vector.broadcast %jit3A_982 : i32 to vector<16xi32>
        %min3A_986 = arith.minsi %min3A_985, %max3A_984 : vector<16xi32>
        %gather3A_987 = tpu.vector_load_idx %arg10[%min3A_986] : memref<256xf32, #tpu.memory_space<vmem>>[vector<16xi32>], vector<16xf32>,
        %jit3A_988 = arith.constant 0 : i32
        %jit3A_989 = arith.constant 255 : i32
        %max3A_990 = vector.broadcast %jit3A_988 : i32 to vector<16xi32>
        %max3A_991 = arith.maxsi %max3A_990, %min3A_977 : vector<16xi32>
        %min3A_992 = vector.broadcast %jit3A_989 : i32 to vector<16xi32>
        %min3A_993 = arith.minsi %min3A_992, %max3A_991 : vector<16xi32>
        %gather3A_994 = tpu.vector_load_idx %arg10[%min3A_993] : memref<256xf32, #tpu.memory_space<vmem>>[vector<16xi32>], vector<16xf32>,
        %ge3A_995 = arith.constant 1 : i32
        %ge3A_996 = vector.broadcast %ge3A_995 : i32 to vector<16xi32>
        %ge3A_997 = arith.cmpi sge, %min3A_977, %ge3A_996 : vector<16xi32>
        %sub3A_998 = vector.broadcast %sub3A_66 : f32 to vector<16xf32>
        %sub3A_999 = arith.subf %gather3A_987, %sub3A_998 : vector<16xf32>
        %gt3A_1000 = arith.cmpf ogt, %sub3A_999, %add3A_954 : vector<16xf32>
        %and3A_1001 = arith.andi %ge3A_997, %gt3A_1000 : vector<16xi1>
        %convert_element_type3A_1002 = arith.extui %and3A_1001 : vector<16xi1> to vector<16xi32>
        %sub3A_1003 = arith.subi %min3A_977, %convert_element_type3A_1002 : vector<16xi32>
        %le3A_1004 = arith.constant 255 : i32
        %le3A_1005 = vector.broadcast %le3A_1004 : i32 to vector<16xi32>
        %le3A_1006 = arith.cmpi sle, %min3A_977, %le3A_1005 : vector<16xi32>
        %sub3A_1007 = vector.broadcast %sub3A_66 : f32 to vector<16xf32>
        %sub3A_1008 = arith.subf %gather3A_994, %sub3A_1007 : vector<16xf32>
        %le3A_1009 = arith.cmpf ole, %sub3A_1008, %add3A_954 : vector<16xf32>
        %and3A_1010 = arith.andi %le3A_1006, %le3A_1009 : vector<16xi1>
        %convert_element_type3A_1011 = arith.extui %and3A_1010 : vector<16xi1> to vector<16xi32>
        %add3A_1012 = arith.addi %sub3A_1003, %convert_element_type3A_1011 : vector<16xi32>
        %add3A_1013 = arith.constant 2048 : i32
        %add3A_1014 = vector.broadcast %add3A_1013 : i32 to vector<16xi32>
        %add3A_1015 = arith.addi %add3A_1012, %add3A_1014 : vector<16xi32>
        %broadcast_in_dim3A_1016 = arith.constant 1 : i32
        %broadcast_in_dim3A_1017 = vector.broadcast %broadcast_in_dim3A_1016 : i32 to vector<16xi32>
        tpu.vector_store_idx %arg19[%add3A_1015], %broadcast_in_dim3A_1017 {add = true} : memref<2320xi32, #tpu.memory_space<vmem>>[vector<16xi32>], vector<16xi32>,
        %scan3A_1018 = arith.constant 0 : i32
        %scan3A_1019 = arith.constant 7 : i32
        %scan3A_1020 = arith.addi %scan3A_166, %scan3A_1019 : i32
        %mul3A_1021 = arith.constant 16 : i32
        %mul3A_1022 = arith.muli %scan3A_1020, %mul3A_1021 : i32
        %get3A_1023 = arith.index_cast %mul3A_1022 : i32 to index
        %get3A_1024 = tpu.vector_load %arg19[%get3A_1023] {strides = array<i32>} : memref<2320xi32, #tpu.memory_space<vmem>>, vector<16xi32>,
        %eq3A_1025 = arith.constant 0 : i32
        %eq3A_1026 = vector.broadcast %eq3A_1025 : i32 to vector<16xi32>
        %eq3A_1027 = arith.cmpi eq, %get3A_1024, %eq3A_1026 : vector<16xi32>
        %eq3A_1028 = arith.constant 1024 : i32
        %eq3A_1029 = vector.broadcast %eq3A_1028 : i32 to vector<16xi32>
        %eq3A_1030 = arith.cmpi eq, %get3A_1024, %eq3A_1029 : vector<16xi32>
        %sub3A_1031 = arith.constant 1 : i32
        %sub3A_1032 = vector.broadcast %sub3A_1031 : i32 to vector<16xi32>
        %sub3A_1033 = arith.subi %get3A_1024, %sub3A_1032 : vector<16xi32>
        %jit3A_1034 = arith.constant 0 : i32
        %jit3A_1035 = arith.constant 1023 : i32
        %max3A_1036 = vector.broadcast %jit3A_1034 : i32 to vector<16xi32>
        %max3A_1037 = arith.maxsi %max3A_1036, %sub3A_1033 : vector<16xi32>
        %min3A_1038 = vector.broadcast %jit3A_1035 : i32 to vector<16xi32>
        %min3A_1039 = arith.minsi %min3A_1038, %max3A_1037 : vector<16xi32>
        %gather3A_1040 = tpu.vector_load_idx %arg14[%min3A_1039] : memref<1024xf32, #tpu.memory_space<vmem>>[vector<16xi32>], vector<16xf32>,
        %jit3A_1041 = arith.constant 0 : i32
        %jit3A_1042 = arith.constant 1023 : i32
        %max3A_1043 = vector.broadcast %jit3A_1041 : i32 to vector<16xi32>
        %max3A_1044 = arith.maxsi %max3A_1043, %get3A_1024 : vector<16xi32>
        %min3A_1045 = vector.broadcast %jit3A_1042 : i32 to vector<16xi32>
        %min3A_1046 = arith.minsi %min3A_1045, %max3A_1044 : vector<16xi32>
        %gather3A_1047 = tpu.vector_load_idx %arg15[%min3A_1046] : memref<1024xf32, #tpu.memory_space<vmem>>[vector<16xi32>], vector<16xf32>,
        %broadcast_in_dim3A_1048 = vector.broadcast %select_n3A_102 : f32 to vector<16xf32>
        %select_n3A_1049 = arith.select %eq3A_1030, %broadcast_in_dim3A_1048, %gather3A_1040 : vector<16xi1>, vector<16xf32>
        %broadcast_in_dim3A_1050 = vector.broadcast %reduce_min3A_69 : f32 to vector<16xf32>
        %select_n3A_1051 = arith.select %eq3A_1027, %broadcast_in_dim3A_1050, %select_n3A_1049 : vector<16xi1>, vector<16xf32>
        %broadcast_in_dim3A_1052 = vector.broadcast %reduce_max3A_85 : f32 to vector<16xf32>
        %select_n3A_1053 = arith.select %eq3A_1030, %broadcast_in_dim3A_1052, %gather3A_1047 : vector<16xi1>, vector<16xf32>
        %broadcast_in_dim3A_1054 = vector.broadcast %select_n3A_82 : f32 to vector<16xf32>
        %select_n3A_1055 = arith.select %eq3A_1027, %broadcast_in_dim3A_1054, %select_n3A_1053 : vector<16xi1>, vector<16xf32>
        %jit3A_1056 = arith.constant 1 : i32
        %jit3A_1057 = arith.constant 1023 : i32
        %max3A_1058 = vector.broadcast %jit3A_1056 : i32 to vector<16xi32>
        %max3A_1059 = arith.maxsi %max3A_1058, %get3A_1024 : vector<16xi32>
        %min3A_1060 = vector.broadcast %jit3A_1057 : i32 to vector<16xi32>
        %min3A_1061 = arith.minsi %min3A_1060, %max3A_1059 : vector<16xi32>
        %convert_element_type3A_1062 = arith.sitofp %min3A_1061 : vector<16xi32> to vector<16xf32>
        %mul3A_1063 = arith.constant 9.765625E-4 : f32
        %mul3A_1064 = vector.broadcast %mul3A_1063 : f32 to vector<16xf32>
        %mul3A_1065 = arith.mulf %convert_element_type3A_1062, %mul3A_1064 : vector<16xf32>
        %get3A_1066 = arith.index_cast %mul3A_1022 : i32 to index
        %get3A_1067 = tpu.vector_load %arg8[%get3A_1066] {strides = array<i32>} : memref<768xf32, #tpu.memory_space<vmem>>, vector<16xf32>,
        %get3A_1068 = arith.index_cast %mul3A_1022 : i32 to index
        %get3A_1069 = tpu.vector_load %arg9[%get3A_1068] {strides = array<i32>} : memref<768xf32, #tpu.memory_space<vmem>>, vector<16xf32>,
        %add3A_1070 = arith.addf %get3A_1069, %mul3A_1065 : vector<16xf32>
        %sub3A_1071 = arith.subf %get3A_1067, %select_n3A_1051 : vector<16xf32>
        %mul3A_1072 = arith.constant 9.765625E-4 : f32
        %mul3A_1073 = vector.broadcast %mul3A_1072 : f32 to vector<16xf32>
        %mul3A_1074 = arith.mulf %mul3A_1073, %sub3A_1071 : vector<16xf32>
        %sub3A_1075 = arith.subf %select_n3A_1055, %select_n3A_1051 : vector<16xf32>
        %div3A_1076 = arith.divf %mul3A_1074, %sub3A_1075 : vector<16xf32>
        %add3A_1077 = arith.addf %add3A_1070, %div3A_1076 : vector<16xf32>
        %get3A_1078 = arith.index_cast %mul3A_1022 : i32 to index
        %get3A_1079 = tpu.vector_load %arg11[%get3A_1078] {strides = array<i32>} : memref<768xi32, #tpu.memory_space<vmem>>, vector<16xi32>,
        tpu.vector_store_idx %arg17[%get3A_1079], %add3A_1077 : memref<768xf32, #tpu.memory_space<vmem>>[vector<16xi32>], vector<16xf32>,
        %add3A_1080 = vector.broadcast %sub3A_66 : f32 to vector<16xf32>
        %add3A_1081 = arith.addf %add3A_1077, %add3A_1080 : vector<16xf32>
        %mul3A_1082 = arith.constant 2.560000e+02 : f32
        %mul3A_1083 = vector.broadcast %mul3A_1082 : f32 to vector<16xf32>
        %mul3A_1084 = arith.mulf %add3A_1081, %mul3A_1083 : vector<16xf32>
        %add3A_1085 = arith.constant 1.638400e+04 : f32
        %add3A_1086 = vector.broadcast %add3A_1085 : f32 to vector<16xf32>
        %add3A_1087 = arith.addf %mul3A_1084, %add3A_1086 : vector<16xf32>
        %convert_element_type3A_1088 = arith.fptosi %add3A_1087 : vector<16xf32> to vector<16xi32>
        %sub3A_1089 = arith.constant 16384 : i32
        %sub3A_1090 = vector.broadcast %sub3A_1089 : i32 to vector<16xi32>
        %sub3A_1091 = arith.subi %convert_element_type3A_1088, %sub3A_1090 : vector<16xi32>
        %add3A_1092 = arith.constant 1 : i32
        %add3A_1093 = vector.broadcast %add3A_1092 : i32 to vector<16xi32>
        %add3A_1094 = arith.addi %sub3A_1091, %add3A_1093 : vector<16xi32>
        %jit3A_1095 = arith.constant 0 : i32
        %jit3A_1096 = arith.constant 256 : i32
        %max3A_1097 = vector.broadcast %jit3A_1095 : i32 to vector<16xi32>
        %max3A_1098 = arith.maxsi %max3A_1097, %add3A_1094 : vector<16xi32>
        %min3A_1099 = vector.broadcast %jit3A_1096 : i32 to vector<16xi32>
        %min3A_1100 = arith.minsi %min3A_1099, %max3A_1098 : vector<16xi32>
        %sub3A_1101 = arith.constant 1 : i32
        %sub3A_1102 = vector.broadcast %sub3A_1101 : i32 to vector<16xi32>
        %sub3A_1103 = arith.subi %min3A_1100, %sub3A_1102 : vector<16xi32>
        %jit3A_1104 = arith.constant 0 : i32
        %jit3A_1105 = arith.constant 255 : i32
        %max3A_1106 = vector.broadcast %jit3A_1104 : i32 to vector<16xi32>
        %max3A_1107 = arith.maxsi %max3A_1106, %sub3A_1103 : vector<16xi32>
        %min3A_1108 = vector.broadcast %jit3A_1105 : i32 to vector<16xi32>
        %min3A_1109 = arith.minsi %min3A_1108, %max3A_1107 : vector<16xi32>
        %gather3A_1110 = tpu.vector_load_idx %arg10[%min3A_1109] : memref<256xf32, #tpu.memory_space<vmem>>[vector<16xi32>], vector<16xf32>,
        %jit3A_1111 = arith.constant 0 : i32
        %jit3A_1112 = arith.constant 255 : i32
        %max3A_1113 = vector.broadcast %jit3A_1111 : i32 to vector<16xi32>
        %max3A_1114 = arith.maxsi %max3A_1113, %min3A_1100 : vector<16xi32>
        %min3A_1115 = vector.broadcast %jit3A_1112 : i32 to vector<16xi32>
        %min3A_1116 = arith.minsi %min3A_1115, %max3A_1114 : vector<16xi32>
        %gather3A_1117 = tpu.vector_load_idx %arg10[%min3A_1116] : memref<256xf32, #tpu.memory_space<vmem>>[vector<16xi32>], vector<16xf32>,
        %ge3A_1118 = arith.constant 1 : i32
        %ge3A_1119 = vector.broadcast %ge3A_1118 : i32 to vector<16xi32>
        %ge3A_1120 = arith.cmpi sge, %min3A_1100, %ge3A_1119 : vector<16xi32>
        %sub3A_1121 = vector.broadcast %sub3A_66 : f32 to vector<16xf32>
        %sub3A_1122 = arith.subf %gather3A_1110, %sub3A_1121 : vector<16xf32>
        %gt3A_1123 = arith.cmpf ogt, %sub3A_1122, %add3A_1077 : vector<16xf32>
        %and3A_1124 = arith.andi %ge3A_1120, %gt3A_1123 : vector<16xi1>
        %convert_element_type3A_1125 = arith.extui %and3A_1124 : vector<16xi1> to vector<16xi32>
        %sub3A_1126 = arith.subi %min3A_1100, %convert_element_type3A_1125 : vector<16xi32>
        %le3A_1127 = arith.constant 255 : i32
        %le3A_1128 = vector.broadcast %le3A_1127 : i32 to vector<16xi32>
        %le3A_1129 = arith.cmpi sle, %min3A_1100, %le3A_1128 : vector<16xi32>
        %sub3A_1130 = vector.broadcast %sub3A_66 : f32 to vector<16xf32>
        %sub3A_1131 = arith.subf %gather3A_1117, %sub3A_1130 : vector<16xf32>
        %le3A_1132 = arith.cmpf ole, %sub3A_1131, %add3A_1077 : vector<16xf32>
        %and3A_1133 = arith.andi %le3A_1129, %le3A_1132 : vector<16xi1>
        %convert_element_type3A_1134 = arith.extui %and3A_1133 : vector<16xi1> to vector<16xi32>
        %add3A_1135 = arith.addi %sub3A_1126, %convert_element_type3A_1134 : vector<16xi32>
        %add3A_1136 = arith.constant 2048 : i32
        %add3A_1137 = vector.broadcast %add3A_1136 : i32 to vector<16xi32>
        %add3A_1138 = arith.addi %add3A_1135, %add3A_1137 : vector<16xi32>
        %broadcast_in_dim3A_1139 = arith.constant 1 : i32
        %broadcast_in_dim3A_1140 = vector.broadcast %broadcast_in_dim3A_1139 : i32 to vector<16xi32>
        tpu.vector_store_idx %arg19[%add3A_1138], %broadcast_in_dim3A_1140 {add = true} : memref<2320xi32, #tpu.memory_space<vmem>>[vector<16xi32>], vector<16xi32>,
        %scan3A_1141 = arith.constant 0 : i32
        scf.yield %scan3A_1141 : i32
      }
      %scan3A_150 = arith.constant 48 : i32
      %scan3A_151 = arith.constant 0 : i32
      %scan3A_152 = arith.constant 0 : i32
      %scan3A_153 = arith.constant 16 : i32
      %scan3A_154 = arith.addi %scan3A_152, %scan3A_153 : i32
      %scan3A_155 = arith.constant 2 : i32
      %scan3A_156 = scf.for %scan3A_166 = %scan3A_152 to %scan3A_154 step %scan3A_155 iter_args(%scan3A_167 = %scan3A_151) -> (i32)  : i32 {
        %mul3A_168 = arith.constant 16 : i32
        %mul3A_169 = arith.muli %scan3A_166, %mul3A_168 : i32
        %add3A_170 = arith.constant 2048 : i32
        %add3A_171 = arith.addi %mul3A_169, %add3A_170 : i32
        %get3A_172 = arith.index_cast %add3A_171 : i32 to index
        %get3A_173 = tpu.vector_load %arg19[%get3A_172] {strides = array<i32>} : memref<2320xi32, #tpu.memory_space<vmem>>, vector<16xi32>,
        %broadcast_in_dim3A_174 = arith.constant true
        %broadcast_in_dim3A_175 = vector.broadcast %broadcast_in_dim3A_174 : i1 to vector<16xi1>
        %masked_cumsum3A_176 = tpu.scan <sum>, %get3A_173 masked %broadcast_in_dim3A_175 : vector<16xi32>, vector<16xi1> -> vector<16xi32>
        %add3A_177 = vector.broadcast %scan3A_167 : i32 to vector<16xi32>
        %add3A_178 = arith.addi %masked_cumsum3A_176, %add3A_177 : vector<16xi32>
        %mul3A_179 = arith.constant 16 : i32
        %mul3A_180 = arith.muli %scan3A_166, %mul3A_179 : i32
        %add3A_181 = arith.constant 2048 : i32
        %add3A_182 = arith.addi %mul3A_180, %add3A_181 : i32
        %swap3A_183 = arith.index_cast %add3A_182 : i32 to index
        %swap3A_184 = tpu.vector_load %arg19[%swap3A_183] {strides = array<i32>} : memref<2320xi32, #tpu.memory_space<vmem>>, vector<16xi32>,
        tpu.vector_store %arg19[%swap3A_183], %add3A_178 {strides = array<i32>} : memref<2320xi32, #tpu.memory_space<vmem>>, vector<16xi32>,
        %reduce_sum3A_185 = arith.constant true
        %reduce_sum3A_186 = vector.broadcast %reduce_sum3A_185 : i1 to vector<16xi1>
        %reduce_sum3A_187 = tpu.scan <sum>, %get3A_173 masked %reduce_sum3A_186 : vector<16xi32>, vector<16xi1> -> vector<16xi32>
        %reduce_sum3A_188 = vector.extract %reduce_sum3A_187[15] : i32 from vector<16xi32>
        %add3A_189 = arith.addi %scan3A_167, %reduce_sum3A_188 : i32
        %scan3A_190 = arith.constant 1 : i32
        %scan3A_191 = arith.addi %scan3A_166, %scan3A_190 : i32
        %mul3A_192 = arith.constant 16 : i32
        %mul3A_193 = arith.muli %scan3A_191, %mul3A_192 : i32
        %add3A_194 = arith.constant 2048 : i32
        %add3A_195 = arith.addi %mul3A_193, %add3A_194 : i32
        %get3A_196 = arith.index_cast %add3A_195 : i32 to index
        %get3A_197 = tpu.vector_load %arg19[%get3A_196] {strides = array<i32>} : memref<2320xi32, #tpu.memory_space<vmem>>, vector<16xi32>,
        %broadcast_in_dim3A_198 = arith.constant true
        %broadcast_in_dim3A_199 = vector.broadcast %broadcast_in_dim3A_198 : i1 to vector<16xi1>
        %masked_cumsum3A_200 = tpu.scan <sum>, %get3A_197 masked %broadcast_in_dim3A_199 : vector<16xi32>, vector<16xi1> -> vector<16xi32>
        %add3A_201 = vector.broadcast %add3A_189 : i32 to vector<16xi32>
        %add3A_202 = arith.addi %masked_cumsum3A_200, %add3A_201 : vector<16xi32>
        %mul3A_203 = arith.constant 16 : i32
        %mul3A_204 = arith.muli %scan3A_191, %mul3A_203 : i32
        %add3A_205 = arith.constant 2048 : i32
        %add3A_206 = arith.addi %mul3A_204, %add3A_205 : i32
        %swap3A_207 = arith.index_cast %add3A_206 : i32 to index
        %swap3A_208 = tpu.vector_load %arg19[%swap3A_207] {strides = array<i32>} : memref<2320xi32, #tpu.memory_space<vmem>>, vector<16xi32>,
        tpu.vector_store %arg19[%swap3A_207], %add3A_202 {strides = array<i32>} : memref<2320xi32, #tpu.memory_space<vmem>>, vector<16xi32>,
        %reduce_sum3A_209 = arith.constant true
        %reduce_sum3A_210 = vector.broadcast %reduce_sum3A_209 : i1 to vector<16xi1>
        %reduce_sum3A_211 = tpu.scan <sum>, %get3A_197 masked %reduce_sum3A_210 : vector<16xi32>, vector<16xi1> -> vector<16xi32>
        %reduce_sum3A_212 = vector.extract %reduce_sum3A_211[15] : i32 from vector<16xi32>
        %add3A_213 = arith.addi %add3A_189, %reduce_sum3A_212 : i32
        scf.yield %add3A_213 : i32
      }
      %scan3A_157 = arith.constant 16 : i32
      %scan3A_158 = arith.constant 0 : i32
      %scan3A_159 = arith.constant 0 : i32
      %scan3A_160 = arith.constant 16 : i32
      %scan3A_161 = arith.addi %scan3A_159, %scan3A_160 : i32
      %scan3A_162 = arith.constant 4 : i32
      %scan3A_163 = scf.for %scan3A_166 = %scan3A_159 to %scan3A_161 step %scan3A_162 iter_args(%scan3A_167 = %scan3A_158) -> (i32)  : i32 {
        %mul3A_168 = arith.constant 16 : i32
        %mul3A_169 = arith.muli %scan3A_166, %mul3A_168 : i32
        %mul3A_170 = arith.constant 16 : i32
        %mul3A_171 = arith.muli %scan3A_166, %mul3A_170 : i32
        %add3A_172 = arith.constant 2048 : i32
        %add3A_173 = arith.addi %mul3A_171, %add3A_172 : i32
        %get3A_174 = arith.index_cast %add3A_173 : i32 to index
        %get3A_175 = tpu.vector_load %arg19[%get3A_174] {strides = array<i32>} : memref<2320xi32, #tpu.memory_space<vmem>>, vector<16xi32>,
        %sub3A_176 = arith.constant 1 : i32
        %sub3A_177 = vector.broadcast %sub3A_176 : i32 to vector<16xi32>
        %sub3A_178 = arith.subi %get3A_175, %sub3A_177 : vector<16xi32>
        %jit3A = arith.constant 0 : i32
        %jit3A_179 = arith.constant 766 : i32
        %max3A = vector.broadcast %jit3A : i32 to vector<16xi32>
        %max3A_180 = arith.maxsi %max3A, %sub3A_178 : vector<16xi32>
        %min3A = vector.broadcast %jit3A_179 : i32 to vector<16xi32>
        %min3A_181 = arith.minsi %min3A, %max3A_180 : vector<16xi32>
        %gather3A = tpu.vector_load_idx %arg17[%min3A_181] : memref<768xf32, #tpu.memory_space<vmem>>[vector<16xi32>], vector<16xf32>,
        %add3A_182 = arith.constant 1 : i32
        %add3A_183 = vector.broadcast %add3A_182 : i32 to vector<16xi32>
        %add3A_184 = arith.addi %min3A_181, %add3A_183 : vector<16xi32>
        %gather3A_185 = tpu.vector_load_idx %arg17[%add3A_184] : memref<768xf32, #tpu.memory_space<vmem>>[vector<16xi32>], vector<16xf32>,
        %get3A_186 = arith.index_cast %mul3A_169 : i32 to index
        %get3A_187 = tpu.vector_load %arg10[%get3A_186] {strides = array<i32>} : memref<256xf32, #tpu.memory_space<vmem>>, vector<16xf32>,
        %sub3A_188 = vector.broadcast %sub3A_66 : f32 to vector<16xf32>
        %sub3A_189 = arith.subf %get3A_187, %sub3A_188 : vector<16xf32>
        %convert_element_type3A_190 = arith.sitofp %min3A_181 : vector<16xi32> to vector<16xf32>
        %mul3A_191 = arith.constant 0.00391134294 : f32
        %mul3A_192 = vector.broadcast %mul3A_191 : f32 to vector<16xf32>
        %mul3A_193 = arith.mulf %mul3A_192, %convert_element_type3A_190 : vector<16xf32>
        %add3A_194 = arith.constant -1.000000e+00 : f32
        %add3A_195 = vector.broadcast %add3A_194 : f32 to vector<16xf32>
        %add3A_196 = arith.addf %add3A_195, %mul3A_193 : vector<16xf32>
        %sub3A_197 = arith.subf %sub3A_189, %gather3A : vector<16xf32>
        %mul3A_198 = arith.constant 0.00391134294 : f32
        %mul3A_199 = vector.broadcast %mul3A_198 : f32 to vector<16xf32>
        %mul3A_200 = arith.mulf %mul3A_199, %sub3A_197 : vector<16xf32>
        %sub3A_201 = arith.subf %gather3A_185, %gather3A : vector<16xf32>
        %div3A = arith.divf %mul3A_200, %sub3A_201 : vector<16xf32>
        %add3A_202 = arith.addf %add3A_196, %div3A : vector<16xf32>
        %sub3A_203 = arith.subf %add3A_202, %get3A_187 : vector<16xf32>
        %swap3A_204 = arith.index_cast %scan3A_11 : i32 to index
        %swap3A_205 = arith.index_cast %mul3A_169 : i32 to index
        %swap3A_206 = tpu.vector_load %arg18[%swap3A_204, %swap3A_205] {strides = array<i32>} : memref<64x256xf32, #tpu.memory_space<vmem>>, vector<16xf32>,
        tpu.vector_store %arg18[%swap3A_204, %swap3A_205], %sub3A_203 {strides = array<i32>} : memref<64x256xf32, #tpu.memory_space<vmem>>, vector<16xf32>,
        %scan3A_207 = arith.constant 0 : i32
        %scan3A_208 = arith.constant 1 : i32
        %scan3A_209 = arith.addi %scan3A_166, %scan3A_208 : i32
        %mul3A_210 = arith.constant 16 : i32
        %mul3A_211 = arith.muli %scan3A_209, %mul3A_210 : i32
        %mul3A_212 = arith.constant 16 : i32
        %mul3A_213 = arith.muli %scan3A_209, %mul3A_212 : i32
        %add3A_214 = arith.constant 2048 : i32
        %add3A_215 = arith.addi %mul3A_213, %add3A_214 : i32
        %get3A_216 = arith.index_cast %add3A_215 : i32 to index
        %get3A_217 = tpu.vector_load %arg19[%get3A_216] {strides = array<i32>} : memref<2320xi32, #tpu.memory_space<vmem>>, vector<16xi32>,
        %sub3A_218 = arith.constant 1 : i32
        %sub3A_219 = vector.broadcast %sub3A_218 : i32 to vector<16xi32>
        %sub3A_220 = arith.subi %get3A_217, %sub3A_219 : vector<16xi32>
        %jit3A_221 = arith.constant 0 : i32
        %jit3A_222 = arith.constant 766 : i32
        %max3A_223 = vector.broadcast %jit3A_221 : i32 to vector<16xi32>
        %max3A_224 = arith.maxsi %max3A_223, %sub3A_220 : vector<16xi32>
        %min3A_225 = vector.broadcast %jit3A_222 : i32 to vector<16xi32>
        %min3A_226 = arith.minsi %min3A_225, %max3A_224 : vector<16xi32>
        %gather3A_227 = tpu.vector_load_idx %arg17[%min3A_226] : memref<768xf32, #tpu.memory_space<vmem>>[vector<16xi32>], vector<16xf32>,
        %add3A_228 = arith.constant 1 : i32
        %add3A_229 = vector.broadcast %add3A_228 : i32 to vector<16xi32>
        %add3A_230 = arith.addi %min3A_226, %add3A_229 : vector<16xi32>
        %gather3A_231 = tpu.vector_load_idx %arg17[%add3A_230] : memref<768xf32, #tpu.memory_space<vmem>>[vector<16xi32>], vector<16xf32>,
        %get3A_232 = arith.index_cast %mul3A_211 : i32 to index
        %get3A_233 = tpu.vector_load %arg10[%get3A_232] {strides = array<i32>} : memref<256xf32, #tpu.memory_space<vmem>>, vector<16xf32>,
        %sub3A_234 = vector.broadcast %sub3A_66 : f32 to vector<16xf32>
        %sub3A_235 = arith.subf %get3A_233, %sub3A_234 : vector<16xf32>
        %convert_element_type3A_236 = arith.sitofp %min3A_226 : vector<16xi32> to vector<16xf32>
        %mul3A_237 = arith.constant 0.00391134294 : f32
        %mul3A_238 = vector.broadcast %mul3A_237 : f32 to vector<16xf32>
        %mul3A_239 = arith.mulf %mul3A_238, %convert_element_type3A_236 : vector<16xf32>
        %add3A_240 = arith.constant -1.000000e+00 : f32
        %add3A_241 = vector.broadcast %add3A_240 : f32 to vector<16xf32>
        %add3A_242 = arith.addf %add3A_241, %mul3A_239 : vector<16xf32>
        %sub3A_243 = arith.subf %sub3A_235, %gather3A_227 : vector<16xf32>
        %mul3A_244 = arith.constant 0.00391134294 : f32
        %mul3A_245 = vector.broadcast %mul3A_244 : f32 to vector<16xf32>
        %mul3A_246 = arith.mulf %mul3A_245, %sub3A_243 : vector<16xf32>
        %sub3A_247 = arith.subf %gather3A_231, %gather3A_227 : vector<16xf32>
        %div3A_248 = arith.divf %mul3A_246, %sub3A_247 : vector<16xf32>
        %add3A_249 = arith.addf %add3A_242, %div3A_248 : vector<16xf32>
        %sub3A_250 = arith.subf %add3A_249, %get3A_233 : vector<16xf32>
        %swap3A_251 = arith.index_cast %scan3A_11 : i32 to index
        %swap3A_252 = arith.index_cast %mul3A_211 : i32 to index
        %swap3A_253 = tpu.vector_load %arg18[%swap3A_251, %swap3A_252] {strides = array<i32>} : memref<64x256xf32, #tpu.memory_space<vmem>>, vector<16xf32>,
        tpu.vector_store %arg18[%swap3A_251, %swap3A_252], %sub3A_250 {strides = array<i32>} : memref<64x256xf32, #tpu.memory_space<vmem>>, vector<16xf32>,
        %scan3A_254 = arith.constant 0 : i32
        %scan3A_255 = arith.constant 2 : i32
        %scan3A_256 = arith.addi %scan3A_166, %scan3A_255 : i32
        %mul3A_257 = arith.constant 16 : i32
        %mul3A_258 = arith.muli %scan3A_256, %mul3A_257 : i32
        %mul3A_259 = arith.constant 16 : i32
        %mul3A_260 = arith.muli %scan3A_256, %mul3A_259 : i32
        %add3A_261 = arith.constant 2048 : i32
        %add3A_262 = arith.addi %mul3A_260, %add3A_261 : i32
        %get3A_263 = arith.index_cast %add3A_262 : i32 to index
        %get3A_264 = tpu.vector_load %arg19[%get3A_263] {strides = array<i32>} : memref<2320xi32, #tpu.memory_space<vmem>>, vector<16xi32>,
        %sub3A_265 = arith.constant 1 : i32
        %sub3A_266 = vector.broadcast %sub3A_265 : i32 to vector<16xi32>
        %sub3A_267 = arith.subi %get3A_264, %sub3A_266 : vector<16xi32>
        %jit3A_268 = arith.constant 0 : i32
        %jit3A_269 = arith.constant 766 : i32
        %max3A_270 = vector.broadcast %jit3A_268 : i32 to vector<16xi32>
        %max3A_271 = arith.maxsi %max3A_270, %sub3A_267 : vector<16xi32>
        %min3A_272 = vector.broadcast %jit3A_269 : i32 to vector<16xi32>
        %min3A_273 = arith.minsi %min3A_272, %max3A_271 : vector<16xi32>
        %gather3A_274 = tpu.vector_load_idx %arg17[%min3A_273] : memref<768xf32, #tpu.memory_space<vmem>>[vector<16xi32>], vector<16xf32>,
        %add3A_275 = arith.constant 1 : i32
        %add3A_276 = vector.broadcast %add3A_275 : i32 to vector<16xi32>
        %add3A_277 = arith.addi %min3A_273, %add3A_276 : vector<16xi32>
        %gather3A_278 = tpu.vector_load_idx %arg17[%add3A_277] : memref<768xf32, #tpu.memory_space<vmem>>[vector<16xi32>], vector<16xf32>,
        %get3A_279 = arith.index_cast %mul3A_258 : i32 to index
        %get3A_280 = tpu.vector_load %arg10[%get3A_279] {strides = array<i32>} : memref<256xf32, #tpu.memory_space<vmem>>, vector<16xf32>,
        %sub3A_281 = vector.broadcast %sub3A_66 : f32 to vector<16xf32>
        %sub3A_282 = arith.subf %get3A_280, %sub3A_281 : vector<16xf32>
        %convert_element_type3A_283 = arith.sitofp %min3A_273 : vector<16xi32> to vector<16xf32>
        %mul3A_284 = arith.constant 0.00391134294 : f32
        %mul3A_285 = vector.broadcast %mul3A_284 : f32 to vector<16xf32>
        %mul3A_286 = arith.mulf %mul3A_285, %convert_element_type3A_283 : vector<16xf32>
        %add3A_287 = arith.constant -1.000000e+00 : f32
        %add3A_288 = vector.broadcast %add3A_287 : f32 to vector<16xf32>
        %add3A_289 = arith.addf %add3A_288, %mul3A_286 : vector<16xf32>
        %sub3A_290 = arith.subf %sub3A_282, %gather3A_274 : vector<16xf32>
        %mul3A_291 = arith.constant 0.00391134294 : f32
        %mul3A_292 = vector.broadcast %mul3A_291 : f32 to vector<16xf32>
        %mul3A_293 = arith.mulf %mul3A_292, %sub3A_290 : vector<16xf32>
        %sub3A_294 = arith.subf %gather3A_278, %gather3A_274 : vector<16xf32>
        %div3A_295 = arith.divf %mul3A_293, %sub3A_294 : vector<16xf32>
        %add3A_296 = arith.addf %add3A_289, %div3A_295 : vector<16xf32>
        %sub3A_297 = arith.subf %add3A_296, %get3A_280 : vector<16xf32>
        %swap3A_298 = arith.index_cast %scan3A_11 : i32 to index
        %swap3A_299 = arith.index_cast %mul3A_258 : i32 to index
        %swap3A_300 = tpu.vector_load %arg18[%swap3A_298, %swap3A_299] {strides = array<i32>} : memref<64x256xf32, #tpu.memory_space<vmem>>, vector<16xf32>,
        tpu.vector_store %arg18[%swap3A_298, %swap3A_299], %sub3A_297 {strides = array<i32>} : memref<64x256xf32, #tpu.memory_space<vmem>>, vector<16xf32>,
        %scan3A_301 = arith.constant 0 : i32
        %scan3A_302 = arith.constant 3 : i32
        %scan3A_303 = arith.addi %scan3A_166, %scan3A_302 : i32
        %mul3A_304 = arith.constant 16 : i32
        %mul3A_305 = arith.muli %scan3A_303, %mul3A_304 : i32
        %mul3A_306 = arith.constant 16 : i32
        %mul3A_307 = arith.muli %scan3A_303, %mul3A_306 : i32
        %add3A_308 = arith.constant 2048 : i32
        %add3A_309 = arith.addi %mul3A_307, %add3A_308 : i32
        %get3A_310 = arith.index_cast %add3A_309 : i32 to index
        %get3A_311 = tpu.vector_load %arg19[%get3A_310] {strides = array<i32>} : memref<2320xi32, #tpu.memory_space<vmem>>, vector<16xi32>,
        %sub3A_312 = arith.constant 1 : i32
        %sub3A_313 = vector.broadcast %sub3A_312 : i32 to vector<16xi32>
        %sub3A_314 = arith.subi %get3A_311, %sub3A_313 : vector<16xi32>
        %jit3A_315 = arith.constant 0 : i32
        %jit3A_316 = arith.constant 766 : i32
        %max3A_317 = vector.broadcast %jit3A_315 : i32 to vector<16xi32>
        %max3A_318 = arith.maxsi %max3A_317, %sub3A_314 : vector<16xi32>
        %min3A_319 = vector.broadcast %jit3A_316 : i32 to vector<16xi32>
        %min3A_320 = arith.minsi %min3A_319, %max3A_318 : vector<16xi32>
        %gather3A_321 = tpu.vector_load_idx %arg17[%min3A_320] : memref<768xf32, #tpu.memory_space<vmem>>[vector<16xi32>], vector<16xf32>,
        %add3A_322 = arith.constant 1 : i32
        %add3A_323 = vector.broadcast %add3A_322 : i32 to vector<16xi32>
        %add3A_324 = arith.addi %min3A_320, %add3A_323 : vector<16xi32>
        %gather3A_325 = tpu.vector_load_idx %arg17[%add3A_324] : memref<768xf32, #tpu.memory_space<vmem>>[vector<16xi32>], vector<16xf32>,
        %get3A_326 = arith.index_cast %mul3A_305 : i32 to index
        %get3A_327 = tpu.vector_load %arg10[%get3A_326] {strides = array<i32>} : memref<256xf32, #tpu.memory_space<vmem>>, vector<16xf32>,
        %sub3A_328 = vector.broadcast %sub3A_66 : f32 to vector<16xf32>
        %sub3A_329 = arith.subf %get3A_327, %sub3A_328 : vector<16xf32>
        %convert_element_type3A_330 = arith.sitofp %min3A_320 : vector<16xi32> to vector<16xf32>
        %mul3A_331 = arith.constant 0.00391134294 : f32
        %mul3A_332 = vector.broadcast %mul3A_331 : f32 to vector<16xf32>
        %mul3A_333 = arith.mulf %mul3A_332, %convert_element_type3A_330 : vector<16xf32>
        %add3A_334 = arith.constant -1.000000e+00 : f32
        %add3A_335 = vector.broadcast %add3A_334 : f32 to vector<16xf32>
        %add3A_336 = arith.addf %add3A_335, %mul3A_333 : vector<16xf32>
        %sub3A_337 = arith.subf %sub3A_329, %gather3A_321 : vector<16xf32>
        %mul3A_338 = arith.constant 0.00391134294 : f32
        %mul3A_339 = vector.broadcast %mul3A_338 : f32 to vector<16xf32>
        %mul3A_340 = arith.mulf %mul3A_339, %sub3A_337 : vector<16xf32>
        %sub3A_341 = arith.subf %gather3A_325, %gather3A_321 : vector<16xf32>
        %div3A_342 = arith.divf %mul3A_340, %sub3A_341 : vector<16xf32>
        %add3A_343 = arith.addf %add3A_336, %div3A_342 : vector<16xf32>
        %sub3A_344 = arith.subf %add3A_343, %get3A_327 : vector<16xf32>
        %swap3A_345 = arith.index_cast %scan3A_11 : i32 to index
        %swap3A_346 = arith.index_cast %mul3A_305 : i32 to index
        %swap3A_347 = tpu.vector_load %arg18[%swap3A_345, %swap3A_346] {strides = array<i32>} : memref<64x256xf32, #tpu.memory_space<vmem>>, vector<16xf32>,
        tpu.vector_store %arg18[%swap3A_345, %swap3A_346], %sub3A_344 {strides = array<i32>} : memref<64x256xf32, #tpu.memory_space<vmem>>, vector<16xf32>,
        %scan3A_348 = arith.constant 0 : i32
        scf.yield %scan3A_348 : i32
      }
      %scan3A_164 = arith.constant 16 : i32
      %scan3A_165 = arith.constant 0 : i32
      scf.yield %scan3A_165 : i32
    }
    %scan3A_8 = arith.constant 64 : i32
    %mul3A_9 = arith.constant 64 : i32
    %mul3A_10 = arith.muli %add3A, %mul3A_9 : i32
    "tpu.region"() ({
      %run_scoped3A = tpu.sem_alloc : memref<!tpu.dma_semaphore, #tpu.memory_space<semaphore_mem>>
      %dma_start3A = arith.constant 0 : i32
      %dma_start3A_11 = tpu.memref_slice %arg7[%mul3A_10, %dma_start3A] : memref<2048x256xf32, #tpu.memory_space<hbm>> -> memref<64x256xf32, #tpu.memory_space<hbm>>
      %dma_start3A_12 = arith.constant 0 : i32
      %dma_start3A_13 = tpu.memref_slice %arg7[%mul3A_10, %dma_start3A_12] : memref<2048x256xf32, #tpu.memory_space<hbm>> -> memref<64x256xf32, #tpu.memory_space<hbm>>
      tpu.enqueue_dma source(%arg18 : memref<64x256xf32, #tpu.memory_space<vmem>>) target(%dma_start3A_13 : memref<64x256xf32, #tpu.memory_space<hbm>>) target_semaphore(%run_scoped3A : memref<!tpu.dma_semaphore, #tpu.memory_space<semaphore_mem>>)
      %dma_wait3A = arith.constant 0 : i32
      %dma_wait3A_14 = tpu.memref_slice %arg7[%mul3A_10, %dma_wait3A] : memref<2048x256xf32, #tpu.memory_space<hbm>> -> memref<64x256xf32, #tpu.memory_space<hbm>>
      %dma_wait3A_15 = arith.constant 0 : i32
      %dma_wait3A_16 = tpu.memref_slice %arg7[%mul3A_10, %dma_wait3A_15] : memref<2048x256xf32, #tpu.memory_space<hbm>> -> memref<64x256xf32, #tpu.memory_space<hbm>>
      tpu.wait_dma2 semaphore(%run_scoped3A : memref<!tpu.dma_semaphore, #tpu.memory_space<semaphore_mem>>) src(%arg18 : memref<64x256xf32, #tpu.memory_space<vmem>>) dst(%dma_wait3A_16 : memref<64x256xf32, #tpu.memory_space<hbm>>)
      tpu.yield
    }) : () -> ()
    return
  }
}

module attributes {stable_mosaic.version = 14 : i64} {
  func.func @_qr_body(%arg0: memref<128x128xf32, #tpu.memory_space<vmem>>, %arg1: memref<128x128xf32, #tpu.memory_space<vmem>>, %arg2: memref<128x128xf32, #tpu.memory_space<vmem>>, %arg3: memref<128x128xf32, #tpu.memory_space<vmem>>) attributes {dimension_semantics = [], scalar_prefetch = 0 : i64, scratch_operands = 0 : i64, tpu.core_type = #tpu.core_type<tc>} {
    %get3A = arith.constant 0 : index
    %get3A_0 = arith.constant 0 : index
    %get3A_1 = vector.load %arg0[%get3A, %get3A_0] : memref<128x128xf32, #tpu.memory_space<vmem>>, vector<128x128xf32>
    %get3A_2 = arith.constant 0 : index
    %get3A_3 = arith.constant 0 : index
    %get3A_4 = vector.load %arg1[%get3A_2, %get3A_3] : memref<128x128xf32, #tpu.memory_space<vmem>>, vector<128x128xf32>
    %mul3A = arith.mulf %get3A_1, %get3A_1 : vector<128x128xf32>
    %reduce_sum3A = arith.constant dense<0.000000e+00> : vector<128xf32>
    %reduce_sum3A_5 = vector.multi_reduction <add>, %mul3A, %reduce_sum3A [1] : vector<128x128xf32> to vector<128xf32>
    %broadcast_in_dim3A = vector.shape_cast %reduce_sum3A_5 : vector<128xf32> to vector<128x1xf32>
    %sqrt3A = math.sqrt %broadcast_in_dim3A : vector<128x1xf32>
    %slice3A = vector.extract_strided_slice %get3A_1 {offsets = [0, 0], sizes = [128, 1], strides = [1, 1]} : vector<128x128xf32> to vector<128x1xf32>
    %ge3A = arith.constant 0.000000e+00 : f32
    %ge3A_6 = vector.broadcast %ge3A : f32 to vector<128x1xf32>
    %ge3A_7 = arith.cmpf oge, %slice3A, %ge3A_6 : vector<128x1xf32>
    %neg3A = arith.constant 0.000000e+00 : f32
    %neg3A_8 = vector.broadcast %neg3A : f32 to vector<128x1xf32>
    %neg3A_9 = arith.subf %neg3A_8, %sqrt3A : vector<128x1xf32>
    %select_n3A = arith.select %ge3A_7, %neg3A_9, %sqrt3A : vector<128x1xi1>, vector<128x1xf32>
    %div3A = vector.broadcast %select_n3A : vector<128x1xf32> to vector<128x128xf32>
    %div3A_10 = arith.divf %get3A_1, %div3A : vector<128x128xf32>
    %mul3A_11 = arith.mulf %div3A_10, %get3A_4 : vector<128x128xf32>
    %reduce_sum3A_12 = arith.constant dense<0.000000e+00> : vector<128xf32>
    %reduce_sum3A_13 = vector.multi_reduction <add>, %mul3A_11, %reduce_sum3A_12 [1] : vector<128x128xf32> to vector<128xf32>
    %broadcast_in_dim3A_14 = vector.shape_cast %reduce_sum3A_13 : vector<128xf32> to vector<128x1xf32>
    %mul3A_15 = vector.broadcast %broadcast_in_dim3A_14 : vector<128x1xf32> to vector<128x128xf32>
    %mul3A_16 = arith.mulf %mul3A_15, %div3A_10 : vector<128x128xf32>
    %sub3A = arith.subf %get3A_4, %mul3A_16 : vector<128x128xf32>
    %mul3A_17 = arith.mulf %sub3A, %sub3A : vector<128x128xf32>
    %reduce_sum3A_18 = arith.constant dense<0.000000e+00> : vector<128xf32>
    %reduce_sum3A_19 = vector.multi_reduction <add>, %mul3A_17, %reduce_sum3A_18 [1] : vector<128x128xf32> to vector<128xf32>
    %broadcast_in_dim3A_20 = vector.shape_cast %reduce_sum3A_19 : vector<128xf32> to vector<128x1xf32>
    %sqrt3A_21 = math.sqrt %broadcast_in_dim3A_20 : vector<128x1xf32>
    %mul3A_22 = arith.mulf %get3A_1, %get3A_4 : vector<128x128xf32>
    %reduce_sum3A_23 = arith.constant dense<0.000000e+00> : vector<128xf32>
    %reduce_sum3A_24 = vector.multi_reduction <add>, %mul3A_22, %reduce_sum3A_23 [1] : vector<128x128xf32> to vector<128xf32>
    %broadcast_in_dim3A_25 = vector.shape_cast %reduce_sum3A_24 : vector<128xf32> to vector<128x1xf32>
    %slice3A_26 = vector.extract_strided_slice %get3A_4 {offsets = [0, 0], sizes = [128, 1], strides = [1, 1]} : vector<128x128xf32> to vector<128x1xf32>
    %mul3A_27 = arith.mulf %select_n3A, %slice3A_26 : vector<128x1xf32>
    %sub3A_28 = arith.subf %broadcast_in_dim3A_25, %mul3A_27 : vector<128x1xf32>
    %mul3A_29 = arith.constant 2.000000e+00 : f32
    %mul3A_30 = vector.broadcast %mul3A_29 : f32 to vector<128x1xf32>
    %mul3A_31 = arith.mulf %mul3A_30, %broadcast_in_dim3A : vector<128x1xf32>
    %mul3A_32 = arith.constant 2.000000e+00 : f32
    %mul3A_33 = vector.broadcast %mul3A_32 : f32 to vector<128x1xf32>
    %mul3A_34 = arith.mulf %mul3A_33, %select_n3A : vector<128x1xf32>
    %mul3A_35 = arith.mulf %mul3A_34, %slice3A : vector<128x1xf32>
    %sub3A_36 = arith.subf %mul3A_31, %mul3A_35 : vector<128x1xf32>
    %slice3A_37 = vector.extract_strided_slice %get3A_4 {offsets = [0, 1], sizes = [128, 1], strides = [1, 1]} : vector<128x128xf32> to vector<128x1xf32>
    %div3A_38 = arith.divf %sub3A_28, %sub3A_36 : vector<128x1xf32>
    %mul3A_39 = arith.constant 2.000000e+00 : f32
    %mul3A_40 = vector.broadcast %mul3A_39 : f32 to vector<128x1xf32>
    %mul3A_41 = arith.mulf %mul3A_40, %div3A_38 : vector<128x1xf32>
    %slice3A_42 = vector.extract_strided_slice %get3A_1 {offsets = [0, 1], sizes = [128, 1], strides = [1, 1]} : vector<128x128xf32> to vector<128x1xf32>
    %mul3A_43 = arith.mulf %mul3A_41, %slice3A_42 : vector<128x1xf32>
    %sub3A_44 = arith.subf %slice3A_37, %mul3A_43 : vector<128x1xf32>
    %ge3A_45 = arith.constant 0.000000e+00 : f32
    %ge3A_46 = vector.broadcast %ge3A_45 : f32 to vector<128x1xf32>
    %ge3A_47 = arith.cmpf oge, %sub3A_44, %ge3A_46 : vector<128x1xf32>
    %jit3A = arith.constant -1.000000e+00 : f32
    %jit3A_48 = arith.constant 1.000000e+00 : f32
    %broadcast_in_dim3A_49 = vector.broadcast %jit3A : f32 to vector<128x1xf32>
    %broadcast_in_dim3A_50 = vector.broadcast %jit3A_48 : f32 to vector<128x1xf32>
    %select_n3A_51 = arith.select %ge3A_47, %broadcast_in_dim3A_49, %broadcast_in_dim3A_50 : vector<128x1xi1>, vector<128x1xf32>
    %swap3A = arith.constant 0 : index
    %swap3A_52 = arith.constant 0 : index
    %swap3A_53 = vector.load %arg2[%swap3A, %swap3A_52] : memref<128x128xf32, #tpu.memory_space<vmem>>, vector<128x128xf32>
    tpu.vector_store %arg2[%swap3A, %swap3A_52], %div3A_10 {strides = array<i32>} : memref<128x128xf32, #tpu.memory_space<vmem>>, vector<128x128xf32>,
    %div3A_54 = vector.broadcast %sqrt3A_21 : vector<128x1xf32> to vector<128x128xf32>
    %div3A_55 = arith.divf %sub3A, %div3A_54 : vector<128x128xf32>
    %mul3A_56 = vector.broadcast %select_n3A_51 : vector<128x1xf32> to vector<128x128xf32>
    %mul3A_57 = arith.mulf %mul3A_56, %div3A_55 : vector<128x128xf32>
    %swap3A_58 = arith.constant 0 : index
    %swap3A_59 = arith.constant 0 : index
    %swap3A_60 = vector.load %arg3[%swap3A_58, %swap3A_59] : memref<128x128xf32, #tpu.memory_space<vmem>>, vector<128x128xf32>
    tpu.vector_store %arg3[%swap3A_58, %swap3A_59], %mul3A_57 {strides = array<i32>} : memref<128x128xf32, #tpu.memory_space<vmem>>, vector<128x128xf32>,
    return
  }
}

module attributes {stable_mosaic.version = 14 : i64} {
  func.func @_angles_body(%arg0: i32, %arg1: memref<1x1024x128xf32, #tpu.memory_space<vmem>>, %arg2: memref<128x128xf32, #tpu.memory_space<vmem>>, %arg3: memref<128x128xf32, #tpu.memory_space<vmem>>, %arg4: memref<1x128x1024xf32, #tpu.memory_space<vmem>>) attributes {dimension_semantics = [#tpu.dimension_semantics<arbitrary>], iteration_bounds = array<i64: 16>, scalar_prefetch = 0 : i64, scratch_operands = 0 : i64, tpu.core_type = #tpu.core_type<tc>, window_params = [{transform_indices = @transform_0, window_bounds = array<i64: 1, 1024, 128>}, {pipeline_mode = #tpu.pipeline_mode<synchronous>, transform_indices = @transform_1, window_bounds = array<i64: 128, 128>}, {pipeline_mode = #tpu.pipeline_mode<synchronous>, transform_indices = @transform_2, window_bounds = array<i64: 128, 128>}, {transform_indices = @transform_3, window_bounds = array<i64: 1, 128, 1024>}]} {
    %get3A = arith.constant 0 : index
    %get3A_0 = arith.constant 0 : index
    %get3A_1 = arith.constant 0 : index
    %get3A_2 = vector.load %arg1[%get3A, %get3A_0, %get3A_1] : memref<1x1024x128xf32, #tpu.memory_space<vmem>>, vector<1x1024x128xf32>
    %get3A_3 = vector.shape_cast %get3A_2 : vector<1x1024x128xf32> to vector<1024x128xf32>
    %mul3A = arith.mulf %get3A_3, %get3A_3 : vector<1024x128xf32>
    %reduce_sum3A = arith.constant dense<0.000000e+00> : vector<1024xf32>
    %reduce_sum3A_4 = vector.multi_reduction <add>, %mul3A, %reduce_sum3A [1] : vector<1024x128xf32> to vector<1024xf32>
    %broadcast_in_dim3A = vector.shape_cast %reduce_sum3A_4 : vector<1024xf32> to vector<1024x1xf32>
    %sqrt3A = math.sqrt %broadcast_in_dim3A : vector<1024x1xf32>
    %max3A = arith.constant 9.99999996E-13 : f32
    %max3A_5 = vector.broadcast %max3A : f32 to vector<1024x1xf32>
    %max3A_6 = arith.maximumf %sqrt3A, %max3A_5 : vector<1024x1xf32>
    %div3A = vector.broadcast %max3A_6 : vector<1024x1xf32> to vector<1024x128xf32>
    %div3A_7 = arith.divf %get3A_3, %div3A : vector<1024x128xf32>
    %get3A_8 = arith.constant 0 : index
    %get3A_9 = arith.constant 0 : index
    %get3A_10 = vector.load %arg2[%get3A_8, %get3A_9] : memref<128x128xf32, #tpu.memory_space<vmem>>, vector<128x128xf32>
    %get3A_11 = arith.constant 0 : index
    %get3A_12 = arith.constant 0 : index
    %get3A_13 = vector.load %arg3[%get3A_11, %get3A_12] : memref<128x128xf32, #tpu.memory_space<vmem>>, vector<128x128xf32>
    %dot_general3A = arith.constant dense<0.000000e+00> : vector<128x1024xf32>
    %dot_general3A_14 = tpu.matmul %get3A_10, %div3A_7, %dot_general3A {dimension_numbers = #tpu.dot_dimension_numbers<[1], [1], [0], [0], [0, 0, 1, 0], [], []>, transpose_lhs_hint = false} : vector<128x128xf32>, vector<1024x128xf32>, vector<128x1024xf32> -> vector<128x1024xf32>
    %dot_general3A_15 = arith.constant dense<0.000000e+00> : vector<128x1024xf32>
    %dot_general3A_16 = tpu.matmul %get3A_13, %div3A_7, %dot_general3A_15 {dimension_numbers = #tpu.dot_dimension_numbers<[1], [1], [0], [0], [0, 0, 1, 0], [], []>, transpose_lhs_hint = false} : vector<128x128xf32>, vector<1024x128xf32>, vector<128x1024xf32> -> vector<128x1024xf32>
    %mul3A_17 = arith.mulf %dot_general3A_14, %dot_general3A_14 : vector<128x1024xf32>
    %mul3A_18 = arith.mulf %dot_general3A_16, %dot_general3A_16 : vector<128x1024xf32>
    %add3A = arith.addf %mul3A_17, %mul3A_18 : vector<128x1024xf32>
    %sqrt3A_19 = math.sqrt %add3A : vector<128x1024xf32>
    %max3A_20 = arith.constant 9.99999996E-13 : f32
    %max3A_21 = vector.broadcast %max3A_20 : f32 to vector<128x1024xf32>
    %max3A_22 = arith.maximumf %sqrt3A_19, %max3A_21 : vector<128x1024xf32>
    %div3A_23 = arith.divf %dot_general3A_14, %max3A_22 : vector<128x1024xf32>
    %div3A_24 = arith.divf %dot_general3A_16, %max3A_22 : vector<128x1024xf32>
    %neg3A = arith.constant 0.000000e+00 : f32
    %neg3A_25 = vector.broadcast %neg3A : f32 to vector<128x1024xf32>
    %neg3A_26 = arith.subf %neg3A_25, %div3A_23 : vector<128x1024xf32>
    %abs3A = math.absf %neg3A_26 : vector<128x1024xf32>
    %lt3A = arith.constant 1.000000e-10 : f32
    %lt3A_27 = vector.broadcast %lt3A : f32 to vector<128x1024xf32>
    %lt3A_28 = arith.cmpf olt, %abs3A, %lt3A_27 : vector<128x1024xf32>
    %jit3A = arith.constant 1.000000e-10 : f32
    %broadcast_in_dim3A_29 = vector.broadcast %jit3A : f32 to vector<128x1024xf32>
    %select_n3A = arith.select %lt3A_28, %broadcast_in_dim3A_29, %neg3A_26 : vector<128x1024xi1>, vector<128x1024xf32>
    %neg3A_30 = arith.constant 0.000000e+00 : f32
    %neg3A_31 = vector.broadcast %neg3A_30 : f32 to vector<128x1024xf32>
    %neg3A_32 = arith.subf %neg3A_31, %div3A_24 : vector<128x1024xf32>
    %atan23A = math.atan2 %neg3A_32, %select_n3A : vector<128x1024xf32>
    %add3A_33 = arith.constant 3.14159274 : f32
    %add3A_34 = vector.broadcast %add3A_33 : f32 to vector<128x1024xf32>
    %add3A_35 = arith.addf %atan23A, %add3A_34 : vector<128x1024xf32>
    %div3A_36 = arith.constant 6.28318548 : f32
    %div3A_37 = vector.broadcast %div3A_36 : f32 to vector<128x1024xf32>
    %div3A_38 = arith.divf %add3A_35, %div3A_37 : vector<128x1024xf32>
    %swap3A = arith.constant 0 : index
    %swap3A_39 = arith.constant 0 : index
    %swap3A_40 = arith.constant 0 : index
    %swap3A_41 = vector.load %arg4[%swap3A, %swap3A_39, %swap3A_40] : memref<1x128x1024xf32, #tpu.memory_space<vmem>>, vector<1x128x1024xf32>
    %swap3A_42 = vector.shape_cast %swap3A_41 : vector<1x128x1024xf32> to vector<128x1024xf32>
    %swap3A_43 = vector.shape_cast %div3A_38 : vector<128x1024xf32> to vector<1x128x1024xf32>
    tpu.vector_store %arg4[%swap3A, %swap3A_39, %swap3A_40], %swap3A_43 {strides = array<i32>} : memref<1x128x1024xf32, #tpu.memory_space<vmem>>, vector<1x128x1024xf32>,
    return
  }
  func.func @transform_0(%arg0: i32) -> (i32, i32, i32) {
    %c0_i32 = arith.constant 0 : i32
    %c0_i32_0 = arith.constant 0 : i32
    %c0_i32_1 = arith.constant 0 : i32
    return %arg0, %c0_i32, %c0_i32_0 : i32, i32, i32
  }
  func.func @transform_1(%arg0: i32) -> (i32, i32) {
    %c0_i32 = arith.constant 0 : i32
    %c0_i32_0 = arith.constant 0 : i32
    %c0_i32_1 = arith.constant 0 : i32
    return %c0_i32, %c0_i32_0 : i32, i32
  }
  func.func @transform_2(%arg0: i32) -> (i32, i32) {
    %c0_i32 = arith.constant 0 : i32
    %c0_i32_0 = arith.constant 0 : i32
    %c0_i32_1 = arith.constant 0 : i32
    return %c0_i32, %c0_i32_0 : i32, i32
  }
  func.func @transform_3(%arg0: i32) -> (i32, i32, i32) {
    %c0_i32 = arith.constant 0 : i32
    %c0_i32_0 = arith.constant 0 : i32
    %c0_i32_1 = arith.constant 0 : i32
    return %arg0, %c0_i32, %c0_i32_0 : i32, i32, i32
  }
}

module attributes {stable_mosaic.version = 14 : i64} {
  func.func @_loss_body(%arg0: memref<8x128x256xf32, #tpu.memory_space<vmem>>, %arg1: memref<8x128x256xf32, #tpu.memory_space<vmem>>, %arg2: memref<8x128xf32, #tpu.memory_space<vmem>>) attributes {dimension_semantics = [], scalar_prefetch = 0 : i64, scratch_operands = 0 : i64, tpu.core_type = #tpu.core_type<tc>} {
    %get3A = arith.constant 0 : index
    %get3A_0 = arith.constant 0 : index
    %get3A_1 = arith.constant 0 : index
    %get3A_2 = vector.load %arg1[%get3A, %get3A_0, %get3A_1] : memref<8x128x256xf32, #tpu.memory_space<vmem>>, vector<8x128x256xf32>
    %get3A_3 = arith.constant 0 : index
    %get3A_4 = arith.constant 0 : index
    %get3A_5 = arith.constant 0 : index
    %get3A_6 = vector.load %arg0[%get3A_3, %get3A_4, %get3A_5] : memref<8x128x256xf32, #tpu.memory_space<vmem>>, vector<8x128x256xf32>
    %sub3A = arith.subf %get3A_2, %get3A_6 : vector<8x128x256xf32>
    %abs3A = math.absf %sub3A : vector<8x128x256xf32>
    %sub3A_7 = arith.constant 1.000000e+00 : f32
    %sub3A_8 = vector.broadcast %sub3A_7 : f32 to vector<8x128x256xf32>
    %sub3A_9 = arith.subf %sub3A_8, %abs3A : vector<8x128x256xf32>
    %min3A = arith.minimumf %abs3A, %sub3A_9 : vector<8x128x256xf32>
    %mul3A = arith.mulf %min3A, %min3A : vector<8x128x256xf32>
    %reduce_sum3A = arith.constant dense<0.000000e+00> : vector<8x128xf32>
    %reduce_sum3A_10 = vector.multi_reduction <add>, %mul3A, %reduce_sum3A [2] : vector<8x128x256xf32> to vector<8x128xf32>
    %sqrt3A = math.sqrt %reduce_sum3A_10 : vector<8x128xf32>
    %reduce_sum3A_11 = arith.constant dense<0.000000e+00> : vector<8xf32>
    %reduce_sum3A_12 = vector.multi_reduction <add>, %sqrt3A, %reduce_sum3A_11 [1] : vector<8x128xf32> to vector<8xf32>
    %broadcast_in_dim3A = vector.shape_cast %reduce_sum3A_12 : vector<8xf32> to vector<8x1xf32>
    %div3A = arith.constant 1.280000e+02 : f32
    %div3A_13 = vector.broadcast %div3A : f32 to vector<8x1xf32>
    %div3A_14 = arith.divf %broadcast_in_dim3A, %div3A_13 : vector<8x1xf32>
    %broadcast_in_dim3A_15 = vector.shape_cast %div3A_14 : vector<8x1xf32> to vector<8x1xf32>
    %broadcast_in_dim3A_16 = vector.broadcast %broadcast_in_dim3A_15 : vector<8x1xf32> to vector<8x128xf32>
    %swap3A = arith.constant 0 : index
    %swap3A_17 = arith.constant 0 : index
    %swap3A_18 = vector.load %arg2[%swap3A, %swap3A_17] : memref<8x128xf32, #tpu.memory_space<vmem>>, vector<8x128xf32>
    tpu.vector_store %arg2[%swap3A, %swap3A_17], %broadcast_in_dim3A_16 {strides = array<i32>} : memref<8x128xf32, #tpu.memory_space<vmem>>, vector<8x128xf32>,
    return
  }
}

</mosaic_0001>

<sc_bundles>
// kernel: kernel.6.cloned.1.call-start
scs
__scs_entry_jumppad:
0x0: {  	(pc) =	sbr.rel $0x88, $3  }
0x1: {  	(tag) =	ssettag $0x0;
	lr =	simm.s32 $0x1  }
0x2: {  	[smem:$0x3F9E] =	sst lr;
	_ =	strace $0xD0000000  }
0x3: {  	_ = 	snop  }
0x4: {  	_ = 	snop  }
0x5: {  	_ = 	snop  }
0x6: {  	_ = 	snop  }
0x7: {  	_ = 	snop  }
__scs_overlays_trampoline_lowered:
0x8: {  	[smem:$0x3FAD] =	sst s0  }
0x9: {  	[smem:$0x3FAE] =	sst s1  }
0xa: {  	[smem:$0x3FAF] =	sst s2  }
0xb: {  	[smem:$0x3FB0] =	sst s3  }
0xc: {  	[smem:$0x3FB1] =	sst s4  }
0xd: {  	[smem:$0x3FB2] =	sst s5  }
0xe: {  	[smem:$0x3FB3] =	sst s6  }
0xf: {  	[smem:$0x3FB4] =	sst s7  }
0x10: {  	[smem:$0x3FB5] =	sst s8  }
0x11: {  	[smem:$0x3FB6] =	sst s9;
	s0 =	simm.s32 @!p0 $0x0  }
0x12: {  	s1 =	sld [smem:$0x3F9C];
	s0 =	simm.s32 @p0 $0x1  }
0x13: {  	[smem:$0x3FB7] =	sst s0;
	s0 =	simm.s32 @!p1 $0x0  }
0x14: {  	s2 =	sld [smem:$0x3F9B];
	s0 =	simm.s32 @p1 $0x1  }
0x15: {  	[smem:$0x3FB8] =	sst s0;
	s0 =	simm.s32 @!p2 $0x0  }
0x16: {  	s3 =	sld [smem:$0x3FDB];
	s0 =	simm.s32 @p2 $0x1  }
0x17: {  	s4 =	simm.s32 $0x1BF5;
	[smem:$0x3FBA] =	sst s0  }
0x18: {  	s0 =	sld [smem:$0x3F9D];
	_ =	swait.ge [sflag:s4], $0x0  }
0x19: {  	s7 =	sld [smem:$0x3F9E]  }
0x1a: {  	s8 =	sadd.s32 $0xFFFFE003, lr  }
0x1b: {  	s9 =	sadd.s32 $0xFFFFFEF7, lr;
	s5 =	simm.s32 $0xFFFFFFFF;
	p2 =	slt.u32 s8, $0xFFFFF086  }
0x1c: {  	p1 =	slt.u32 s9, $0xF7A;
	s5 =	simm.s32 @!p2 $0x0  }
0x1d: {  	s5 =	simm.s32 @p1 $0x1;
	p0 =	seq.s32 s7, s2  }
0x1e: {  	s7 =	smul.u32 @!p0 $0xF7A, s2;
	p2 =	seq.s32 @!p0 s5, $0x0  }
0x1f: {  	s9 =	smul.u32 $0xF7A, s1;
	s8 =	simm.s32 @!p0 $0x1BF5;
	p2 =	por !p2, p0  }
0x20: {  	[sflag:s8] =	ssyncset.s32 @!p0 $0xFFFFF086;
	s6 =	sadd.s32 @!p0 s3, s7;
	s7 =	simm.s32 @!p0 $0x108  }
0x21: {  	s3 =	sadd.s32 s3, s9;
	s6 =	sadd.s32 @!p0 $0x88, s6;
	s7 =	simm.s32 @p2 $0x1082  }
0x22: {  	[simem:s7], [sflag:s8] =	dma.local @!p0 [hbm:s6], $0xF7A  }
0x23: {  	s9 =	sor.u32 $0xD0000000, s2;
	s6 =	simm.s32 $0x108;
	_ =	swait.ge @!p0 [sflag:s8], $0x0  }
0x24: {  	s3 =	sadd.s32 $0x88, s3;
	s6 =	simm.s32 @!p1 $0x1082;
	[sflag:s4] =	ssyncset.s32 $0xFFFFF086  }
0x25: {  	[simem:s6], [sflag:s4] =	dma.local [hbm:s3], $0xF7A  }
0x26: {  	[smem:$0x3F9E] =	sst s1;
	(tag) =	ssettag s2;
	_ =	strace s9  }
0x27: {  	s1 =	sld [smem:$0x3FAE]  }
0x28: {  	s2 =	sld [smem:$0x3FAF]  }
0x29: {  	s4 =	sld [smem:$0x3FB1]  }
0x2a: {  	p0 =	seq.s32 s5, $0x0;
	s5 =	sld [smem:$0x3FB2]  }
0x2b: {  	s6 =	sld [smem:$0x3FB3]  }
0x2c: {  	s7 =	sld [smem:$0x3FB4]  }
0x2d: {  	s3 =	simm.s32 $0x108;
	s8 =	sld [smem:$0x3FB5]  }
0x2e: {  	s3 =	simm.s32 @!p0 $0x1082;
	s9 =	sld [smem:$0x3FB6]  }
0x2f: {  	lr =	sadd.s32 s0, s3;
	s0 =	sld [smem:$0x3FAD]  }
0x30: {  	s3 =	sld [smem:$0x3FB0]  }
0x31: {  	[smem:$0x3FB9] =	sst s10  }
0x32: {  	s10 =	sld [smem:$0x3FB7];
	_ =	sdelay $0x3  }
0x33: {  	p0 =	seq.s32 s10, $0x1;
	s10 =	sld [smem:$0x3FB9];
	_ =	sdelay $0x3  }
0x34: {  	[smem:$0x3FB9] =	sst s10  }
0x35: {  	s10 =	sld [smem:$0x3FB8];
	_ =	sdelay $0x3  }
0x36: {  	p1 =	seq.s32 s10, $0x1;
	s10 =	sld [smem:$0x3FB9];
	_ =	sdelay $0x3  }
0x37: {  	[smem:$0x3FB9] =	sst s10  }
0x38: {  	s10 =	sld [smem:$0x3FBA]  }
0x39: {  	_ = 	snop;
	(pc) =	sbr.ind lr, $3  }
0x3a: {  	_ = 	snop  }
0x3b: {  	_ = 	snop  }
0x3c: {  	p2 =	seq.s32 s10, $0x1;
	s10 =	sld [smem:$0x3FB9]  }
0x3d: {  	_ =	shalt  }
0x3e: {  	_ =	shalt  }
0x3f: {  	_ =	shalt  }
0x40: {  	_ =	shalt  }
0x41: {  	_ =	shalt  }
0x42: {  	_ =	shalt  }
0x43: {  	_ =	shalt  }
0x44: {  	_ =	shalt  }
0x45: {  	_ =	shalt  }
0x46: {  	_ =	shalt  }
0x47: {  	_ =	shalt  }
0x48: {  	_ =	shalt  }
0x49: {  	_ =	shalt  }
0x4a: {  	_ =	shalt  }
0x4b: {  	_ =	shalt  }
0x4c: {  	_ =	shalt  }
0x4d: {  	_ =	shalt  }
0x4e: {  	_ =	shalt  }
0x4f: {  	_ =	shalt  }
0x50: {  	_ =	shalt  }
0x51: {  	_ =	shalt  }
0x52: {  	_ =	shalt  }
0x53: {  	_ =	shalt  }
0x54: {  	_ =	shalt  }
0x55: {  	_ =	shalt  }
0x56: {  	_ =	shalt  }
0x57: {  	_ =	shalt  }
0x58: {  	_ =	shalt  }
0x59: {  	_ =	shalt  }
0x5a: {  	_ =	shalt  }
0x5b: {  	_ =	shalt  }
0x5c: {  	_ =	shalt  }
0x5d: {  	_ =	shalt  }
0x5e: {  	_ =	shalt  }
0x5f: {  	_ =	shalt  }
0x60: {  	_ =	shalt  }
0x61: {  	_ =	shalt  }
0x62: {  	_ =	shalt  }
0x63: {  	_ =	shalt  }
0x64: {  	_ =	shalt  }
0x65: {  	_ =	shalt  }
0x66: {  	_ =	shalt  }
0x67: {  	_ =	shalt  }
0x68: {  	_ =	shalt  }
0x69: {  	_ =	shalt  }
0x6a: {  	_ =	shalt  }
0x6b: {  	_ =	shalt  }
0x6c: {  	_ =	shalt  }
0x6d: {  	_ =	shalt  }
0x6e: {  	_ =	shalt  }
0x6f: {  	_ =	shalt  }
0x70: {  	_ =	shalt  }
0x71: {  	_ =	shalt  }
0x72: {  	_ =	shalt  }
0x73: {  	_ =	shalt  }
0x74: {  	_ =	shalt  }
0x75: {  	_ =	shalt  }
0x76: {  	_ =	shalt  }
0x77: {  	_ =	shalt  }
0x78: {  	_ =	shalt  }
0x79: {  	_ =	shalt  }
0x7a: {  	_ =	shalt  }
0x7b: {  	_ =	shalt  }
0x7c: {  	_ =	shalt  }
0x7d: {  	_ =	shalt  }
0x7e: {  	_ =	shalt  }
0x7f: {  	_ =	shalt  }
0x80: {  	_ =	shalt  }
0x81: {  	_ =	shalt  }
0x82: {  	_ =	shalt  }
0x83: {  	_ =	shalt  }
0x84: {  	_ =	shalt  }
0x85: {  	_ =	shalt  }
0x86: {  	_ =	shalt  }
0x87: {  	_ =	shalt  }
.Lfunc_end0:
.L_simem_size_0:
called_computation_lowered:
.L_overlay_start_0:
0x88: {  	s2 =	sld [smem:$0x3FD9]  }
0x89: {  	s3 =	sld [smem:$0x3FFE];
	_ =	sdelay $0x1  }
0x8a: {  	s1 =	srdreg.scid  }
0x8b: {  	s0 =	sand.u32 $0x1, s1  }
0x8c: {  	s16 =	sshll.u32 s0, $0xA;
	s2 =	sadd.s32 s3, s2  }
0x8d: {  	s2 =	sadd.s32 s2, s16  }
0x8e: {  	[smem:$0x3FC5] =	sst s2  }
0x8f: {  	_ = 	snop  }
0x90: {  	(tm) =	ssettm $0x1  }
0x91: {  	s17 =	sld [smem:$0x3FFB];
	_ =	sdelay $0x3  }
0x92: {  	_ =	strace s17  }
0x93: {  	s2 =	sld [smem:$0x3FFC];
	_ =	sdelay $0x3  }
0x94: {  	_ =	strace s2  }
0x95: {  	s2 =	sld [smem:$0x3FFD];
	_ =	sdelay $0x3  }
0x96: {  	_ =	strace s2  }
0x97: {  	_ =	strace $0x8FFFFFFF  }
0x98: {  	s18 =	sld [smem:$0x3FDB];
	_ =	sdelay $0x1  }
0x99: {  	s19 =	simm.s32 $_scs_section_size  }
0x9a: {  	s4 =	simm.s32 $_size__tile_overlayer_lowered;
	s5 =	simm.s32 $_tile_overlayer_lowered  }
0x9b: {  	s22 =	simm.s32 $0x1BFF;
	s21 =	sshll.u32 s5, $0x1;
	s2 =	sadd.s32 s19, s18  }
0x9c: {  	s6 =	simm.s32 $0x0;
	s20 =	sshll.u32 s4, $0x1;
	s4 =	sadd.s32 s21, s2  }
0x9d: {  	[timem:s6], [sflag:s22] =	dma.local [hbm:s4], s20  }
0x9e: {  	_ =	swait.ge [sflag:s22], s20  }
0x9f: {  	s3 =	ssub.s32 $0x0, s20;
	[sflag:s22] =	ssyncset.done $0x0  }
0xa0: {  	[sflag:s22] =	ssyncadd.s32 s3;
	_ =	sdelay $0x1  }
0xa1: {  	s23 =	simm.s32 $0x1B8B  }
0xa2: {  	_ =	swait.ge [sflag:s23], $0x1  }
0xa3: {  	[sflag:s23] =	ssyncset.done $0x0  }
0xa4: {  	s25 =	simm.s32 $0x1B8E;
	s24 =	sld [smem:$0x3FFE];
	[sflag:s23] =	ssyncadd.s32 $0xFFFFFFFF  }
0xa5: {  	s26 =	simm.s32 $execute0_lowered;
	[smem:$0x3FD2] =	sst s25  }
0xa6: {  	s4 =	sshll.u32 s26, $0x1;
	_ =	strace $0x80000046;
	[dreg:$0x1] =	wrdreg $0xFFFFFFFF  }
0xa7: {  	s28 =	simm.s32 $_size_execute0_lowered;
	s2 =	sadd.s32 s2, s4;
	[dreg:$0x0] =	wrdreg $0x0  }
0xa8: {  	s4 =	sshll.u32 s28, $0x1;
	[dreg:$0x2] =	wrdreg s2  }
0xa9: {  	[dreg:$0x3] =	wrdreg s4  }
0xaa: {  	[dreg:$0x4] =	wrdreg $0xC0  }
0xab: {  	_ =	task [dreg:s6], $0x5FFFF  }
0xac: {  	[dreg:$0x1] =	wrdreg $0xFFFFFFFF  }
0xad: {  	[dreg:$0x0] =	wrdreg $0x60  }
0xae: {  	[dreg:$0x2] =	wrdreg s24  }
0xaf: {  	[dreg:$0x3] =	wrdreg $0x9  }
0xb0: {  	_ =	task.clear_ibuf [dreg:s6], $0x4FFFF;
	_ =	strace $0x90000046  }
0xb1: {  	s29 =	simm.s32 $0x9;
	_ =	strace $0x80000048  }
0xb2: {  	_ =	swait.ge [sflag:s29], $0x1  }
0xb3: {  	[sflag:s29] =	ssyncadd.s32 $0xFFFFFFFF  }
0xb4: {  	_ =	strace $0x90000048  }
0xb5: {  	_ =	sfence  }
0xb6: {  	s30 =	sld [smem:$0x0];
	_ =	sdelay $0x2  }
0xb7: {  	s31 =	sshll.u32 s1, $0xD;
	s1 =	sshrl.u32 s1, $0x2  }
0xb8: {  	s3 =	sand.u32 $0x4000, s31;
	s1 =	sadd.s32 s1, s30  }
0xb9: {  	s0 =	sor.u32 s3, s0;
	s1 =	sshll.u32 s1, $0x11  }
0xba: {  	s0 =	sor.u32 s1, s0  }
0xbb: {  	s0 =	sadd.s32 $0x8F2B, s0  }
0xbc: {  	[sflag:s0] =	ssyncadd.remote.s32 $0x1  }
0xbd: {  	_ =	sfence.sel $0xFFFF  }
0xbe: {  	[dreg:$0x0] =	wrdreg $0xFFFFFFFF;
	(pc) =	sbr.abs _section_cstart, $3  }
0xbf: {  	[dreg:$0x1] =	wrdreg $0xFFFFFFFF  }
0xc0: {  	_ =	task.clear_ibuf [dreg:s6], $0x2FFFF;
	_ =	strace $0x9FFFFFFF  }
0xc1: {  	(tm) =	ssettm $0x7FFFFFFF  }
tec
execute0_lowered:
.L_overlay_start_1:
0x0: {  	(tag) =	ssettag $0x1  }
0x1: {  	s8 =	rddreg [dreg:$0x0]  }
0x2: {  	s0 =	srdreg.scid;
	s1 =	stileid.u32;
	s3 =	simm.s32 $0x0  }
0x3: {  	s10 =	simm.s32 $0x1;
	s12 =	simm.s32 $0x600;
	s15 =	simm.s32 $0x15D00  }
0x4: {  	s16 =	simm.s32 $0x10A00;
	s17 =	simm.s32 $0x10E00;
	s18 =	simm.s32 $0x11200  }
0x5: {  	s19 =	simm.s32 $0x11A00;
	s21 =	simm.s32 $0x0;
	s0 =	sand.u32 $0x1, s0  }
0x6: {  	s1 =	sshll.u32 s1, $0x7;
	[smem:$0x7FF] =	sst s3;
	s4 =	sadd.s32 $0x400, s8  }
0x7: {  	s5 =	sadd.s32 $0x600, s8;
	s6 =	sadd.s32 $0x200, s8;
	s2 =	sshll.u32 s0, $0x6  }
0x8: {  	v0 =	vlaneseq.u32;
	_ =	strace $0x80000047;
	s0 =	ssub.s32 $0x2, s0;
	s1 =	sor.u32 s2, s1  }
0x9: {  	v2 =	vmul.u32 $0xFFFFFFFF, v0;
	s7 =	sshrl.u32 s0, $0x1;
	s2 =	sshll.u32 s1, $0x7;
	s1 =	sshll.u32 s1, $0x5  }
0xa: {  	s0 =	ssub.s32 s0, s7;
	s2 =	sadd.s32 s2, s8;
	s1 =	sadd.s32 s1, s8  }
0xb: {  	v1 =	vimm.s32 $0x1;
	v0 =	vimm.s32 $0x0;
	v2 =	vadd.s32 $0xF, v2;
	s9 =	smax.u32 s0, $0x1;
	s7 =	sadd.s32 $0x800, s2;
	s8 =	sadd.s32 $0x40800, s1  }
.LBB2_1:
0xc: {  	[tilespmem:s3], [sflag:$0x1] =	stream.linear.gather [hbm4b:s4+s3], $0x300, $0x38;
	[tilespmem:$0x16680] =	vst v63  }
0xd: {  	_ =	swait.ge [sflag:s10], $0x300  }
0xe: {  	[sflag:s10] =	ssyncset.done $0x0  }
0xf: {  	s0 =	simm.s32 $0x300;
	[sflag:s10] =	ssyncadd.s32 $0xFFFFFD00  }
0x10: {  	[tilespmem:s0], [sflag:$0x1] =	stream.linear.gather [hbm4b:s5+s3], $0x300, $0x38;
	[tilespmem:$0x16680] =	vst v63  }
0x11: {  	_ =	swait.ge [sflag:s10], $0x300  }
0x12: {  	[sflag:s10] =	ssyncset.done $0x0  }
0x13: {  	[sflag:s10] =	ssyncadd.s32 $0xFFFFFD00  }
0x14: {  	s29 =	rddreg [dreg:$0x0]  }
0x15: {  	[tilespmem:s12], [sflag:$0x1] =	stream.linear.gather [hbm4b:s29+s3], $0x100, $0x38;
	[tilespmem:$0x16680] =	vst v63  }
0x16: {  	_ =	swait.ge [sflag:s10], $0x100  }
0x17: {  	[sflag:s10] =	ssyncset.done $0x0  }
0x18: {  	s30 =	simm.s32 $0x700;
	[sflag:s10] =	ssyncadd.s32 $0xFFFFFF00  }
0x19: {  	[tilespmem:s30], [sflag:$0x1] =	stream.linear.gather [hbm4b:s6+s3], $0x300, $0x38;
	[tilespmem:$0x16680] =	vst v63  }
0x1a: {  	_ =	swait.ge [sflag:s10], $0x300  }
0x1b: {  	[sflag:s10] =	ssyncset.done $0x0  }
0x1c: {  	s31 =	simm.s32 $0xA00;
	[sflag:s10] =	ssyncadd.s32 $0xFFFFFD00  }
0x1d: {  	[tilespmem:s31], [sflag:$0x1] =	stream.linear.gather [hbm4b:s7+s3], $0x10000, $0x38;
	[tilespmem:$0x16680] =	vst v63  }
0x1e: {  	_ =	swait.ge [sflag:s10], $0x10000  }
0x1f: {  	s22 =	simm.s32 $0x0;
	[sflag:s10] =	ssyncset.done $0x0  }
0x20: {  	s23 =	simm.s32 $0x0;
	s24 =	simm.s32 $0x0;
	[sflag:s10] =	ssyncadd.s32 $0xFFFF0000  }
.LBB2_2:
0x21: {  	[tilespmem:$0x15D00] =	vst v0  }
0x22: {  	[tilespmem:$0x15D10] =	vst v0  }
0x23: {  	[tilespmem:$0x15D20] =	vst v0  }
0x24: {  	[tilespmem:$0x15D30] =	vst v0  }
0x25: {  	[tilespmem:$0x15D40] =	vst v0  }
0x26: {  	[tilespmem:$0x15D50] =	vst v0  }
0x27: {  	[tilespmem:$0x15D60] =	vst v0  }
0x28: {  	[tilespmem:$0x15D70] =	vst v0  }
0x29: {  	[tilespmem:$0x15D80] =	vst v0  }
0x2a: {  	[tilespmem:$0x15D90] =	vst v0  }
0x2b: {  	[tilespmem:$0x15DA0] =	vst v0  }
0x2c: {  	[tilespmem:$0x15DB0] =	vst v0  }
0x2d: {  	[tilespmem:$0x15DC0] =	vst v0  }
0x2e: {  	[tilespmem:$0x15DD0] =	vst v0  }
0x2f: {  	[tilespmem:$0x15DE0] =	vst v0  }
0x30: {  	[tilespmem:$0x15DF0] =	vst v0  }
0x31: {  	[tilespmem:$0x15E00] =	vst v0  }
0x32: {  	[tilespmem:$0x15E10] =	vst v0  }
0x33: {  	[tilespmem:$0x15E20] =	vst v0  }
0x34: {  	[tilespmem:$0x15E30] =	vst v0  }
0x35: {  	[tilespmem:$0x15E40] =	vst v0  }
0x36: {  	[tilespmem:$0x15E50] =	vst v0  }
0x37: {  	[tilespmem:$0x15E60] =	vst v0  }
0x38: {  	[tilespmem:$0x15E70] =	vst v0  }
0x39: {  	[tilespmem:$0x15E80] =	vst v0  }
0x3a: {  	[tilespmem:$0x15E90] =	vst v0  }
0x3b: {  	[tilespmem:$0x15EA0] =	vst v0  }
0x3c: {  	[tilespmem:$0x15EB0] =	vst v0  }
0x3d: {  	[tilespmem:$0x15EC0] =	vst v0  }
0x3e: {  	[tilespmem:$0x15ED0] =	vst v0  }
0x3f: {  	[tilespmem:$0x15EE0] =	vst v0  }
0x40: {  	[tilespmem:$0x15EF0] =	vst v0  }
0x41: {  	[tilespmem:$0x15F00] =	vst v0  }
0x42: {  	[tilespmem:$0x15F10] =	vst v0  }
0x43: {  	[tilespmem:$0x15F20] =	vst v0  }
0x44: {  	[tilespmem:$0x15F30] =	vst v0  }
0x45: {  	[tilespmem:$0x15F40] =	vst v0  }
0x46: {  	[tilespmem:$0x15F50] =	vst v0  }
0x47: {  	[tilespmem:$0x15F60] =	vst v0  }
0x48: {  	[tilespmem:$0x15F70] =	vst v0  }
0x49: {  	[tilespmem:$0x15F80] =	vst v0  }
0x4a: {  	[tilespmem:$0x15F90] =	vst v0  }
0x4b: {  	[tilespmem:$0x15FA0] =	vst v0  }
0x4c: {  	[tilespmem:$0x15FB0] =	vst v0  }
0x4d: {  	[tilespmem:$0x15FC0] =	vst v0  }
0x4e: {  	[tilespmem:$0x15FD0] =	vst v0  }
0x4f: {  	[tilespmem:$0x15FE0] =	vst v0  }
0x50: {  	[tilespmem:$0x15FF0] =	vst v0  }
0x51: {  	[tilespmem:$0x16000] =	vst v0  }
0x52: {  	[tilespmem:$0x16500] =	vst v0  }
0x53: {  	[tilespmem:$0x16510] =	vst v0  }
0x54: {  	[tilespmem:$0x16520] =	vst v0  }
0x55: {  	[tilespmem:$0x16530] =	vst v0  }
0x56: {  	[tilespmem:$0x16540] =	vst v0  }
0x57: {  	[tilespmem:$0x16550] =	vst v0  }
0x58: {  	[tilespmem:$0x16560] =	vst v0  }
0x59: {  	[tilespmem:$0x16570] =	vst v0  }
0x5a: {  	[tilespmem:$0x16580] =	vst v0  }
0x5b: {  	[tilespmem:$0x16590] =	vst v0  }
0x5c: {  	[tilespmem:$0x165A0] =	vst v0  }
0x5d: {  	[tilespmem:$0x165B0] =	vst v0  }
0x5e: {  	s0 =	sshll.u32 s23, $0x2;
	s1 =	sand.u32 $0x7, s22;
	[tilespmem:$0x165C0] =	vst v0  }
0x5f: {  	[tilespmem:$0x165D0] =	vst v0;
	s30 =	sshll.u32 s24, $0xA;
	s0 =	sand.u32 $0xFFFF8000, s0;
	s1 =	sshll.u32 s1, $0x9  }
0x60: {  	[tilespmem:$0x165E0] =	vst v0;
	s2 =	sshll.u32 s24, $0x7;
	s29 =	simm.s32 $0xFFFFFFF8;
	s0 =	sor.u32 s1, s0  }
0x61: {  	[tilespmem:$0x165F0] =	vst v0;
	v3 =	vimm.f32 $-3.000000010e+38;
	s31 =	simm.s32 $0x11640;
	v4 =	vimm.f32 $-3.000000010e+38;
	s1 =	sand.u32 $0xE000, s30;
	s0 =	sshrl.u32 s0, $0x2  }
0x62: {  	[tilespmem:$0x16600] =	vst v0;
	v5 =	vimm.f32 $0.0e+00;
	v6 =	vimm.f32 $3.000000010e+38;
	v7 =	vimm.f32 $3.000000010e+38;
	s25 =	sand.u32 $0x380, s2;
	s26 =	sor.u32 $0xA00, s1;
	s28 =	sadd.s32 $0xA40, s0  }
.LBB2_3:
0x63: {  	v8 =	vld [tilespmem:s28+$0xFFFFFFC0];
	_ =	sdelay $0x4  }
0x64: {  	v9 =	vmul.f32 $7.670000000e+02, v8;
	_ =	sdelay $0x1  }
0x65: {  	v9 =	vadd.f32 $1.638400000e+04, v9;
	_ =	sdelay $0x1  }
0x66: {  	v9 =	vtrunc.f32 v9  }
0x67: {  	v9 =	vcvt.f32.s32 v9;
	_ =	sdelay $0x1  }
0x68: {  	v9 =	vadd.s32 $0xFFFFC002, v9  }
0x69: {  	vm0 =	vgt.s32 v9, $0x2  }
0x6a: {  	v10 =	vnsel vm0, $0x2, v9  }
0x6b: {  	v11 =	vmin.u32 v10, $0x300  }
0x6c: {  	v12 =	vadd.s32 $0xFFFFFFFF, v11  }
0x6d: {  	v10 =	vmin.u32 v10, $0x2FF;
	_ =	sdelay $0x2  }
0x6e: {  	s30 =	simm.s32 $0x0  }
0x6f: {  	v12 =	vld.idx.msk [tilespmem:v12+s30+$0x0], $0xffff  }
0x70: {  	v10 =	vld.idx.msk [tilespmem:v10+s30+$0x0], $0xffff;
	_ =	sdelay $0x3  }
0x71: {  	vm1 =	vgt.f32 v12, v8  }
0x72: {  	vm4 =	vlt.s32 v9, $0x300;
	vm2 =	vle.f32 v10, v8;
	vm0 =	vmand vm1, vm0  }
0x73: {  	vm5 =	vmand vm2, vm4;
	v20 =	vsel vm0, $0xFFFFFFFF, v0  }
0x74: {  	v21 =	vsel vm5, $0x1, v0;
	v9 =	vadd.s32 v20, v11  }
0x75: {  	v9 =	vadd.s32 v21, v9;
	_ =	sdelay $0x3  }
0x76: {  	[tilespmem:s31+$0xFFFFFFC0] =	vst v9  }
0x77: {  	[tilespmem:v9+s15+$0x0] =	vst.idx.add.s32.msk $0xffff, v1  }
0x78: {  	v9 =	vld [tilespmem:s28+$0xFFFFFFD0];
	_ =	sdelay $0x4  }
0x79: {  	v22 =	vmul.f32 $7.670000000e+02, v9;
	_ =	sdelay $0x1  }
0x7a: {  	v10 =	vadd.f32 $1.638400000e+04, v22;
	_ =	sdelay $0x1  }
0x7b: {  	v10 =	vtrunc.f32 v10  }
0x7c: {  	v10 =	vcvt.f32.s32 v10;
	_ =	sdelay $0x1  }
0x7d: {  	v10 =	vadd.s32 $0xFFFFC002, v10  }
0x7e: {  	vm6 =	vgt.s32 v10, $0x2  }
0x7f: {  	v23 =	vnsel vm6, $0x2, v10  }
0x80: {  	v24 =	vmin.u32 v23, $0x300  }
0x81: {  	v13 =	vadd.s32 $0xFFFFFFFF, v24  }
0x82: {  	v11 =	vmin.u32 v23, $0x2FF;
	_ =	sdelay $0x3  }
0x83: {  	v13 =	vld.idx.msk [tilespmem:v13+s30+$0x0], $0xffff  }
0x84: {  	v11 =	vld.idx.msk [tilespmem:v11+s30+$0x0], $0xffff;
	_ =	sdelay $0x3  }
0x85: {  	vm7 =	vgt.f32 v13, v9  }
0x86: {  	vm8 =	vlt.s32 v10, $0x300;
	vm9 =	vle.f32 v11, v9;
	vm0 =	vmand vm7, vm6  }
0x87: {  	vm10 =	vmand vm9, vm8;
	v25 =	vsel vm0, $0xFFFFFFFF, v0  }
0x88: {  	v26 =	vsel vm10, $0x1, v0;
	v10 =	vadd.s32 v25, v24  }
0x89: {  	v10 =	vadd.s32 v26, v10;
	_ =	sdelay $0x3  }
0x8a: {  	[tilespmem:s31+$0xFFFFFFD0] =	vst v10  }
0x8b: {  	[tilespmem:v10+s15+$0x0] =	vst.idx.add.s32.msk $0xffff, v1  }
0x8c: {  	v10 =	vld [tilespmem:s28+$0xFFFFFFE0];
	_ =	sdelay $0x4  }
0x8d: {  	v27 =	vmul.f32 $7.670000000e+02, v10;
	_ =	sdelay $0x1  }
0x8e: {  	v11 =	vadd.f32 $1.638400000e+04, v27;
	_ =	sdelay $0x1  }
0x8f: {  	v11 =	vtrunc.f32 v11  }
0x90: {  	v11 =	vcvt.f32.s32 v11;
	_ =	sdelay $0x1  }
0x91: {  	v11 =	vadd.s32 $0xFFFFC002, v11  }
0x92: {  	vm11 =	vgt.s32 v11, $0x2  }
0x93: {  	v28 =	vnsel vm11, $0x2, v11  }
0x94: {  	v29 =	vmin.u32 v28, $0x300  }
0x95: {  	v14 =	vadd.s32 $0xFFFFFFFF, v29  }
0x96: {  	v12 =	vmin.u32 v28, $0x2FF;
	_ =	sdelay $0x3  }
0x97: {  	v14 =	vld.idx.msk [tilespmem:v14+s30+$0x0], $0xffff  }
0x98: {  	v12 =	vld.idx.msk [tilespmem:v12+s30+$0x0], $0xffff;
	_ =	sdelay $0x3  }
0x99: {  	vm12 =	vgt.f32 v14, v10  }
0x9a: {  	vm13 =	vlt.s32 v11, $0x300;
	vm14 =	vle.f32 v12, v10;
	vm0 =	vmand vm12, vm11  }
0x9b: {  	vm15 =	vmand vm14, vm13;
	v30 =	vsel vm0, $0xFFFFFFFF, v0  }
0x9c: {  	v31 =	vsel vm15, $0x1, v0;
	v11 =	vadd.s32 v30, v29  }
0x9d: {  	v11 =	vadd.s32 v31, v11;
	_ =	sdelay $0x3  }
0x9e: {  	[tilespmem:s31+$0xFFFFFFE0] =	vst v11  }
0x9f: {  	[tilespmem:v11+s15+$0x0] =	vst.idx.add.s32.msk $0xffff, v1  }
0xa0: {  	v11 =	vld [tilespmem:s28+$0xFFFFFFF0];
	_ =	sdelay $0x4  }
0xa1: {  	v32 =	vmul.f32 $7.670000000e+02, v11;
	_ =	sdelay $0x1  }
0xa2: {  	v12 =	vadd.f32 $1.638400000e+04, v32;
	_ =	sdelay $0x1  }
0xa3: {  	v12 =	vtrunc.f32 v12  }
0xa4: {  	v12 =	vcvt.f32.s32 v12;
	_ =	sdelay $0x1  }
0xa5: {  	v12 =	vadd.s32 $0xFFFFC002, v12  }
0xa6: {  	vm4 =	vgt.s32 v12, $0x2  }
0xa7: {  	v33 =	vnsel vm4, $0x2, v12  }
0xa8: {  	v34 =	vmin.u32 v33, $0x300  }
0xa9: {  	v15 =	vadd.s32 $0xFFFFFFFF, v34  }
0xaa: {  	v13 =	vmin.u32 v33, $0x2FF;
	_ =	sdelay $0x3  }
0xab: {  	v15 =	vld.idx.msk [tilespmem:v15+s30+$0x0], $0xffff  }
0xac: {  	v13 =	vld.idx.msk [tilespmem:v13+s30+$0x0], $0xffff;
	_ =	sdelay $0x3  }
0xad: {  	vm5 =	vgt.f32 v15, v11  }
0xae: {  	vm6 =	vlt.s32 v12, $0x300;
	vm7 =	vle.f32 v13, v11;
	vm0 =	vmand vm5, vm4  }
0xaf: {  	vm8 =	vmand vm7, vm6;
	v35 =	vsel vm0, $0xFFFFFFFF, v0  }
0xb0: {  	v36 =	vsel vm8, $0x1, v0;
	v12 =	vadd.s32 v35, v34  }
0xb1: {  	v12 =	vadd.s32 v36, v12;
	_ =	sdelay $0x3  }
0xb2: {  	[tilespmem:s31+$0xFFFFFFF0] =	vst v12  }
0xb3: {  	[tilespmem:v12+s15+$0x0] =	vst.idx.add.s32.msk $0xffff, v1  }
0xb4: {  	v12 =	vld [tilespmem:s28+$0x0];
	_ =	sdelay $0x4  }
0xb5: {  	v37 =	vmul.f32 $7.670000000e+02, v12;
	_ =	sdelay $0x1  }
0xb6: {  	v13 =	vadd.f32 $1.638400000e+04, v37;
	_ =	sdelay $0x1  }
0xb7: {  	v13 =	vtrunc.f32 v13  }
0xb8: {  	v13 =	vcvt.f32.s32 v13;
	_ =	sdelay $0x1  }
0xb9: {  	v13 =	vadd.s32 $0xFFFFC002, v13  }
0xba: {  	vm9 =	vgt.s32 v13, $0x2  }
0xbb: {  	v38 =	vnsel vm9, $0x2, v13  }
0xbc: {  	v39 =	vmin.u32 v38, $0x300  }
0xbd: {  	v16 =	vadd.s32 $0xFFFFFFFF, v39  }
0xbe: {  	v14 =	vmin.u32 v38, $0x2FF;
	_ =	sdelay $0x3  }
0xbf: {  	v16 =	vld.idx.msk [tilespmem:v16+s30+$0x0], $0xffff  }
0xc0: {  	v14 =	vld.idx.msk [tilespmem:v14+s30+$0x0], $0xffff;
	_ =	sdelay $0x3  }
0xc1: {  	vm10 =	vgt.f32 v16, v12  }
0xc2: {  	vm11 =	vlt.s32 v13, $0x300;
	vm12 =	vle.f32 v14, v12;
	vm0 =	vmand vm10, vm9  }
0xc3: {  	vm13 =	vmand vm12, vm11;
	v40 =	vsel vm0, $0xFFFFFFFF, v0  }
0xc4: {  	v41 =	vsel vm13, $0x1, v0;
	v13 =	vadd.s32 v40, v39  }
0xc5: {  	v13 =	vadd.s32 v41, v13;
	_ =	sdelay $0x3  }
0xc6: {  	[tilespmem:s31+$0x0] =	vst v13  }
0xc7: {  	[tilespmem:v13+s15+$0x0] =	vst.idx.add.s32.msk $0xffff, v1  }
0xc8: {  	v13 =	vld [tilespmem:s28+$0x10];
	_ =	sdelay $0x4  }
0xc9: {  	v42 =	vmul.f32 $7.670000000e+02, v13;
	_ =	sdelay $0x1  }
0xca: {  	v14 =	vadd.f32 $1.638400000e+04, v42;
	_ =	sdelay $0x1  }
0xcb: {  	v14 =	vtrunc.f32 v14  }
0xcc: {  	v14 =	vcvt.f32.s32 v14;
	_ =	sdelay $0x1  }
0xcd: {  	v14 =	vadd.s32 $0xFFFFC002, v14  }
0xce: {  	vm14 =	vgt.s32 v14, $0x2  }
0xcf: {  	v43 =	vnsel vm14, $0x2, v14  }
0xd0: {  	v44 =	vmin.u32 v43, $0x300  }
0xd1: {  	v17 =	vadd.s32 $0xFFFFFFFF, v44  }
0xd2: {  	v15 =	vmin.u32 v43, $0x2FF;
	_ =	sdelay $0x3  }
0xd3: {  	v17 =	vld.idx.msk [tilespmem:v17+s30+$0x0], $0xffff  }
0xd4: {  	v15 =	vld.idx.msk [tilespmem:v15+s30+$0x0], $0xffff;
	_ =	sdelay $0x3  }
0xd5: {  	vm15 =	vgt.f32 v17, v13  }
0xd6: {  	vm4 =	vlt.s32 v14, $0x300;
	vm5 =	vle.f32 v15, v13;
	vm0 =	vmand vm15, vm14  }
0xd7: {  	vm6 =	vmand vm5, vm4;
	v45 =	vsel vm0, $0xFFFFFFFF, v0  }
0xd8: {  	v46 =	vsel vm6, $0x1, v0;
	v14 =	vadd.s32 v45, v44  }
0xd9: {  	v14 =	vadd.s32 v46, v14;
	_ =	sdelay $0x3  }
0xda: {  	[tilespmem:s31+$0x10] =	vst v14  }
0xdb: {  	[tilespmem:v14+s15+$0x0] =	vst.idx.add.s32.msk $0xffff, v1  }
0xdc: {  	v14 =	vld [tilespmem:s28+$0x20];
	_ =	sdelay $0x4  }
0xdd: {  	v47 =	vmul.f32 $7.670000000e+02, v14;
	_ =	sdelay $0x1  }
0xde: {  	v15 =	vadd.f32 $1.638400000e+04, v47;
	_ =	sdelay $0x1  }
0xdf: {  	v15 =	vtrunc.f32 v15  }
0xe0: {  	v15 =	vcvt.f32.s32 v15;
	_ =	sdelay $0x1  }
0xe1: {  	v15 =	vadd.s32 $0xFFFFC002, v15  }
0xe2: {  	vm7 =	vgt.s32 v15, $0x2  }
0xe3: {  	v48 =	vnsel vm7, $0x2, v15  }
0xe4: {  	v49 =	vmin.u32 v48, $0x300  }
0xe5: {  	v18 =	vadd.s32 $0xFFFFFFFF, v49  }
0xe6: {  	v16 =	vmin.u32 v48, $0x2FF;
	_ =	sdelay $0x3  }
0xe7: {  	v18 =	vld.idx.msk [tilespmem:v18+s30+$0x0], $0xffff  }
0xe8: {  	v16 =	vld.idx.msk [tilespmem:v16+s30+$0x0], $0xffff;
	_ =	sdelay $0x3  }
0xe9: {  	vm8 =	vgt.f32 v18, v14  }
0xea: {  	vm9 =	vlt.s32 v15, $0x300;
	vm10 =	vle.f32 v16, v14;
	vm0 =	vmand vm8, vm7  }
0xeb: {  	vm11 =	vmand vm10, vm9;
	v50 =	vsel vm0, $0xFFFFFFFF, v0  }
0xec: {  	v51 =	vsel vm11, $0x1, v0;
	v15 =	vadd.s32 v50, v49  }
0xed: {  	v15 =	vadd.s32 v51, v15;
	_ =	sdelay $0x3  }
0xee: {  	[tilespmem:s31+$0x20] =	vst v15  }
0xef: {  	[tilespmem:v15+s15+$0x0] =	vst.idx.add.s32.msk $0xffff, v1  }
0xf0: {  	v15 =	vld [tilespmem:s28+$0x30];
	_ =	sdelay $0x4  }
0xf1: {  	v52 =	vmul.f32 $7.670000000e+02, v15;
	_ =	sdelay $0x1  }
0xf2: {  	v16 =	vadd.f32 $1.638400000e+04, v52;
	_ =	sdelay $0x1  }
0xf3: {  	v16 =	vtrunc.f32 v16  }
0xf4: {  	v16 =	vcvt.f32.s32 v16;
	_ =	sdelay $0x1  }
0xf5: {  	v16 =	vadd.s32 $0xFFFFC002, v16  }
0xf6: {  	vm12 =	vgt.s32 v16, $0x2  }
0xf7: {  	v53 =	vnsel vm12, $0x2, v16  }
0xf8: {  	v19 =	vmax.f32 v7, v8;
	v7 =	vmin.f32 v7, v8;
	v54 =	vmin.u32 v53, $0x300  }
0xf9: {  	v55 =	vmin.f32 v4, v8;
	v4 =	vmax.f32 v4, v8;
	v20 =	vadd.s32 $0xFFFFFFFF, v54  }
0xfa: {  	v5 =	vadd.f32 v8, v5;
	v6 =	vmin.f32 v6, v19;
	v17 =	vmin.u32 v53, $0x2FF  }
0xfb: {  	v3 =	vmax.f32 v3, v55;
	v8 =	vmax.f32 v7, v9;
	v56 =	vmin.f32 v4, v9  }
0xfc: {  	v7 =	vmin.f32 v7, v9;
	v4 =	vmax.f32 v4, v9;
	v5 =	vadd.f32 v9, v5  }
0xfd: {  	v6 =	vmin.f32 v6, v8;
	v3 =	vmax.f32 v3, v56;
	v8 =	vmax.f32 v7, v10  }
0xfe: {  	v5 =	vadd.f32 v10, v5;
	v6 =	vmin.f32 v6, v8;
	v8 =	vmin.f32 v4, v10;
	v57 =	vld.idx.msk [tilespmem:v20+s30+$0x0], $0xffff  }
0xff: {  	v7 =	vmin.f32 v7, v10;
	v4 =	vmax.f32 v4, v10;
	v3 =	vmax.f32 v3, v8;
	v17 =	vld.idx.msk [tilespmem:v17+s30+$0x0], $0xffff  }
0x100: {  	v8 =	vmax.f32 v7, v11;
	v7 =	vmin.f32 v7, v11;
	v5 =	vadd.f32 v11, v5  }
0x101: {  	v6 =	vmin.f32 v6, v8;
	v8 =	vmin.f32 v4, v11;
	v4 =	vmax.f32 v4, v11  }
0x102: {  	v3 =	vmax.f32 v3, v8;
	v8 =	vmax.f32 v7, v12;
	v58 =	vmin.f32 v4, v12  }
0x103: {  	v7 =	vmin.f32 v7, v12;
	v4 =	vmax.f32 v4, v12;
	vm13 =	vgt.f32 v57, v15  }
0x104: {  	vm14 =	vlt.s32 v16, $0x300;
	vm15 =	vle.f32 v17, v15;
	vm0 =	vmand vm13, vm12  }
0x105: {  	v6 =	vmin.f32 v6, v8;
	v8 =	vsel vm0, $0xFFFFFFFF, v0;
	vm0 =	vmand vm15, vm14  }
0x106: {  	v5 =	vadd.f32 v12, v5;
	v8 =	vadd.s32 v8, v54;
	v59 =	vsel vm0, $0x1, v0  }
0x107: {  	v3 =	vmax.f32 v3, v58;
	v60 =	vmax.f32 v7, v13;
	v8 =	vadd.s32 v59, v8  }
0x108: {  	s29 =	sadd.s32 $0x8, s29;
	v7 =	vmin.f32 v7, v13;
	v61 =	vmin.f32 v4, v13;
	v4 =	vmax.f32 v4, v13  }
0x109: {  	p0 =	slt.u32 s29, $0x38;
	v5 =	vadd.f32 v13, v5;
	v6 =	vmin.f32 v6, v60;
	v3 =	vmax.f32 v3, v61  }
.Ltmp0:
0x10a: {  	v62 =	vmin.f32 v7, v14;
	v7 =	vmax.f32 v7, v14;
	v63 =	vmin.f32 v4, v14;
	(pc) =	sbr.rel @p0 .LBB2_3-.Ltmp0, $4  }
0x10b: {  	v4 =	vmax.f32 v4, v14;
	v5 =	vadd.f32 v14, v5;
	v6 =	vmin.f32 v6, v7;
	[tilespmem:s31+$0x30] =	vst v8  }
0x10c: {  	v3 =	vmax.f32 v3, v63;
	[tilespmem:v8+s15+$0x0] =	vst.idx.add.s32.msk $0xffff, v1;
	v8 =	vmax.f32 v62, v15  }
0x10d: {  	v7 =	vmin.f32 v62, v15;
	v6 =	vmin.f32 v6, v8;
	v8 =	vmin.f32 v4, v15  }
0x10e: {  	s1 =	simm.s32 $0x15D20;
	s28 =	sadd.s32 $0x400, s28;
	v5 =	vadd.f32 v15, v5;
	s31 =	sadd.s32 $0x80, s31;
	v4 =	vmax.f32 v4, v15;
	v3 =	vmax.f32 v3, v8  }
0x10f: {  	v8 =	vld [tilespmem:s1+$0xFFFFFFE0]  }
0x110: {  	v9 =	vld [tilespmem:s1+$0xFFFFFFF0];
	_ =	sdelay $0x3  }
0x111: {  	(xrf0) =	vadd.scan.msk.s32 $0xffff, v8  }
0x112: {  	(xrf0) =	vadd.scan.msk.s32 $0xffff, v9;
	_ =	sdelay $0x1  }
0x113: {  	v10 =	vld [tilespmem:s1+$0x0];
	_ =	sdelay $0x2  }
0x114: {  	v12, _, _ =	vpop (xrf0)  }
0x115: {  	(v2sf) =	vpush v12, $0xF;
	v13, _, _ =	vpop (xrf0)  }
0x116: {  	(xrf0) =	vadd.scan.msk.s32 $0xffff, v10;
	(v2sf) =	vpush v13, $0xF;
	_ =	sdelay $0x1  }
0x117: {  	v11 =	vld [tilespmem:s1+$0x10];
	_ =	sdelay $0x3  }
0x118: {  	v14, _, _ =	vpop (xrf0)  }
0x119: {  	(xrf0) =	vadd.scan.msk.s32 $0xffff, v11;
	(v2sf) =	vpush v14, $0xF  }
0x11a: {  	v8 =	vsub.s32 s30, v8  }
0x11b: {  	v8 =	vadd.s32 v12, v8  }
0x11c: {  	s0 =	simm.s32 $0x15D60;
	[tilespmem:s1+$0xFFFFFFE0] =	vst v8  }
0x11d: {  	v8 =	vld [tilespmem:s0+$0xFFFFFFE0]  }
0x11e: {  	v12 =	vld [tilespmem:s0+$0xFFFFFFF0]  }
0x11f: {  	v15, _, _ =	vpop (xrf0)  }
0x120: {  	(v2sf) =	vpush v15, $0xF;
	s2 =	spop (v2sf)  }
0x121: {  	v9 =	vsub.s32 v13, v9;
	s2 =	sadd.s32 $0x0, s2;
	s11 =	spop (v2sf)  }
0x122: {  	v10 =	vsub.s32 v14, v10;
	(xrf0) =	vadd.scan.msk.s32 $0xffff, v8;
	v9 =	vadd.s32 s2, v9;
	s2 =	sadd.s32 s2, s11  }
0x123: {  	(xrf0) =	vadd.scan.msk.s32 $0xffff, v12;
	[tilespmem:s1+$0xFFFFFFF0] =	vst v9;
	v9 =	vadd.s32 s2, v10  }
0x124: {  	[tilespmem:s1+$0x0] =	vst v9  }
0x125: {  	v10 =	vld [tilespmem:s0+$0x0];
	_ =	sdelay $0x2  }
0x126: {  	v9 =	vsub.s32 v15, v11;
	v11, _, _ =	vpop (xrf0);
	s31 =	spop (v2sf)  }
0x127: {  	(v2sf) =	vpush v11, $0xF;
	v13, _, _ =	vpop (xrf0);
	s13 =	sadd.s32 s2, s31  }
0x128: {  	(v2sf) =	vpush v13, $0xF;
	v9 =	vadd.s32 s13, v9;
	(xrf0) =	vadd.scan.msk.s32 $0xffff, v10  }
0x129: {  	[tilespmem:s1+$0x10] =	vst v9  }
0x12a: {  	v9 =	vsub.s32 v13, v12;
	v12 =	vld [tilespmem:s0+$0x10];
	_ =	sdelay $0x2  }
0x12b: {  	s11 =	simm.s32 $0x4;
	s2 =	spop (v2sf);
	s1 =	simm.s32 $0x15D60  }
.LBB2_5:
0x12c: {  	s11 =	sadd.s32 $0x4, s11;
	v13, _, _ =	vpop (xrf0);
	s2 =	sadd.s32 s13, s2  }
0x12d: {  	p0 =	slt.u32 s11, $0x2C;
	v8 =	vsub.s32 s2, v8;
	v10 =	vsub.s32 v13, v10;
	(v2sf) =	vpush v13, $0xF;
	(xrf0) =	vadd.scan.msk.s32 $0xffff, v12  }
0x12e: {  	v8 =	vadd.s32 v11, v8  }
0x12f: {  	[tilespmem:s0+$0xFFFFFFE0] =	vst v8  }
0x130: {  	s0 =	sadd.s32 $0x40, s0  }
0x131: {  	v8 =	vld [tilespmem:s0+$0xFFFFFFE0]  }
0x132: {  	v13 =	vld [tilespmem:s0+$0xFFFFFFF0]  }
0x133: {  	v11, _, _ =	vpop (xrf0)  }
0x134: {  	v12 =	vsub.s32 v11, v12;
	s13 =	spop (v2sf);
	(v2sf) =	vpush v11, $0xF  }
0x135: {  	s2 =	sadd.s32 s2, s13;
	s13 =	spop (v2sf)  }
0x136: {  	(xrf0) =	vadd.scan.msk.s32 $0xffff, v8;
	v9 =	vadd.s32 s2, v9;
	s2 =	sadd.s32 s2, s13  }
0x137: {  	(xrf0) =	vadd.scan.msk.s32 $0xffff, v13;
	[tilespmem:s1+$0xFFFFFFF0] =	vst v9;
	v9 =	vadd.s32 s2, v10  }
0x138: {  	[tilespmem:s1+$0x0] =	vst v9  }
0x139: {  	v10 =	vld [tilespmem:s0+$0x0];
	_ =	sdelay $0x2  }
0x13a: {  	v11, _, _ =	vpop (xrf0);
	s13 =	spop (v2sf)  }
0x13b: {  	(v2sf) =	vpush v11, $0xF;
	v14, _, _ =	vpop (xrf0);
	s13 =	sadd.s32 s2, s13  }
0x13c: {  	v9 =	vsub.s32 v14, v13;
	(v2sf) =	vpush v14, $0xF;
	(xrf0) =	vadd.scan.msk.s32 $0xffff, v10;
	v12 =	vadd.s32 s13, v12  }
.Ltmp1:
0x13d: {  	[tilespmem:s1+$0x10] =	vst v12;
	s1 =	smov.u32 s0;
	(pc) =	sbr.rel @p0 .LBB2_5-.Ltmp1, $2  }
0x13e: {  	v12 =	vld [tilespmem:s0+$0x10];
	_ =	sdelay $0x2  }
0x13f: {  	s2 =	spop (v2sf)  }
0x140: {  	v13, _, _ =	vpop (xrf0)  }
0x141: {  	(v2sf) =	vpush v13, $0xF;
	_ =	sdelay $0x5  }
0x142: {  	(xrf0) =	vadd.scan.msk.s32 $0xffff, v12;
	_ =	sdelay $0x5  }
0x143: {  	s2 =	sadd.s32 s13, s2;
	v14, _, _ =	vpop (xrf0)  }
0x144: {  	v8 =	vsub.s32 s2, v8;
	s11 =	spop (v2sf);
	(v2sf) =	vpush v14, $0xF  }
0x145: {  	v8 =	vadd.s32 v11, v8;
	s2 =	sadd.s32 s2, s11;
	s13 =	spop (v2sf)  }
0x146: {  	v10 =	vsub.s32 v13, v10;
	[tilespmem:s0+$0xFFFFFFE0] =	vst v8;
	v8 =	vadd.s32 s2, v9;
	s14 =	sadd.s32 s2, s13;
	s20 =	spop (v2sf)  }
0x147: {  	v62 =	vsub.s32 v14, v12;
	[tilespmem:s1+$0xFFFFFFF0] =	vst v8;
	v8 =	vadd.s32 s14, v10;
	s0 =	sadd.s32 s14, s20  }
0x148: {  	[tilespmem:s1+$0x0] =	vst v8;
	v8 =	vadd.s32 s0, v62  }
0x149: {  	[tilespmem:s1+$0x10] =	vst v8  }
0x14a: {  	v8 =	vld [tilespmem:$0x16000];
	_ =	sdelay $0x4  }
0x14b: {  	(xrf0) =	vadd.scan.msk.s32 $0xffff, v8;
	_ =	sdelay $0x3  }
0x14c: {  	s28 =	spop (v2sf)  }
0x14d: {  	s0 =	sadd.s32 s0, s28  }
0x14e: {  	v8 =	vsub.s32 s0, v8;
	v63, _, _ =	vpop (xrf0)  }
0x14f: {  	s30 =	simm.s32 $0xFFFFFFFC;
	s29 =	simm.s32 $0x0;
	v8 =	vadd.s32 v63, v8  }
0x150: {  	s31 =	simm.s32 $0x11600;
	s13 =	simm.s32 $0x0;
	s14 =	simm.s32 $0xFFFFFFFC;
	[tilespmem:$0x16000] =	vst v8  }
.LBB2_7:
0x151: {  	v8 =	vld [tilespmem:s31+$0x0];
	_ =	sdelay $0x4  }
0x152: {  	(xrf1) =	vunique.msk.u32 $0xffff, v8;
	_ =	sdelay $0x9  }
0x153: {  	v9 =	vld.idx.msk [tilespmem:v8+s15+$0x0], $0xffff;
	_ =	sdelay $0x1  }
0x154: {  	s0 =	sand.u32 $0x1C00, s13  }
0x155: {  	s0 =	sadd.s32 s0, s26  }
0x156: {  	s1 =	sand.u32 $0x40, s29;
	s0 =	sadd.s32 s25, s0;
	_, v10, _ =	vpop (xrf1)  }
0x157: {  	s2 =	sadd.s32 s1, s0;
	v9 =	vadd.s32 v10, v9  }
0x158: {  	v57 =	vld [tilespmem:s2+$0x0];
	v9 =	vadd.s32 $0xFFFFFFFF, v9;
	_ =	sdelay $0x3  }
0x159: {  	s20 =	sand.u32 $0x380, s29  }
0x15a: {  	s11 =	sor.u32 $0x10, s1;
	s2 =	sadd.s32 $0x11600, s20;
	[tilespmem:v9+s16+$0x0] =	vst.idx.msk $0xffff, v57  }
0x15b: {  	s20 =	sor.u32 s11, s2;
	[tilespmem:v8+s15+$0x0] =	vst.idx.add.s32.msk $0xffff, v1  }
0x15c: {  	v8 =	vld [tilespmem:s20+$0x0];
	_ =	sdelay $0x4  }
0x15d: {  	(xrf1) =	vunique.msk.u32 $0xffff, v8;
	_ =	sdelay $0x9  }
0x15e: {  	v9 =	vld.idx.msk [tilespmem:v8+s15+$0x0], $0xffff;
	_ =	sdelay $0x3  }
0x15f: {  	_, v58, _ =	vpop (xrf1)  }
0x160: {  	s11 =	sadd.s32 s11, s0;
	v9 =	vadd.s32 v58, v9  }
0x161: {  	v59 =	vld [tilespmem:s11+$0x0];
	v9 =	vadd.s32 $0xFFFFFFFF, v9;
	_ =	sdelay $0x4  }
0x162: {  	s11 =	sor.u32 $0x20, s1;
	[tilespmem:v9+s16+$0x0] =	vst.idx.msk $0xffff, v59  }
0x163: {  	s20 =	sor.u32 s11, s2;
	[tilespmem:v8+s15+$0x0] =	vst.idx.add.s32.msk $0xffff, v1  }
0x164: {  	v8 =	vld [tilespmem:s20+$0x0];
	_ =	sdelay $0x4  }
0x165: {  	(xrf1) =	vunique.msk.u32 $0xffff, v8;
	_ =	sdelay $0x9  }
0x166: {  	v9 =	vld.idx.msk [tilespmem:v8+s15+$0x0], $0xffff;
	_ =	sdelay $0x3  }
0x167: {  	_, v60, _ =	vpop (xrf1)  }
0x168: {  	s11 =	sadd.s32 s11, s0;
	v9 =	vadd.s32 v60, v9  }
0x169: {  	v61 =	vld [tilespmem:s11+$0x0];
	v9 =	vadd.s32 $0xFFFFFFFF, v9;
	_ =	sdelay $0x4  }
0x16a: {  	s1 =	sor.u32 $0x30, s1;
	[tilespmem:v9+s16+$0x0] =	vst.idx.msk $0xffff, v61  }
0x16b: {  	s2 =	sor.u32 s1, s2;
	[tilespmem:v8+s15+$0x0] =	vst.idx.add.s32.msk $0xffff, v1  }
0x16c: {  	v8 =	vld [tilespmem:s2+$0x0];
	_ =	sdelay $0x4  }
0x16d: {  	(xrf1) =	vunique.msk.u32 $0xffff, v8;
	_ =	sdelay $0x9  }
0x16e: {  	v9 =	vld.idx.msk [tilespmem:v8+s15+$0x0], $0xffff;
	_ =	sdelay $0x3  }
0x16f: {  	_, v62, _ =	vpop (xrf1)  }
0x170: {  	s0 =	sadd.s32 s1, s0;
	v9 =	vadd.s32 v62, v9  }
0x171: {  	s14 =	sadd.s32 $0x4, s14;
	v63 =	vld [tilespmem:s0+$0x0];
	v9 =	vadd.s32 $0xFFFFFFFF, v9  }
0x172: {  	p0 =	slt.u32 s14, $0x3C  }
.Ltmp2:
0x173: {  	_ = 	snop;
	(pc) =	sbr.rel @p0 .LBB2_7-.Ltmp2, $4  }
0x174: {  	_ = 	snop  }
0x175: {  	s13 =	sadd.s32 $0x200, s13;
	s29 =	sadd.s32 $0x40, s29;
	s31 =	sadd.s32 $0x40, s31  }
0x176: {  	s28 =	simm.s32 $0x10DF0;
	s1 =	simm.s32 $0x10E20;
	s20 =	simm.f32 $3.000000010e+38;
	[tilespmem:v9+s16+$0x0] =	vst.idx.msk $0xffff, v63  }
0x177: {  	s11 =	simm.s32 $0x115F0;
	s2 =	simm.f32 $-3.000000010e+38;
	s0 =	simm.s32 $0x10A20;
	[tilespmem:v8+s15+$0x0] =	vst.idx.add.s32.msk $0xffff, v1  }
0x178: {  	v8 =	vld [tilespmem:s0+$0xFFFFFFE0];
	_ =	sdelay $0x4  }
0x179: {  	(xrf0) =	vmax.scan.msk.f32 $0xffff, v8;
	_ =	sdelay $0x5  }
0x17a: {  	v8, _, _ =	vpop (xrf0)  }
0x17b: {  	v9 =	vmax.f32 v8, s2  }
0x17c: {  	[tilespmem:s1+$0xFFFFFFE0] =	vst v9  }
0x17d: {  	v9 =	vld [tilespmem:s28+$0x0];
	_ =	sdelay $0x4  }
0x17e: {  	v10 =	vperm.xlane v9, v2;
	_ =	sdelay $0x1  }
0x17f: {  	v10 =	vsub.f32 $0.0e+00, v10  }
0x180: {  	(xrf0) =	vmin.scan.msk.f32 $0xffff, v9  }
0x181: {  	(xrf0) =	vmax.scan.msk.f32 $0xffff, v10;
	_ =	sdelay $0x4  }
0x182: {  	v9, _, _ =	vpop (xrf0)  }
0x183: {  	v10, _, _ =	vpop (xrf0)  }
0x184: {  	v10 =	vsub.f32 $0.0e+00, v10  }
0x185: {  	(v2sf) =	vpush v8, $0xF  }
0x186: {  	v8 =	vperm.xlane v10, v2;
	_ =	sdelay $0x1  }
0x187: {  	v8 =	vmin.f32 v8, s20  }
0x188: {  	[tilespmem:s11+$0x0] =	vst v8  }
0x189: {  	v8 =	vld [tilespmem:s0+$0xFFFFFFF0];
	_ =	sdelay $0x4  }
0x18a: {  	(xrf0) =	vmax.scan.msk.f32 $0xffff, v8;
	_ =	sdelay $0x4  }
0x18b: {  	s13 =	spop (v2sf)  }
0x18c: {  	s26 =	smax.f32 s2, s13;
	v8, _, _ =	vpop (xrf0)  }
0x18d: {  	v54 =	vmax.f32 v8, s26  }
0x18e: {  	[tilespmem:s1+$0xFFFFFFF0] =	vst v54  }
0x18f: {  	v10 =	vld [tilespmem:s28+$0xFFFFFFF0];
	_ =	sdelay $0x2  }
0x190: {  	(v2sf) =	vpush v9, $0xF;
	_ =	sdelay $0x1  }
0x191: {  	v55 =	vperm.xlane v10, v2;
	_ =	sdelay $0x1  }
0x192: {  	v9 =	vsub.f32 $0.0e+00, v55  }
0x193: {  	(xrf0) =	vmin.scan.msk.f32 $0xffff, v10  }
0x194: {  	(xrf0) =	vmax.scan.msk.f32 $0xffff, v9;
	_ =	sdelay $0x4  }
0x195: {  	v56, _, _ =	vpop (xrf0)  }
0x196: {  	v57, _, _ =	vpop (xrf0)  }
0x197: {  	v10 =	vsub.f32 $0.0e+00, v57  }
0x198: {  	(v2sf) =	vpush v8, $0xF  }
0x199: {  	s14 =	spop (v2sf);
	v8 =	vperm.xlane v10, v2  }
0x19a: {  	s13 =	smin.f32 s20, s14  }
0x19b: {  	v8 =	vmin.f32 v8, s13  }
0x19c: {  	[tilespmem:s11+$0xFFFFFFF0] =	vst v8  }
0x19d: {  	v8 =	vld [tilespmem:s0+$0x0];
	_ =	sdelay $0x4  }
0x19e: {  	(xrf0) =	vmax.scan.msk.f32 $0xffff, v8;
	_ =	sdelay $0x4  }
0x19f: {  	s14 =	spop (v2sf)  }
0x1a0: {  	s2 =	smax.f32 s26, s14;
	v8, _, _ =	vpop (xrf0)  }
0x1a1: {  	v58 =	vmax.f32 v8, s2  }
0x1a2: {  	[tilespmem:s1+$0x0] =	vst v58  }
0x1a3: {  	v10 =	vld [tilespmem:s28+$0xFFFFFFE0];
	_ =	sdelay $0x2  }
0x1a4: {  	(v2sf) =	vpush v56, $0xF;
	_ =	sdelay $0x1  }
0x1a5: {  	v59 =	vperm.xlane v10, v2;
	_ =	sdelay $0x1  }
0x1a6: {  	v9 =	vsub.f32 $0.0e+00, v59  }
0x1a7: {  	(xrf0) =	vmin.scan.msk.f32 $0xffff, v10  }
0x1a8: {  	(xrf0) =	vmax.scan.msk.f32 $0xffff, v9;
	_ =	sdelay $0x4  }
0x1a9: {  	v60, _, _ =	vpop (xrf0)  }
0x1aa: {  	v61, _, _ =	vpop (xrf0)  }
0x1ab: {  	v10 =	vsub.f32 $0.0e+00, v61  }
0x1ac: {  	(v2sf) =	vpush v8, $0xF  }
0x1ad: {  	s26 =	spop (v2sf);
	v8 =	vperm.xlane v10, v2  }
0x1ae: {  	s13 =	smin.f32 s13, s26  }
0x1af: {  	v8 =	vmin.f32 v8, s13  }
0x1b0: {  	[tilespmem:s11+$0xFFFFFFE0] =	vst v8  }
0x1b1: {  	v8 =	vld [tilespmem:s0+$0x10];
	_ =	sdelay $0x4  }
0x1b2: {  	(xrf0) =	vmax.scan.msk.f32 $0xffff, v8;
	_ =	sdelay $0x4  }
0x1b3: {  	s20 =	spop (v2sf)  }
0x1b4: {  	s2 =	smax.f32 s2, s20;
	v8, _, _ =	vpop (xrf0)  }
0x1b5: {  	v62 =	vmax.f32 v8, s2  }
0x1b6: {  	[tilespmem:s1+$0x10] =	vst v62  }
0x1b7: {  	v10 =	vld [tilespmem:s28+$0xFFFFFFD0];
	_ =	sdelay $0x2  }
0x1b8: {  	(v2sf) =	vpush v60, $0xF;
	_ =	sdelay $0x1  }
0x1b9: {  	(xrf0) =	vmin.scan.msk.f32 $0xffff, v10;
	v63 =	vperm.xlane v10, v2;
	_ =	sdelay $0x1  }
0x1ba: {  	v9 =	vsub.f32 $0.0e+00, v63;
	_ =	sdelay $0x1  }
0x1bb: {  	(xrf0) =	vmax.scan.msk.f32 $0xffff, v9;
	_ =	sdelay $0x1  }
0x1bc: {  	(v2sf) =	vpush v8, $0xF;
	v8, _, _ =	vpop (xrf0)  }
0x1bd: {  	(v2sf) =	vpush v8, $0xF;
	_ =	sdelay $0x2  }
0x1be: {  	v8, _, _ =	vpop (xrf0)  }
0x1bf: {  	v8 =	vsub.f32 $0.0e+00, v8;
	_ =	sdelay $0x1  }
0x1c0: {  	s26 =	spop (v2sf);
	v8 =	vperm.xlane v8, v2  }
0x1c1: {  	s13 =	smin.f32 s13, s26  }
0x1c2: {  	v8 =	vmin.f32 v8, s13  }
0x1c3: {  	s29 =	sadd.s32 $0x40, s0;
	[tilespmem:s11+$0xFFFFFFD0] =	vst v8  }
0x1c4: {  	v8 =	vld [tilespmem:s29+$0xFFFFFFE0];
	_ =	sdelay $0x2  }
0x1c5: {  	s20 =	sadd.s32 $0x4, s30  }
0x1c6: {  	s30 =	sadd.s32 $0x40, s1;
	s31 =	sadd.s32 $0x4, s20;
	s26 =	spop (v2sf)  }
0x1c7: {  	s0 =	smax.f32 s2, s26;
	s26 =	sadd.s32 $0xFFFFFFC0, s11;
	(xrf0) =	vmax.scan.msk.f32 $0xffff, v8;
	s2 =	spop (v2sf)  }
.LBB2_9:
0x1c8: {  	s31 =	sadd.s32 $0x4, s31;
	s1 =	smin.f32 s13, s2;
	s28 =	sadd.s32 $0xFFFFFFC0, s28  }
0x1c9: {  	p0 =	slt.u32 s31, $0x3C;
	_ =	sdelay $0x3  }
0x1ca: {  	v8, _, _ =	vpop (xrf0)  }
0x1cb: {  	v9 =	vmax.f32 v8, s0;
	(v2sf) =	vpush v8, $0xF  }
0x1cc: {  	[tilespmem:s30+$0xFFFFFFE0] =	vst v9  }
0x1cd: {  	v8 =	vld [tilespmem:s28+$0x0];
	_ =	sdelay $0x4  }
0x1ce: {  	v9 =	vperm.xlane v8, v2;
	(xrf0) =	vmin.scan.msk.f32 $0xffff, v8;
	_ =	sdelay $0x1  }
0x1cf: {  	v8 =	vsub.f32 $0.0e+00, v9;
	_ =	sdelay $0x1  }
0x1d0: {  	(xrf0) =	vmax.scan.msk.f32 $0xffff, v8;
	_ =	sdelay $0x1  }
0x1d1: {  	v8, _, _ =	vpop (xrf0)  }
0x1d2: {  	(v2sf) =	vpush v8, $0xF  }
0x1d3: {  	s2 =	spop (v2sf);
	_ =	sdelay $0x1  }
0x1d4: {  	v8, _, _ =	vpop (xrf0)  }
0x1d5: {  	v8 =	vsub.f32 $0.0e+00, v8;
	_ =	sdelay $0x1  }
0x1d6: {  	v8 =	vperm.xlane v8, v2;
	_ =	sdelay $0x1  }
0x1d7: {  	v8 =	vmin.f32 v8, s1  }
0x1d8: {  	[tilespmem:s26+$0x0] =	vst v8  }
0x1d9: {  	v8 =	vld [tilespmem:s29+$0xFFFFFFF0];
	_ =	sdelay $0x4  }
0x1da: {  	s11 =	spop (v2sf);
	(xrf0) =	vmax.scan.msk.f32 $0xffff, v8;
	_ =	sdelay $0x5  }
0x1db: {  	s0 =	smax.f32 s0, s2;
	v8, _, _ =	vpop (xrf0)  }
0x1dc: {  	v9 =	vmax.f32 v8, s0;
	(v2sf) =	vpush v8, $0xF  }
0x1dd: {  	[tilespmem:s30+$0xFFFFFFF0] =	vst v9  }
0x1de: {  	v8 =	vld [tilespmem:s28+$0xFFFFFFF0];
	_ =	sdelay $0x4  }
0x1df: {  	v9 =	vperm.xlane v8, v2;
	(xrf0) =	vmin.scan.msk.f32 $0xffff, v8;
	_ =	sdelay $0x1  }
0x1e0: {  	v8 =	vsub.f32 $0.0e+00, v9;
	_ =	sdelay $0x1  }
0x1e1: {  	(xrf0) =	vmax.scan.msk.f32 $0xffff, v8;
	_ =	sdelay $0x1  }
0x1e2: {  	v8, _, _ =	vpop (xrf0)  }
0x1e3: {  	(v2sf) =	vpush v8, $0xF  }
0x1e4: {  	s2 =	spop (v2sf)  }
0x1e5: {  	s0 =	smax.f32 s0, s2  }
0x1e6: {  	v8, _, _ =	vpop (xrf0)  }
0x1e7: {  	v8 =	vsub.f32 $0.0e+00, v8;
	_ =	sdelay $0x1  }
0x1e8: {  	v8 =	vperm.xlane v8, v2  }
0x1e9: {  	s1 =	smin.f32 s1, s11  }
0x1ea: {  	v8 =	vmin.f32 v8, s1  }
0x1eb: {  	[tilespmem:s26+$0xFFFFFFF0] =	vst v8  }
0x1ec: {  	v8 =	vld [tilespmem:s29+$0x0];
	_ =	sdelay $0x4  }
0x1ed: {  	s2 =	spop (v2sf);
	(xrf0) =	vmax.scan.msk.f32 $0xffff, v8  }
0x1ee: {  	s1 =	smin.f32 s1, s2;
	_ =	sdelay $0x4  }
0x1ef: {  	v8, _, _ =	vpop (xrf0)  }
0x1f0: {  	v9 =	vmax.f32 v8, s0;
	(v2sf) =	vpush v8, $0xF  }
0x1f1: {  	[tilespmem:s30+$0x0] =	vst v9  }
0x1f2: {  	v8 =	vld [tilespmem:s28+$0xFFFFFFE0];
	_ =	sdelay $0x4  }
0x1f3: {  	v9 =	vperm.xlane v8, v2;
	(xrf0) =	vmin.scan.msk.f32 $0xffff, v8;
	_ =	sdelay $0x1  }
0x1f4: {  	v8 =	vsub.f32 $0.0e+00, v9;
	_ =	sdelay $0x1  }
0x1f5: {  	(xrf0) =	vmax.scan.msk.f32 $0xffff, v8;
	_ =	sdelay $0x1  }
0x1f6: {  	v8, _, _ =	vpop (xrf0)  }
0x1f7: {  	(v2sf) =	vpush v8, $0xF  }
0x1f8: {  	s2 =	spop (v2sf);
	_ =	sdelay $0x1  }
0x1f9: {  	v8, _, _ =	vpop (xrf0)  }
0x1fa: {  	v8 =	vsub.f32 $0.0e+00, v8;
	_ =	sdelay $0x1  }
0x1fb: {  	v8 =	vperm.xlane v8, v2;
	_ =	sdelay $0x1  }
0x1fc: {  	v8 =	vmin.f32 v8, s1  }
0x1fd: {  	[tilespmem:s26+$0xFFFFFFE0] =	vst v8  }
0x1fe: {  	v8 =	vld [tilespmem:s29+$0x10];
	_ =	sdelay $0x4  }
0x1ff: {  	s11 =	spop (v2sf);
	(xrf0) =	vmax.scan.msk.f32 $0xffff, v8;
	_ =	sdelay $0x5  }
0x200: {  	s0 =	smax.f32 s0, s2;
	v8, _, _ =	vpop (xrf0)  }
0x201: {  	v9 =	vmax.f32 v8, s0;
	(v2sf) =	vpush v8, $0xF  }
0x202: {  	[tilespmem:s30+$0x10] =	vst v9  }
0x203: {  	v8 =	vld [tilespmem:s28+$0xFFFFFFD0];
	_ =	sdelay $0x4  }
0x204: {  	v9 =	vperm.xlane v8, v2;
	(xrf0) =	vmin.scan.msk.f32 $0xffff, v8;
	_ =	sdelay $0x1  }
0x205: {  	v8 =	vsub.f32 $0.0e+00, v9;
	_ =	sdelay $0x1  }
0x206: {  	(xrf0) =	vmax.scan.msk.f32 $0xffff, v8;
	_ =	sdelay $0x1  }
0x207: {  	v8, _, _ =	vpop (xrf0)  }
0x208: {  	(v2sf) =	vpush v8, $0xF  }
0x209: {  	s2 =	spop (v2sf)  }
0x20a: {  	s0 =	smax.f32 s0, s2  }
0x20b: {  	v8, _, _ =	vpop (xrf0)  }
0x20c: {  	v8 =	vsub.f32 $0.0e+00, v8;
	_ =	sdelay $0x1  }
0x20d: {  	v8 =	vperm.xlane v8, v2  }
0x20e: {  	s13 =	smin.f32 s1, s11  }
0x20f: {  	v8 =	vmin.f32 v8, s13  }
0x210: {  	s29 =	sadd.s32 $0x40, s29;
	[tilespmem:s26+$0xFFFFFFD0] =	vst v8  }
0x211: {  	v8 =	vld [tilespmem:s29+$0xFFFFFFE0]  }
.Ltmp3:
0x212: {  	(pc) =	sbr.rel @p0 .LBB2_9-.Ltmp3, $2  }
0x213: {  	_ =	sdelay $0x2  }
0x214: {  	s30 =	sadd.s32 $0x40, s30;
	s26 =	sadd.s32 $0xFFFFFFC0, s26;
	(xrf0) =	vmax.scan.msk.f32 $0xffff, v8;
	s2 =	spop (v2sf)  }
0x215: {  	_ =	sdelay $0x4  }
0x216: {  	v8, _, _ =	vpop (xrf0)  }
0x217: {  	v9 =	vmax.f32 v8, s0  }
0x218: {  	s1 =	sadd.s32 $0xFFFFFFC0, s28;
	[tilespmem:s30+$0xFFFFFFE0] =	vst v9  }
0x219: {  	v9 =	vld [tilespmem:s1+$0x0];
	_ =	sdelay $0x4  }
0x21a: {  	v10 =	vperm.xlane v9, v2;
	_ =	sdelay $0x1  }
0x21b: {  	v10 =	vsub.f32 $0.0e+00, v10  }
0x21c: {  	(xrf0) =	vmin.scan.msk.f32 $0xffff, v9  }
0x21d: {  	(xrf0) =	vmax.scan.msk.f32 $0xffff, v10;
	_ =	sdelay $0x4  }
0x21e: {  	v9, _, _ =	vpop (xrf0)  }
0x21f: {  	v10, _, _ =	vpop (xrf0)  }
0x220: {  	v10 =	vsub.f32 $0.0e+00, v10  }
0x221: {  	(v2sf) =	vpush v8, $0xF  }
0x222: {  	v8 =	vperm.xlane v10, v2  }
0x223: {  	s2 =	smin.f32 s13, s2  }
0x224: {  	v8 =	vmin.f32 v8, s2  }
0x225: {  	[tilespmem:s26+$0x0] =	vst v8  }
0x226: {  	v8 =	vld [tilespmem:s29+$0xFFFFFFF0];
	_ =	sdelay $0x4  }
0x227: {  	(xrf0) =	vmax.scan.msk.f32 $0xffff, v8;
	_ =	sdelay $0x4  }
0x228: {  	s11 =	spop (v2sf)  }
0x229: {  	s14 =	smax.f32 s0, s11;
	v8, _, _ =	vpop (xrf0)  }
0x22a: {  	v10 =	vmax.f32 v8, s14  }
0x22b: {  	[tilespmem:s30+$0xFFFFFFF0] =	vst v10  }
0x22c: {  	v10 =	vld [tilespmem:s1+$0xFFFFFFF0];
	_ =	sdelay $0x2  }
0x22d: {  	(v2sf) =	vpush v9, $0xF;
	_ =	sdelay $0x1  }
0x22e: {  	v9 =	vperm.xlane v10, v2;
	_ =	sdelay $0x1  }
0x22f: {  	v9 =	vsub.f32 $0.0e+00, v9  }
0x230: {  	(xrf0) =	vmin.scan.msk.f32 $0xffff, v10  }
0x231: {  	(xrf0) =	vmax.scan.msk.f32 $0xffff, v9;
	_ =	sdelay $0x4  }
0x232: {  	v9, _, _ =	vpop (xrf0)  }
0x233: {  	v10, _, _ =	vpop (xrf0)  }
0x234: {  	v10 =	vsub.f32 $0.0e+00, v10  }
0x235: {  	(v2sf) =	vpush v8, $0xF  }
0x236: {  	s20 =	spop (v2sf);
	v8 =	vperm.xlane v10, v2  }
0x237: {  	s2 =	smin.f32 s2, s20  }
0x238: {  	v8 =	vmin.f32 v8, s2  }
0x239: {  	[tilespmem:s26+$0xFFFFFFF0] =	vst v8  }
0x23a: {  	v8 =	vld [tilespmem:s29+$0x0];
	_ =	sdelay $0x4  }
0x23b: {  	(xrf0) =	vmax.scan.msk.f32 $0xffff, v8;
	_ =	sdelay $0x4  }
0x23c: {  	s13 =	spop (v2sf)  }
0x23d: {  	s0 =	smax.f32 s14, s13;
	v8, _, _ =	vpop (xrf0)  }
0x23e: {  	v10 =	vmax.f32 v8, s0  }
0x23f: {  	[tilespmem:s30+$0x0] =	vst v10  }
0x240: {  	v10 =	vld [tilespmem:s1+$0xFFFFFFE0];
	_ =	sdelay $0x2  }
0x241: {  	(v2sf) =	vpush v9, $0xF;
	_ =	sdelay $0x1  }
0x242: {  	v9 =	vperm.xlane v10, v2;
	_ =	sdelay $0x1  }
0x243: {  	v9 =	vsub.f32 $0.0e+00, v9  }
0x244: {  	(xrf0) =	vmin.scan.msk.f32 $0xffff, v10  }
0x245: {  	(xrf0) =	vmax.scan.msk.f32 $0xffff, v9;
	_ =	sdelay $0x4  }
0x246: {  	v9, _, _ =	vpop (xrf0)  }
0x247: {  	v10, _, _ =	vpop (xrf0)  }
0x248: {  	v10 =	vsub.f32 $0.0e+00, v10  }
0x249: {  	(v2sf) =	vpush v8, $0xF  }
0x24a: {  	s14 =	spop (v2sf);
	v8 =	vperm.xlane v10, v2  }
0x24b: {  	s2 =	smin.f32 s2, s14  }
0x24c: {  	v8 =	vmin.f32 v8, s2  }
0x24d: {  	[tilespmem:s26+$0xFFFFFFE0] =	vst v8  }
0x24e: {  	v8 =	vld [tilespmem:s29+$0x10];
	_ =	sdelay $0x4  }
0x24f: {  	(xrf0) =	vmax.scan.msk.f32 $0xffff, v8;
	_ =	sdelay $0x4  }
0x250: {  	s20 =	spop (v2sf)  }
0x251: {  	s0 =	smax.f32 s0, s20;
	v8, _, _ =	vpop (xrf0)  }
0x252: {  	v10 =	vmax.f32 v8, s0  }
0x253: {  	[tilespmem:s30+$0x10] =	vst v10  }
0x254: {  	v10 =	vld [tilespmem:s1+$0xFFFFFFD0];
	_ =	sdelay $0x2  }
0x255: {  	(v2sf) =	vpush v9, $0xF;
	_ =	sdelay $0x1  }
0x256: {  	(v2sf) =	vpush v8, $0xF;
	v8 =	vperm.xlane v10, v2;
	_ =	sdelay $0x1  }
0x257: {  	v8 =	vsub.f32 $0.0e+00, v8  }
0x258: {  	(xrf0) =	vmin.scan.msk.f32 $0xffff, v10  }
0x259: {  	(xrf0) =	vmax.scan.msk.f32 $0xffff, v8;
	_ =	sdelay $0x4  }
0x25a: {  	v9, _, _ =	vpop (xrf0);
	(xrf0) =	vmin.scan.msk.f32 $0xffff, v7  }
0x25b: {  	v8, _, _ =	vpop (xrf0)  }
0x25c: {  	v8 =	vsub.f32 $0.0e+00, v8;
	_ =	sdelay $0x1  }
0x25d: {  	s11 =	spop (v2sf);
	v8 =	vperm.xlane v8, v2  }
0x25e: {  	s0 =	smin.f32 s2, s11  }
0x25f: {  	(v2sf) =	vpush v9, $0xF;
	v9, _, _ =	vpop (xrf0);
	v8 =	vmin.f32 v8, s0  }
0x260: {  	[tilespmem:s26+$0xFFFFFFD0] =	vst v8;
	v8 =	vbroadcast v9, $0xF;
	_ =	sdelay $0x1  }
0x261: {  	vm0 =	veq.f32 v7, v8  }
0x262: {  	v10 =	vsel vm0, $0x1, v0  }
0x263: {  	v6 =	vsel vm0, v6, v7;
	(xrf0) =	vadd.scan.msk.s32 $0xffff, v10  }
0x264: {  	(xrf0) =	vmin.scan.msk.f32 $0xffff, v6  }
0x265: {  	(xrf0) =	vmax.scan.msk.f32 $0xffff, v4;
	_ =	sdelay $0x2  }
0x266: {  	(xrf2) =	vadd.scan.msk.f32 $0xffff, v5  }
0x267: {  	v6, _, _ =	vpop (xrf0)  }
0x268: {  	v7, _, _ =	vpop (xrf0)  }
0x269: {  	v10, _, _ =	vpop (xrf0)  }
0x26a: {  	v5 =	vbroadcast v10, $0xF;
	_ =	sdelay $0x1  }
0x26b: {  	vm15 =	veq.f32 v4, v5  }
0x26c: {  	v3 =	vsel vm15, v3, v4  }
0x26d: {  	v11 =	vsel vm15, $0x1, v0  }
0x26e: {  	(xrf0) =	vadd.scan.msk.s32 $0xffff, v11  }
0x26f: {  	(xrf0) =	vmax.scan.msk.f32 $0xffff, v3;
	v3, _, _ =	vpop (xrf2)  }
0x270: {  	(v2sf) =	vpush v3, $0xF  }
0x271: {  	s13 =	spop (v2sf);
	(v2sf) =	vpush v9, $0xF  }
0x272: {  	s14 =	spop (v2sf);
	(v2sf) =	vpush v6, $0xF  }
0x273: {  	(v2sf) =	vpush v7, $0xF  }
0x274: {  	v3, _, _ =	vpop (xrf0);
	(v2sf) =	vpush v10, $0xF  }
0x275: {  	(v2sf) =	vpush v3, $0xF;
	v3, _, _ =	vpop (xrf0)  }
0x276: {  	(v2sf) =	vpush v3, $0xF;
	_ =	sdelay $0x8  }
0x277: {  	s0 =	spop (v2sf)  }
0x278: {  	s1 =	spop (v2sf)  }
0x279: {  	s20 =	spop (v2sf)  }
0x27a: {  	s0 =	smul.f32 $9.765625000e-04, s0;
	s11 =	spop (v2sf)  }
0x27b: {  	s13 =	spop (v2sf)  }
0x27c: {  	p0 =	sgt.s32 s20, $0x1;
	s0 =	sadd.f32 $-5.000000000e-01, s0;
	s26 =	spop (v2sf)  }
0x27d: {  	s11 =	smov.u32 @p0 s1;
	p0 =	sgt.s32 s26, $0x1;
	s1 =	spop (v2sf)  }
0x27e: {  	s28 =	simm.s32 $0x15D40;
	s31 =	simm.s32 $0x740;
	s1 =	smov.u32 @p0 s13  }
0x27f: {  	s29 =	simm.s32 $0x40;
	s30 =	simm.s32 $0x340;
	v6 =	vmov s11;
	v3 =	vmov s0;
	s26 =	simm.s32 $0xFFFFFFF8;
	v4 =	vmov s1  }
.LBB2_11:
0x280: {  	v7 =	vld [tilespmem:s28+$0xFFFFFFC0];
	_ =	sdelay $0x4  }
0x281: {  	v9 =	vadd.s32 $0xFFFFFFFF, v7;
	vm11 =	vgt.s32 v7, $0x0  }
0x282: {  	vm0 =	vgt.s32 v9, $0x0;
	v10 =	vnsel vm11, $0x0, v7  }
0x283: {  	v9 =	vnsel vm0, $0x0, v9;
	v10 =	vmin.u32 v10, $0x3FF  }
0x284: {  	v9 =	vmin.u32 v9, $0x3FF;
	_ =	sdelay $0x3  }
0x285: {  	v10 =	vld.idx.msk [tilespmem:v10+s18+$0x0], $0xffff  }
0x286: {  	v9 =	vld.idx.msk [tilespmem:v9+s17+$0x0], $0xffff;
	_ =	sdelay $0x3  }
0x287: {  	vm12 =	veq.s32 v7, $0x400  }
0x288: {  	vm1 =	veq.s32 v7, $0x0;
	v10 =	vsel vm12, v5, v10;
	v9 =	vsel vm12, v4, v9  }
0x289: {  	v10 =	vsel vm1, v6, v10;
	v9 =	vsel vm1, v8, v9  }
0x28a: {  	v10 =	vsub.f32 v10, v9;
	_ =	sdelay $0x1  }
0x28b: {  	(erf) = vrcp.f32 v10  }
0x28c: {  	v10 =	vld [tilespmem:s29+$0xFFFFFFC0];
	_ =	sdelay $0x1  }
0x28d: {  	vm13 =	vgt.s32 v7, $0x1  }
0x28e: {  	v7 =	vnsel vm13, $0x1, v7  }
0x28f: {  	v11 =	vld [tilespmem:s30+$0xFFFFFFC0];
	v7 =	vmin.u32 v7, $0x3FF  }
0x290: {  	v7 =	vcvt.s32.f32 v7;
	v9 =	vsub.f32 v10, v9;
	_ =	sdelay $0x1  }
0x291: {  	v7 =	vmul.f32 $9.765625000e-04, v7;
	v9 =	vmul.f32 $9.765625000e-04, v9  }
0x292: {  	v10 =	vpop (erf)  }
0x293: {  	v7 =	vadd.f32 v7, v11;
	v9 =	vmul.f32 v10, v9;
	_ =	sdelay $0x1  }
0x294: {  	v7 =	vadd.f32 v9, v7;
	_ =	sdelay $0x1  }
0x295: {  	v9 =	vadd.f32 v7, v3;
	_ =	sdelay $0x1  }
0x296: {  	v9 =	vmul.f32 $2.560000000e+02, v9;
	_ =	sdelay $0x1  }
0x297: {  	v9 =	vadd.f32 $1.638400000e+04, v9;
	_ =	sdelay $0x1  }
0x298: {  	v9 =	vtrunc.f32 v9  }
0x299: {  	v9 =	vcvt.f32.s32 v9;
	_ =	sdelay $0x1  }
0x29a: {  	v9 =	vadd.s32 $0xFFFFC001, v9  }
0x29b: {  	v10 =	vld [tilespmem:s31+$0xFFFFFFC0];
	vm14 =	vgt.s32 v9, $0x0  }
0x29c: {  	v11 =	vnsel vm14, $0x0, v9  }
0x29d: {  	v12 =	vmin.u32 v11, $0x100  }
0x29e: {  	v13 =	vmax.u32 v12, $0x1  }
0x29f: {  	v13 =	vsub.s32 v13, v1  }
0x2a0: {  	v11 =	vmin.u32 v11, $0xFF;
	_ =	sdelay $0x2  }
0x2a1: {  	[tilespmem:v10+s19+$0x0] =	vst.idx.msk $0xffff, v7  }
0x2a2: {  	v10 =	vld.idx.msk [tilespmem:v13+s12+$0x0], $0xffff  }
0x2a3: {  	v11 =	vld.idx.msk [tilespmem:v11+s12+$0x0], $0xffff;
	_ =	sdelay $0x3  }
0x2a4: {  	v10 =	vsub.f32 v10, v3  }
0x2a5: {  	v11 =	vsub.f32 v11, v3  }
0x2a6: {  	vm15 =	vgt.f32 v10, v7  }
0x2a7: {  	vm4 =	vlt.s32 v9, $0x100;
	vm2 =	vle.f32 v11, v7;
	vm0 =	vmand vm15, vm14  }
0x2a8: {  	vm5 =	vmand vm2, vm4;
	v7 =	vsel vm0, $0xFFFFFFFF, v0  }
0x2a9: {  	v9 =	vsel vm5, $0x1, v0;
	v7 =	vadd.s32 v7, v12  }
0x2aa: {  	v7 =	vadd.s32 v9, v7  }
0x2ab: {  	v7 =	vadd.s32 $0x800, v7;
	_ =	sdelay $0x4  }
0x2ac: {  	[tilespmem:v7+s15+$0x0] =	vst.idx.add.s32.msk $0xffff, v1  }
0x2ad: {  	v7 =	vld [tilespmem:s28+$0xFFFFFFD0];
	_ =	sdelay $0x4  }
0x2ae: {  	v9 =	vadd.s32 $0xFFFFFFFF, v7;
	vm7 =	vgt.s32 v7, $0x0  }
0x2af: {  	vm6 =	vgt.s32 v9, $0x0;
	v10 =	vnsel vm7, $0x0, v7  }
0x2b0: {  	v9 =	vnsel vm6, $0x0, v9;
	v10 =	vmin.u32 v10, $0x3FF  }
0x2b1: {  	v9 =	vmin.u32 v9, $0x3FF;
	_ =	sdelay $0x3  }
0x2b2: {  	v10 =	vld.idx.msk [tilespmem:v10+s18+$0x0], $0xffff  }
0x2b3: {  	v9 =	vld.idx.msk [tilespmem:v9+s17+$0x0], $0xffff;
	_ =	sdelay $0x3  }
0x2b4: {  	vm8 =	veq.s32 v7, $0x400  }
0x2b5: {  	vm9 =	veq.s32 v7, $0x0;
	v10 =	vsel vm8, v5, v10;
	v9 =	vsel vm8, v4, v9  }
0x2b6: {  	v10 =	vsel vm9, v6, v10;
	v9 =	vsel vm9, v8, v9  }
0x2b7: {  	v10 =	vsub.f32 v10, v9;
	_ =	sdelay $0x1  }
0x2b8: {  	(erf) = vrcp.f32 v10  }
0x2b9: {  	v10 =	vld [tilespmem:s29+$0xFFFFFFD0];
	_ =	sdelay $0x1  }
0x2ba: {  	vm10 =	vgt.s32 v7, $0x1  }
0x2bb: {  	v7 =	vnsel vm10, $0x1, v7  }
0x2bc: {  	v11 =	vld [tilespmem:s30+$0xFFFFFFD0];
	v7 =	vmin.u32 v7, $0x3FF  }
0x2bd: {  	v7 =	vcvt.s32.f32 v7;
	v9 =	vsub.f32 v10, v9;
	_ =	sdelay $0x1  }
0x2be: {  	v7 =	vmul.f32 $9.765625000e-04, v7;
	v9 =	vmul.f32 $9.765625000e-04, v9  }
0x2bf: {  	v10 =	vpop (erf)  }
0x2c0: {  	v7 =	vadd.f32 v7, v11;
	v9 =	vmul.f32 v10, v9;
	_ =	sdelay $0x1  }
0x2c1: {  	v7 =	vadd.f32 v9, v7;
	_ =	sdelay $0x1  }
0x2c2: {  	v9 =	vadd.f32 v7, v3;
	_ =	sdelay $0x1  }
0x2c3: {  	v9 =	vmul.f32 $2.560000000e+02, v9;
	_ =	sdelay $0x1  }
0x2c4: {  	v9 =	vadd.f32 $1.638400000e+04, v9;
	_ =	sdelay $0x1  }
0x2c5: {  	v9 =	vtrunc.f32 v9  }
0x2c6: {  	v9 =	vcvt.f32.s32 v9;
	_ =	sdelay $0x1  }
0x2c7: {  	v9 =	vadd.s32 $0xFFFFC001, v9  }
0x2c8: {  	v10 =	vld [tilespmem:s31+$0xFFFFFFD0];
	vm11 =	vgt.s32 v9, $0x0  }
0x2c9: {  	v11 =	vnsel vm11, $0x0, v9  }
0x2ca: {  	v50 =	vmin.u32 v11, $0x100  }
0x2cb: {  	v51 =	vmax.u32 v50, $0x1  }
0x2cc: {  	v13 =	vsub.s32 v51, v1  }
0x2cd: {  	v11 =	vmin.u32 v11, $0xFF;
	_ =	sdelay $0x2  }
0x2ce: {  	[tilespmem:v10+s19+$0x0] =	vst.idx.msk $0xffff, v7  }
0x2cf: {  	v10 =	vld.idx.msk [tilespmem:v13+s12+$0x0], $0xffff  }
0x2d0: {  	v11 =	vld.idx.msk [tilespmem:v11+s12+$0x0], $0xffff;
	_ =	sdelay $0x3  }
0x2d1: {  	v10 =	vsub.f32 v10, v3  }
0x2d2: {  	v11 =	vsub.f32 v11, v3  }
0x2d3: {  	vm12 =	vgt.f32 v10, v7  }
0x2d4: {  	vm13 =	vlt.s32 v9, $0x100;
	vm14 =	vle.f32 v11, v7;
	vm0 =	vmand vm12, vm11  }
0x2d5: {  	vm15 =	vmand vm14, vm13;
	v7 =	vsel vm0, $0xFFFFFFFF, v0  }
0x2d6: {  	v9 =	vsel vm15, $0x1, v0;
	v7 =	vadd.s32 v7, v50  }
0x2d7: {  	v7 =	vadd.s32 v9, v7  }
0x2d8: {  	v7 =	vadd.s32 $0x800, v7;
	_ =	sdelay $0x4  }
0x2d9: {  	[tilespmem:v7+s15+$0x0] =	vst.idx.add.s32.msk $0xffff, v1  }
0x2da: {  	v7 =	vld [tilespmem:s28+$0xFFFFFFE0];
	_ =	sdelay $0x4  }
0x2db: {  	v9 =	vadd.s32 $0xFFFFFFFF, v7;
	vm5 =	vgt.s32 v7, $0x0  }
0x2dc: {  	vm4 =	vgt.s32 v9, $0x0;
	v10 =	vnsel vm5, $0x0, v7  }
0x2dd: {  	v9 =	vnsel vm4, $0x0, v9;
	v10 =	vmin.u32 v10, $0x3FF  }
0x2de: {  	v9 =	vmin.u32 v9, $0x3FF;
	_ =	sdelay $0x3  }
0x2df: {  	v10 =	vld.idx.msk [tilespmem:v10+s18+$0x0], $0xffff  }
0x2e0: {  	v9 =	vld.idx.msk [tilespmem:v9+s17+$0x0], $0xffff;
	_ =	sdelay $0x3  }
0x2e1: {  	vm6 =	veq.s32 v7, $0x400  }
0x2e2: {  	vm7 =	veq.s32 v7, $0x0;
	v10 =	vsel vm6, v5, v10;
	v9 =	vsel vm6, v4, v9  }
0x2e3: {  	v10 =	vsel vm7, v6, v10;
	v9 =	vsel vm7, v8, v9  }
0x2e4: {  	v10 =	vsub.f32 v10, v9;
	_ =	sdelay $0x1  }
0x2e5: {  	(erf) = vrcp.f32 v10  }
0x2e6: {  	v10 =	vld [tilespmem:s29+$0xFFFFFFE0];
	_ =	sdelay $0x1  }
0x2e7: {  	vm8 =	vgt.s32 v7, $0x1  }
0x2e8: {  	v7 =	vnsel vm8, $0x1, v7  }
0x2e9: {  	v11 =	vld [tilespmem:s30+$0xFFFFFFE0];
	v7 =	vmin.u32 v7, $0x3FF  }
0x2ea: {  	v7 =	vcvt.s32.f32 v7;
	v9 =	vsub.f32 v10, v9;
	_ =	sdelay $0x1  }
0x2eb: {  	v7 =	vmul.f32 $9.765625000e-04, v7;
	v9 =	vmul.f32 $9.765625000e-04, v9  }
0x2ec: {  	v10 =	vpop (erf)  }
0x2ed: {  	v7 =	vadd.f32 v7, v11;
	v9 =	vmul.f32 v10, v9;
	_ =	sdelay $0x1  }
0x2ee: {  	v7 =	vadd.f32 v9, v7;
	_ =	sdelay $0x1  }
0x2ef: {  	v9 =	vadd.f32 v7, v3;
	_ =	sdelay $0x1  }
0x2f0: {  	v9 =	vmul.f32 $2.560000000e+02, v9;
	_ =	sdelay $0x1  }
0x2f1: {  	v9 =	vadd.f32 $1.638400000e+04, v9;
	_ =	sdelay $0x1  }
0x2f2: {  	v9 =	vtrunc.f32 v9  }
0x2f3: {  	v9 =	vcvt.f32.s32 v9;
	_ =	sdelay $0x1  }
0x2f4: {  	v9 =	vadd.s32 $0xFFFFC001, v9  }
0x2f5: {  	v10 =	vld [tilespmem:s31+$0xFFFFFFE0];
	vm9 =	vgt.s32 v9, $0x0  }
0x2f6: {  	v11 =	vnsel vm9, $0x0, v9  }
0x2f7: {  	v52 =	vmin.u32 v11, $0x100  }
0x2f8: {  	v53 =	vmax.u32 v52, $0x1  }
0x2f9: {  	v13 =	vsub.s32 v53, v1  }
0x2fa: {  	v11 =	vmin.u32 v11, $0xFF;
	_ =	sdelay $0x2  }
0x2fb: {  	[tilespmem:v10+s19+$0x0] =	vst.idx.msk $0xffff, v7  }
0x2fc: {  	v10 =	vld.idx.msk [tilespmem:v13+s12+$0x0], $0xffff  }
0x2fd: {  	v11 =	vld.idx.msk [tilespmem:v11+s12+$0x0], $0xffff;
	_ =	sdelay $0x3  }
0x2fe: {  	v10 =	vsub.f32 v10, v3  }
0x2ff: {  	v11 =	vsub.f32 v11, v3  }
0x300: {  	vm10 =	vgt.f32 v10, v7  }
0x301: {  	vm11 =	vlt.s32 v9, $0x100;
	vm12 =	vle.f32 v11, v7;
	vm0 =	vmand vm10, vm9  }
0x302: {  	vm13 =	vmand vm12, vm11;
	v7 =	vsel vm0, $0xFFFFFFFF, v0  }
0x303: {  	v9 =	vsel vm13, $0x1, v0;
	v7 =	vadd.s32 v7, v52  }
0x304: {  	v7 =	vadd.s32 v9, v7  }
0x305: {  	v7 =	vadd.s32 $0x800, v7;
	_ =	sdelay $0x4  }
0x306: {  	[tilespmem:v7+s15+$0x0] =	vst.idx.add.s32.msk $0xffff, v1  }
0x307: {  	v7 =	vld [tilespmem:s28+$0xFFFFFFF0];
	_ =	sdelay $0x4  }
0x308: {  	v9 =	vadd.s32 $0xFFFFFFFF, v7;
	vm15 =	vgt.s32 v7, $0x0  }
0x309: {  	vm14 =	vgt.s32 v9, $0x0;
	v10 =	vnsel vm15, $0x0, v7  }
0x30a: {  	v9 =	vnsel vm14, $0x0, v9;
	v10 =	vmin.u32 v10, $0x3FF  }
0x30b: {  	v9 =	vmin.u32 v9, $0x3FF;
	_ =	sdelay $0x3  }
0x30c: {  	v10 =	vld.idx.msk [tilespmem:v10+s18+$0x0], $0xffff  }
0x30d: {  	v9 =	vld.idx.msk [tilespmem:v9+s17+$0x0], $0xffff;
	_ =	sdelay $0x3  }
0x30e: {  	vm4 =	veq.s32 v7, $0x400  }
0x30f: {  	vm5 =	veq.s32 v7, $0x0;
	v10 =	vsel vm4, v5, v10;
	v9 =	vsel vm4, v4, v9  }
0x310: {  	v10 =	vsel vm5, v6, v10;
	v9 =	vsel vm5, v8, v9  }
0x311: {  	v10 =	vsub.f32 v10, v9;
	_ =	sdelay $0x1  }
0x312: {  	(erf) = vrcp.f32 v10  }
0x313: {  	v10 =	vld [tilespmem:s29+$0xFFFFFFF0];
	_ =	sdelay $0x1  }
0x314: {  	vm6 =	vgt.s32 v7, $0x1  }
0x315: {  	v7 =	vnsel vm6, $0x1, v7  }
0x316: {  	v11 =	vld [tilespmem:s30+$0xFFFFFFF0];
	v7 =	vmin.u32 v7, $0x3FF  }
0x317: {  	v7 =	vcvt.s32.f32 v7;
	v9 =	vsub.f32 v10, v9;
	_ =	sdelay $0x1  }
0x318: {  	v7 =	vmul.f32 $9.765625000e-04, v7;
	v9 =	vmul.f32 $9.765625000e-04, v9  }
0x319: {  	v10 =	vpop (erf)  }
0x31a: {  	v7 =	vadd.f32 v7, v11;
	v9 =	vmul.f32 v10, v9;
	_ =	sdelay $0x1  }
0x31b: {  	v7 =	vadd.f32 v9, v7;
	_ =	sdelay $0x1  }
0x31c: {  	v9 =	vadd.f32 v7, v3;
	_ =	sdelay $0x1  }
0x31d: {  	v9 =	vmul.f32 $2.560000000e+02, v9;
	_ =	sdelay $0x1  }
0x31e: {  	v9 =	vadd.f32 $1.638400000e+04, v9;
	_ =	sdelay $0x1  }
0x31f: {  	v9 =	vtrunc.f32 v9  }
0x320: {  	v9 =	vcvt.f32.s32 v9;
	_ =	sdelay $0x1  }
0x321: {  	v9 =	vadd.s32 $0xFFFFC001, v9  }
0x322: {  	v10 =	vld [tilespmem:s31+$0xFFFFFFF0];
	vm7 =	vgt.s32 v9, $0x0  }
0x323: {  	v11 =	vnsel vm7, $0x0, v9  }
0x324: {  	v54 =	vmin.u32 v11, $0x100  }
0x325: {  	v55 =	vmax.u32 v54, $0x1  }
0x326: {  	v13 =	vsub.s32 v55, v1  }
0x327: {  	v11 =	vmin.u32 v11, $0xFF;
	_ =	sdelay $0x2  }
0x328: {  	[tilespmem:v10+s19+$0x0] =	vst.idx.msk $0xffff, v7  }
0x329: {  	v10 =	vld.idx.msk [tilespmem:v13+s12+$0x0], $0xffff  }
0x32a: {  	v11 =	vld.idx.msk [tilespmem:v11+s12+$0x0], $0xffff;
	_ =	sdelay $0x3  }
0x32b: {  	v10 =	vsub.f32 v10, v3  }
0x32c: {  	v11 =	vsub.f32 v11, v3  }
0x32d: {  	vm8 =	vgt.f32 v10, v7  }
0x32e: {  	vm9 =	vlt.s32 v9, $0x100;
	vm10 =	vle.f32 v11, v7;
	vm0 =	vmand vm8, vm7  }
0x32f: {  	vm11 =	vmand vm10, vm9;
	v7 =	vsel vm0, $0xFFFFFFFF, v0  }
0x330: {  	v9 =	vsel vm11, $0x1, v0;
	v7 =	vadd.s32 v7, v54  }
0x331: {  	v7 =	vadd.s32 v9, v7  }
0x332: {  	v7 =	vadd.s32 $0x800, v7;
	_ =	sdelay $0x4  }
0x333: {  	[tilespmem:v7+s15+$0x0] =	vst.idx.add.s32.msk $0xffff, v1  }
0x334: {  	v7 =	vld [tilespmem:s28+$0x0];
	_ =	sdelay $0x4  }
0x335: {  	v9 =	vadd.s32 $0xFFFFFFFF, v7;
	vm13 =	vgt.s32 v7, $0x0  }
0x336: {  	vm12 =	vgt.s32 v9, $0x0;
	v10 =	vnsel vm13, $0x0, v7  }
0x337: {  	v9 =	vnsel vm12, $0x0, v9;
	v10 =	vmin.u32 v10, $0x3FF  }
0x338: {  	v9 =	vmin.u32 v9, $0x3FF;
	_ =	sdelay $0x3  }
0x339: {  	v10 =	vld.idx.msk [tilespmem:v10+s18+$0x0], $0xffff  }
0x33a: {  	v9 =	vld.idx.msk [tilespmem:v9+s17+$0x0], $0xffff;
	_ =	sdelay $0x3  }
0x33b: {  	vm14 =	veq.s32 v7, $0x400  }
0x33c: {  	vm15 =	veq.s32 v7, $0x0;
	v10 =	vsel vm14, v5, v10;
	v9 =	vsel vm14, v4, v9  }
0x33d: {  	v10 =	vsel vm15, v6, v10;
	v9 =	vsel vm15, v8, v9  }
0x33e: {  	v10 =	vsub.f32 v10, v9;
	_ =	sdelay $0x1  }
0x33f: {  	(erf) = vrcp.f32 v10  }
0x340: {  	v10 =	vld [tilespmem:s29+$0x0];
	_ =	sdelay $0x1  }
0x341: {  	vm4 =	vgt.s32 v7, $0x1  }
0x342: {  	v7 =	vnsel vm4, $0x1, v7  }
0x343: {  	v11 =	vld [tilespmem:s30+$0x0];
	v7 =	vmin.u32 v7, $0x3FF  }
0x344: {  	v7 =	vcvt.s32.f32 v7;
	v9 =	vsub.f32 v10, v9;
	_ =	sdelay $0x1  }
0x345: {  	v7 =	vmul.f32 $9.765625000e-04, v7;
	v9 =	vmul.f32 $9.765625000e-04, v9  }
0x346: {  	v10 =	vpop (erf)  }
0x347: {  	v7 =	vadd.f32 v7, v11;
	v9 =	vmul.f32 v10, v9;
	_ =	sdelay $0x1  }
0x348: {  	v7 =	vadd.f32 v9, v7;
	_ =	sdelay $0x1  }
0x349: {  	v9 =	vadd.f32 v7, v3;
	_ =	sdelay $0x1  }
0x34a: {  	v9 =	vmul.f32 $2.560000000e+02, v9;
	_ =	sdelay $0x1  }
0x34b: {  	v9 =	vadd.f32 $1.638400000e+04, v9;
	_ =	sdelay $0x1  }
0x34c: {  	v9 =	vtrunc.f32 v9  }
0x34d: {  	v9 =	vcvt.f32.s32 v9;
	_ =	sdelay $0x1  }
0x34e: {  	v9 =	vadd.s32 $0xFFFFC001, v9  }
0x34f: {  	v10 =	vld [tilespmem:s31+$0x0];
	vm5 =	vgt.s32 v9, $0x0  }
0x350: {  	v11 =	vnsel vm5, $0x0, v9  }
0x351: {  	v56 =	vmin.u32 v11, $0x100  }
0x352: {  	v57 =	vmax.u32 v56, $0x1  }
0x353: {  	v13 =	vsub.s32 v57, v1  }
0x354: {  	v11 =	vmin.u32 v11, $0xFF;
	_ =	sdelay $0x2  }
0x355: {  	[tilespmem:v10+s19+$0x0] =	vst.idx.msk $0xffff, v7  }
0x356: {  	v10 =	vld.idx.msk [tilespmem:v13+s12+$0x0], $0xffff  }
0x357: {  	v11 =	vld.idx.msk [tilespmem:v11+s12+$0x0], $0xffff;
	_ =	sdelay $0x3  }
0x358: {  	v10 =	vsub.f32 v10, v3  }
0x359: {  	v11 =	vsub.f32 v11, v3  }
0x35a: {  	vm6 =	vgt.f32 v10, v7  }
0x35b: {  	vm7 =	vlt.s32 v9, $0x100;
	vm8 =	vle.f32 v11, v7;
	vm0 =	vmand vm6, vm5  }
0x35c: {  	vm9 =	vmand vm8, vm7;
	v7 =	vsel vm0, $0xFFFFFFFF, v0  }
0x35d: {  	v9 =	vsel vm9, $0x1, v0;
	v7 =	vadd.s32 v7, v56  }
0x35e: {  	v7 =	vadd.s32 v9, v7  }
0x35f: {  	v7 =	vadd.s32 $0x800, v7;
	_ =	sdelay $0x4  }
0x360: {  	[tilespmem:v7+s15+$0x0] =	vst.idx.add.s32.msk $0xffff, v1  }
0x361: {  	v7 =	vld [tilespmem:s28+$0x10];
	_ =	sdelay $0x4  }
0x362: {  	v9 =	vadd.s32 $0xFFFFFFFF, v7;
	vm11 =	vgt.s32 v7, $0x0  }
0x363: {  	vm10 =	vgt.s32 v9, $0x0;
	v10 =	vnsel vm11, $0x0, v7  }
0x364: {  	v9 =	vnsel vm10, $0x0, v9;
	v10 =	vmin.u32 v10, $0x3FF  }
0x365: {  	v9 =	vmin.u32 v9, $0x3FF;
	_ =	sdelay $0x3  }
0x366: {  	v10 =	vld.idx.msk [tilespmem:v10+s18+$0x0], $0xffff  }
0x367: {  	v9 =	vld.idx.msk [tilespmem:v9+s17+$0x0], $0xffff;
	_ =	sdelay $0x3  }
0x368: {  	vm12 =	veq.s32 v7, $0x400  }
0x369: {  	vm13 =	veq.s32 v7, $0x0;
	v10 =	vsel vm12, v5, v10;
	v9 =	vsel vm12, v4, v9  }
0x36a: {  	v10 =	vsel vm13, v6, v10;
	v9 =	vsel vm13, v8, v9  }
0x36b: {  	v10 =	vsub.f32 v10, v9;
	_ =	sdelay $0x1  }
0x36c: {  	(erf) = vrcp.f32 v10  }
0x36d: {  	v10 =	vld [tilespmem:s29+$0x10];
	_ =	sdelay $0x1  }
0x36e: {  	vm14 =	vgt.s32 v7, $0x1  }
0x36f: {  	v7 =	vnsel vm14, $0x1, v7  }
0x370: {  	v11 =	vld [tilespmem:s30+$0x10];
	v7 =	vmin.u32 v7, $0x3FF  }
0x371: {  	v7 =	vcvt.s32.f32 v7;
	v9 =	vsub.f32 v10, v9;
	_ =	sdelay $0x1  }
0x372: {  	v7 =	vmul.f32 $9.765625000e-04, v7;
	v9 =	vmul.f32 $9.765625000e-04, v9  }
0x373: {  	v10 =	vpop (erf)  }
0x374: {  	v7 =	vadd.f32 v7, v11;
	v9 =	vmul.f32 v10, v9;
	_ =	sdelay $0x1  }
0x375: {  	v7 =	vadd.f32 v9, v7;
	_ =	sdelay $0x1  }
0x376: {  	v9 =	vadd.f32 v7, v3;
	_ =	sdelay $0x1  }
0x377: {  	v9 =	vmul.f32 $2.560000000e+02, v9;
	_ =	sdelay $0x1  }
0x378: {  	v9 =	vadd.f32 $1.638400000e+04, v9;
	_ =	sdelay $0x1  }
0x379: {  	v9 =	vtrunc.f32 v9  }
0x37a: {  	v9 =	vcvt.f32.s32 v9;
	_ =	sdelay $0x1  }
0x37b: {  	v9 =	vadd.s32 $0xFFFFC001, v9  }
0x37c: {  	v10 =	vld [tilespmem:s31+$0x10];
	vm15 =	vgt.s32 v9, $0x0  }
0x37d: {  	v11 =	vnsel vm15, $0x0, v9  }
0x37e: {  	v58 =	vmin.u32 v11, $0x100  }
0x37f: {  	v59 =	vmax.u32 v58, $0x1  }
0x380: {  	v13 =	vsub.s32 v59, v1  }
0x381: {  	v11 =	vmin.u32 v11, $0xFF;
	_ =	sdelay $0x2  }
0x382: {  	[tilespmem:v10+s19+$0x0] =	vst.idx.msk $0xffff, v7  }
0x383: {  	v10 =	vld.idx.msk [tilespmem:v13+s12+$0x0], $0xffff  }
0x384: {  	v11 =	vld.idx.msk [tilespmem:v11+s12+$0x0], $0xffff;
	_ =	sdelay $0x3  }
0x385: {  	v10 =	vsub.f32 v10, v3  }
0x386: {  	v11 =	vsub.f32 v11, v3  }
0x387: {  	vm4 =	vgt.f32 v10, v7  }
0x388: {  	vm5 =	vlt.s32 v9, $0x100;
	vm6 =	vle.f32 v11, v7;
	vm0 =	vmand vm4, vm15  }
0x389: {  	vm7 =	vmand vm6, vm5;
	v7 =	vsel vm0, $0xFFFFFFFF, v0  }
0x38a: {  	v9 =	vsel vm7, $0x1, v0;
	v7 =	vadd.s32 v7, v58  }
0x38b: {  	v7 =	vadd.s32 v9, v7  }
0x38c: {  	v7 =	vadd.s32 $0x800, v7;
	_ =	sdelay $0x4  }
0x38d: {  	[tilespmem:v7+s15+$0x0] =	vst.idx.add.s32.msk $0xffff, v1  }
0x38e: {  	v7 =	vld [tilespmem:s28+$0x20];
	_ =	sdelay $0x4  }
0x38f: {  	v9 =	vadd.s32 $0xFFFFFFFF, v7;
	vm9 =	vgt.s32 v7, $0x0  }
0x390: {  	vm8 =	vgt.s32 v9, $0x0;
	v10 =	vnsel vm9, $0x0, v7  }
0x391: {  	v9 =	vnsel vm8, $0x0, v9;
	v10 =	vmin.u32 v10, $0x3FF  }
0x392: {  	v9 =	vmin.u32 v9, $0x3FF;
	_ =	sdelay $0x3  }
0x393: {  	v10 =	vld.idx.msk [tilespmem:v10+s18+$0x0], $0xffff  }
0x394: {  	v9 =	vld.idx.msk [tilespmem:v9+s17+$0x0], $0xffff;
	_ =	sdelay $0x3  }
0x395: {  	vm10 =	veq.s32 v7, $0x400  }
0x396: {  	vm11 =	veq.s32 v7, $0x0;
	v10 =	vsel vm10, v5, v10;
	v9 =	vsel vm10, v4, v9  }
0x397: {  	v10 =	vsel vm11, v6, v10;
	v9 =	vsel vm11, v8, v9  }
0x398: {  	v10 =	vsub.f32 v10, v9;
	_ =	sdelay $0x1  }
0x399: {  	(erf) = vrcp.f32 v10  }
0x39a: {  	v10 =	vld [tilespmem:s29+$0x20];
	_ =	sdelay $0x1  }
0x39b: {  	vm12 =	vgt.s32 v7, $0x1  }
0x39c: {  	v7 =	vnsel vm12, $0x1, v7  }
0x39d: {  	v11 =	vld [tilespmem:s30+$0x20];
	v7 =	vmin.u32 v7, $0x3FF  }
0x39e: {  	v7 =	vcvt.s32.f32 v7;
	v9 =	vsub.f32 v10, v9;
	_ =	sdelay $0x1  }
0x39f: {  	v7 =	vmul.f32 $9.765625000e-04, v7;
	v9 =	vmul.f32 $9.765625000e-04, v9  }
0x3a0: {  	v10 =	vpop (erf)  }
0x3a1: {  	v7 =	vadd.f32 v7, v11;
	v9 =	vmul.f32 v10, v9;
	_ =	sdelay $0x1  }
0x3a2: {  	v7 =	vadd.f32 v9, v7;
	_ =	sdelay $0x1  }
0x3a3: {  	v9 =	vadd.f32 v7, v3;
	_ =	sdelay $0x1  }
0x3a4: {  	v9 =	vmul.f32 $2.560000000e+02, v9;
	_ =	sdelay $0x1  }
0x3a5: {  	v9 =	vadd.f32 $1.638400000e+04, v9;
	_ =	sdelay $0x1  }
0x3a6: {  	v9 =	vtrunc.f32 v9  }
0x3a7: {  	v9 =	vcvt.f32.s32 v9;
	_ =	sdelay $0x1  }
0x3a8: {  	v9 =	vadd.s32 $0xFFFFC001, v9  }
0x3a9: {  	v10 =	vld [tilespmem:s31+$0x20];
	vm13 =	vgt.s32 v9, $0x0  }
0x3aa: {  	v11 =	vnsel vm13, $0x0, v9  }
0x3ab: {  	v60 =	vmin.u32 v11, $0x100  }
0x3ac: {  	v61 =	vmax.u32 v60, $0x1  }
0x3ad: {  	v13 =	vsub.s32 v61, v1  }
0x3ae: {  	v11 =	vmin.u32 v11, $0xFF;
	_ =	sdelay $0x2  }
0x3af: {  	[tilespmem:v10+s19+$0x0] =	vst.idx.msk $0xffff, v7  }
0x3b0: {  	v10 =	vld.idx.msk [tilespmem:v13+s12+$0x0], $0xffff  }
0x3b1: {  	v11 =	vld.idx.msk [tilespmem:v11+s12+$0x0], $0xffff;
	_ =	sdelay $0x3  }
0x3b2: {  	v10 =	vsub.f32 v10, v3  }
0x3b3: {  	v11 =	vsub.f32 v11, v3  }
0x3b4: {  	vm14 =	vgt.f32 v10, v7  }
0x3b5: {  	vm15 =	vlt.s32 v9, $0x100;
	vm4 =	vle.f32 v11, v7;
	vm0 =	vmand vm14, vm13  }
0x3b6: {  	vm5 =	vmand vm4, vm15;
	v7 =	vsel vm0, $0xFFFFFFFF, v0  }
0x3b7: {  	v9 =	vsel vm5, $0x1, v0;
	v7 =	vadd.s32 v7, v60  }
0x3b8: {  	v7 =	vadd.s32 v9, v7  }
0x3b9: {  	v7 =	vadd.s32 $0x800, v7;
	_ =	sdelay $0x4  }
0x3ba: {  	[tilespmem:v7+s15+$0x0] =	vst.idx.add.s32.msk $0xffff, v1  }
0x3bb: {  	v7 =	vld [tilespmem:s28+$0x30];
	_ =	sdelay $0x4  }
0x3bc: {  	v9 =	vadd.s32 $0xFFFFFFFF, v7;
	vm7 =	vgt.s32 v7, $0x0  }
0x3bd: {  	vm6 =	vgt.s32 v9, $0x0;
	v10 =	vnsel vm7, $0x0, v7  }
0x3be: {  	v9 =	vnsel vm6, $0x0, v9;
	v10 =	vmin.u32 v10, $0x3FF  }
0x3bf: {  	v9 =	vmin.u32 v9, $0x3FF;
	_ =	sdelay $0x3  }
0x3c0: {  	v10 =	vld.idx.msk [tilespmem:v10+s18+$0x0], $0xffff  }
0x3c1: {  	v9 =	vld.idx.msk [tilespmem:v9+s17+$0x0], $0xffff;
	_ =	sdelay $0x3  }
0x3c2: {  	vm8 =	veq.s32 v7, $0x400  }
0x3c3: {  	vm9 =	veq.s32 v7, $0x0;
	v10 =	vsel vm8, v5, v10;
	v9 =	vsel vm8, v4, v9  }
0x3c4: {  	v10 =	vsel vm9, v6, v10;
	v9 =	vsel vm9, v8, v9  }
0x3c5: {  	v10 =	vsub.f32 v10, v9;
	_ =	sdelay $0x1  }
0x3c6: {  	(erf) = vrcp.f32 v10  }
0x3c7: {  	v10 =	vld [tilespmem:s29+$0x30];
	_ =	sdelay $0x1  }
0x3c8: {  	vm10 =	vgt.s32 v7, $0x1  }
0x3c9: {  	v7 =	vnsel vm10, $0x1, v7  }
0x3ca: {  	v11 =	vld [tilespmem:s30+$0x30];
	v7 =	vmin.u32 v7, $0x3FF  }
0x3cb: {  	v7 =	vcvt.s32.f32 v7;
	v9 =	vsub.f32 v10, v9;
	_ =	sdelay $0x1  }
0x3cc: {  	v7 =	vmul.f32 $9.765625000e-04, v7;
	v9 =	vmul.f32 $9.765625000e-04, v9  }
0x3cd: {  	v10 =	vpop (erf)  }
0x3ce: {  	v7 =	vadd.f32 v7, v11;
	v9 =	vmul.f32 v10, v9;
	_ =	sdelay $0x1  }
0x3cf: {  	v7 =	vadd.f32 v9, v7;
	_ =	sdelay $0x1  }
0x3d0: {  	v9 =	vadd.f32 v7, v3;
	_ =	sdelay $0x1  }
0x3d1: {  	v9 =	vmul.f32 $2.560000000e+02, v9;
	_ =	sdelay $0x1  }
0x3d2: {  	v9 =	vadd.f32 $1.638400000e+04, v9;
	_ =	sdelay $0x1  }
0x3d3: {  	v9 =	vtrunc.f32 v9  }
0x3d4: {  	v9 =	vcvt.f32.s32 v9;
	_ =	sdelay $0x1  }
0x3d5: {  	v9 =	vadd.s32 $0xFFFFC001, v9  }
0x3d6: {  	v10 =	vld [tilespmem:s31+$0x30];
	vm11 =	vgt.s32 v9, $0x0  }
0x3d7: {  	v11 =	vnsel vm11, $0x0, v9  }
0x3d8: {  	v62 =	vmin.u32 v11, $0x100  }
0x3d9: {  	v63 =	vmax.u32 v62, $0x1  }
0x3da: {  	v13 =	vsub.s32 v63, v1  }
0x3db: {  	v11 =	vmin.u32 v11, $0xFF;
	_ =	sdelay $0x2  }
0x3dc: {  	[tilespmem:v10+s19+$0x0] =	vst.idx.msk $0xffff, v7  }
0x3dd: {  	v10 =	vld.idx.msk [tilespmem:v13+s12+$0x0], $0xffff  }
0x3de: {  	v11 =	vld.idx.msk [tilespmem:v11+s12+$0x0], $0xffff;
	_ =	sdelay $0x3  }
0x3df: {  	v10 =	vsub.f32 v10, v3  }
0x3e0: {  	v11 =	vsub.f32 v11, v3  }
0x3e1: {  	vm12 =	vgt.f32 v10, v7  }
0x3e2: {  	vm13 =	vlt.s32 v9, $0x100;
	vm14 =	vle.f32 v11, v7;
	vm0 =	vmand vm12, vm11  }
0x3e3: {  	vm15 =	vmand vm14, vm13;
	v7 =	vsel vm0, $0xFFFFFFFF, v0  }
0x3e4: {  	v9 =	vsel vm15, $0x1, v0;
	v7 =	vadd.s32 v7, v62  }
0x3e5: {  	s26 =	sadd.s32 $0x8, s26;
	v7 =	vadd.s32 v9, v7  }
0x3e6: {  	p0 =	slt.u32 s26, $0x28;
	v7 =	vadd.s32 $0x800, v7  }
.Ltmp4:
0x3e7: {  	_ = 	snop;
	(pc) =	sbr.rel @p0 .LBB2_11-.Ltmp4, $4  }
0x3e8: {  	_ = 	snop  }
0x3e9: {  	s2 =	simm.s32 $0xFFFFFFFE  }
0x3ea: {  	s0 =	simm.s32 $0x16510;
	s1 =	simm.s32 $0x0;
	s28 =	sadd.s32 $0x80, s28  }
0x3eb: {  	s30 =	sadd.s32 $0x80, s30;
	s29 =	sadd.s32 $0x80, s29;
	s31 =	sadd.s32 $0x80, s31;
	[tilespmem:v7+s15+$0x0] =	vst.idx.add.s32.msk $0xffff, v1  }
0x3ec: {  	s11 =	sand.u32 $0xE0, s1  }
0x3ed: {  	v4 =	vld [tilespmem:s11+$0x16500];
	_ =	sdelay $0x4  }
0x3ee: {  	(xrf0) =	vadd.scan.msk.s32 $0xffff, v4;
	_ =	sdelay $0x5  }
0x3ef: {  	v4, _, _ =	vpop (xrf0)  }
0x3f0: {  	v5 =	vadd.s32 s1, v4;
	(v2sf) =	vpush v4, $0xF  }
0x3f1: {  	[tilespmem:s11+$0x16500] =	vst v5  }
0x3f2: {  	v5 =	vld [tilespmem:s0+$0x0];
	_ =	sdelay $0x4  }
0x3f3: {  	(xrf0) =	vadd.scan.msk.s32 $0xffff, v5;
	_ =	sdelay $0x5  }
0x3f4: {  	v4, _, _ =	vpop (xrf0)  }
0x3f5: {  	(v2sf) =	vpush v4, $0xF  }
0x3f6: {  	s31 =	spop (v2sf)  }
0x3f7: {  	s14 =	sadd.s32 s1, s31  }
0x3f8: {  	s1 =	sadd.s32 $0x20, s1;
	v4 =	vadd.s32 s14, v4  }
0x3f9: {  	s13 =	sand.u32 $0xE0, s1;
	[tilespmem:s0+$0x0] =	vst v4  }
0x3fa: {  	v4 =	vld [tilespmem:s13+$0x16500];
	_ =	sdelay $0x4  }
0x3fb: {  	(xrf0) =	vadd.scan.msk.s32 $0xffff, v4;
	_ =	sdelay $0x3  }
0x3fc: {  	s2 =	sadd.s32 $0x2, s2  }
0x3fd: {  	s11 =	sadd.s32 $0x2, s2;
	s2 =	spop (v2sf)  }
.LBB2_13:
0x3fe: {  	s11 =	sadd.s32 $0x2, s11;
	v4, _, _ =	vpop (xrf0);
	s2 =	sadd.s32 s14, s2;
	s0 =	sadd.s32 $0x20, s0  }
0x3ff: {  	p0 =	slt.u32 s11, $0xE;
	v5 =	vadd.s32 s2, v4;
	(v2sf) =	vpush v4, $0xF  }
0x400: {  	[tilespmem:s13+$0x16500] =	vst v5  }
0x401: {  	v4 =	vld [tilespmem:s0+$0x0];
	_ =	sdelay $0x4  }
0x402: {  	(xrf0) =	vadd.scan.msk.s32 $0xffff, v4;
	_ =	sdelay $0x5  }
0x403: {  	v4, _, _ =	vpop (xrf0)  }
0x404: {  	(v2sf) =	vpush v4, $0xF  }
0x405: {  	s13 =	spop (v2sf)  }
0x406: {  	s14 =	sadd.s32 s2, s13  }
0x407: {  	s1 =	sadd.s32 $0x20, s1;
	v4 =	vadd.s32 s14, v4  }
0x408: {  	s13 =	sand.u32 $0xE0, s1;
	[tilespmem:s0+$0x0] =	vst v4  }
0x409: {  	v4 =	vld [tilespmem:s13+$0x16500];
	_ =	sdelay $0x4  }
0x40a: {  	(xrf0) =	vadd.scan.msk.s32 $0xffff, v4  }
.Ltmp5:
0x40b: {  	(pc) =	sbr.rel @p0 .LBB2_13-.Ltmp5, $2  }
0x40c: {  	_ =	sdelay $0x2  }
0x40d: {  	s2 =	spop (v2sf)  }
0x40e: {  	v4, _, _ =	vpop (xrf0);
	s1 =	sadd.s32 s14, s2  }
0x40f: {  	v5 =	vadd.s32 s1, v4  }
0x410: {  	s0 =	sadd.s32 $0x20, s0;
	[tilespmem:s13+$0x16500] =	vst v5  }
0x411: {  	v5 =	vld [tilespmem:s0+$0x0];
	_ =	sdelay $0x4  }
0x412: {  	(xrf0) =	vadd.scan.msk.s32 $0xffff, v5;
	_ =	sdelay $0x2  }
0x413: {  	(v2sf) =	vpush v4, $0xF;
	_ =	sdelay $0x2  }
0x414: {  	v4, _, _ =	vpop (xrf0)  }
0x415: {  	(v2sf) =	vpush v4, $0xF;
	_ =	sdelay $0xa  }
0x416: {  	s20 =	spop (v2sf)  }
0x417: {  	s1 =	sadd.s32 s1, s20  }
0x418: {  	v4 =	vadd.s32 s1, v4  }
0x419: {  	s28 =	simm.s32 $0x16530;
	s29 =	simm.s32 $0x600;
	[tilespmem:s0+$0x0] =	vst v4;
	s0 =	sshll.u32 s24, $0x8  }
0x41a: {  	s30 =	simm.s32 $0x0;
	s0 =	sand.u32 $0x3800, s0;
	s26 =	spop (v2sf)  }
0x41b: {  	s31 =	simm.s32 $0x0;
	s0 =	sadd.s32 $0x11D00, s0;
	s26 =	simm.s32 $0xFFFFFFFC  }
.LBB2_15:
0x41c: {  	s2 =	sand.u32 $0x80, s30;
	s1 =	sand.u32 $0x40, s30  }
0x41d: {  	s11 =	sor.u32 s1, s2  }
0x41e: {  	v4 =	vld [tilespmem:s11+$0x16500];
	_ =	sdelay $0x4  }
0x41f: {  	v4 =	vadd.s32 $0xFFFFFFFF, v4  }
0x420: {  	vm0 =	vgt.s32 v4, $0x0  }
0x421: {  	v4 =	vnsel vm0, $0x0, v4  }
0x422: {  	v4 =	vmin.u32 v4, $0x2FE  }
0x423: {  	v5 =	vadd.s32 $0x1, v4;
	_ =	sdelay $0x3  }
0x424: {  	v6 =	vld.idx.msk [tilespmem:v4+s19+$0x0], $0xffff  }
0x425: {  	v5 =	vld.idx.msk [tilespmem:v5+s19+$0x0], $0xffff;
	_ =	sdelay $0x4  }
0x426: {  	v5 =	vsub.f32 v5, v6  }
0x427: {  	v7 =	vld [tilespmem:s29+$0x0]  }
0x428: {  	(erf) = vrcp.f32 v5;
	_ =	sdelay $0x3  }
0x429: {  	v5 =	vsub.f32 v7, v3;
	_ =	sdelay $0x1  }
0x42a: {  	v4 =	vcvt.s32.f32 v4;
	v5 =	vsub.f32 v5, v6;
	_ =	sdelay $0x1  }
0x42b: {  	v4 =	vmul.f32 $3.911342940e-03, v4;
	v5 =	vmul.f32 $3.911342940e-03, v5  }
0x42c: {  	v54 =	vpop (erf)  }
0x42d: {  	v4 =	vadd.f32 $-1.000000000e+00, v4;
	v5 =	vmul.f32 v5, v54;
	_ =	sdelay $0x1  }
0x42e: {  	s14 =	sand.u32 $0x400, s31;
	v4 =	vadd.f32 v5, v4  }
0x42f: {  	s11 =	sadd.s32 s14, s0  }
0x430: {  	s11 =	sadd.s32 s25, s11;
	v4 =	vsub.f32 v4, v7  }
0x431: {  	s13 =	sadd.s32 s1, s11  }
0x432: {  	[tilespmem:s13+$0x0] =	vst v4  }
0x433: {  	v4 =	vld [tilespmem:s28+$0xFFFFFFE0];
	_ =	sdelay $0x4  }
0x434: {  	v4 =	vadd.s32 $0xFFFFFFFF, v4  }
0x435: {  	vm13 =	vgt.s32 v4, $0x0  }
0x436: {  	v4 =	vnsel vm13, $0x0, v4  }
0x437: {  	v4 =	vmin.u32 v4, $0x2FE  }
0x438: {  	v5 =	vadd.s32 $0x1, v4;
	_ =	sdelay $0x3  }
0x439: {  	v55 =	vld.idx.msk [tilespmem:v4+s19+$0x0], $0xffff  }
0x43a: {  	v5 =	vld.idx.msk [tilespmem:v5+s19+$0x0], $0xffff;
	_ =	sdelay $0x3  }
0x43b: {  	s20 =	sor.u32 $0x10, s1;
	s2 =	sor.u32 $0x600, s2  }
0x43c: {  	s14 =	sor.u32 s20, s2;
	v5 =	vsub.f32 v5, v55  }
0x43d: {  	v56 =	vld [tilespmem:s14+$0x0]  }
0x43e: {  	(erf) = vrcp.f32 v5;
	_ =	sdelay $0x3  }
0x43f: {  	v5 =	vsub.f32 v56, v3;
	_ =	sdelay $0x1  }
0x440: {  	v4 =	vcvt.s32.f32 v4;
	v5 =	vsub.f32 v5, v55;
	_ =	sdelay $0x1  }
0x441: {  	v4 =	vmul.f32 $3.911342940e-03, v4;
	v5 =	vmul.f32 $3.911342940e-03, v5  }
0x442: {  	v57 =	vpop (erf)  }
0x443: {  	v4 =	vadd.f32 $-1.000000000e+00, v4;
	v5 =	vmul.f32 v5, v57;
	_ =	sdelay $0x1  }
0x444: {  	v4 =	vadd.f32 v5, v4;
	_ =	sdelay $0x1  }
0x445: {  	v4 =	vsub.f32 v4, v56  }
0x446: {  	s13 =	sadd.s32 s20, s11  }
0x447: {  	[tilespmem:s13+$0x0] =	vst v4  }
0x448: {  	v4 =	vld [tilespmem:s28+$0xFFFFFFF0];
	_ =	sdelay $0x4  }
0x449: {  	v4 =	vadd.s32 $0xFFFFFFFF, v4  }
0x44a: {  	vm14 =	vgt.s32 v4, $0x0  }
0x44b: {  	v4 =	vnsel vm14, $0x0, v4  }
0x44c: {  	v4 =	vmin.u32 v4, $0x2FE  }
0x44d: {  	v5 =	vadd.s32 $0x1, v4;
	_ =	sdelay $0x3  }
0x44e: {  	v58 =	vld.idx.msk [tilespmem:v4+s19+$0x0], $0xffff  }
0x44f: {  	v5 =	vld.idx.msk [tilespmem:v5+s19+$0x0], $0xffff;
	_ =	sdelay $0x3  }
0x450: {  	s13 =	sor.u32 $0x20, s1  }
0x451: {  	s20 =	sor.u32 s13, s2;
	v5 =	vsub.f32 v5, v58  }
0x452: {  	v59 =	vld [tilespmem:s20+$0x0]  }
0x453: {  	(erf) = vrcp.f32 v5;
	_ =	sdelay $0x3  }
0x454: {  	v5 =	vsub.f32 v59, v3;
	_ =	sdelay $0x1  }
0x455: {  	v4 =	vcvt.s32.f32 v4;
	v5 =	vsub.f32 v5, v58;
	_ =	sdelay $0x1  }
0x456: {  	v4 =	vmul.f32 $3.911342940e-03, v4;
	v5 =	vmul.f32 $3.911342940e-03, v5  }
0x457: {  	v60 =	vpop (erf)  }
0x458: {  	v4 =	vadd.f32 $-1.000000000e+00, v4;
	v5 =	vmul.f32 v5, v60;
	_ =	sdelay $0x1  }
0x459: {  	v4 =	vadd.f32 v5, v4;
	_ =	sdelay $0x1  }
0x45a: {  	v4 =	vsub.f32 v4, v59  }
0x45b: {  	s13 =	sadd.s32 s13, s11  }
0x45c: {  	[tilespmem:s13+$0x0] =	vst v4  }
0x45d: {  	v4 =	vld [tilespmem:s28+$0x0];
	_ =	sdelay $0x4  }
0x45e: {  	v4 =	vadd.s32 $0xFFFFFFFF, v4  }
0x45f: {  	vm15 =	vgt.s32 v4, $0x0  }
0x460: {  	v4 =	vnsel vm15, $0x0, v4  }
0x461: {  	v4 =	vmin.u32 v4, $0x2FE  }
0x462: {  	v5 =	vadd.s32 $0x1, v4;
	_ =	sdelay $0x3  }
0x463: {  	v61 =	vld.idx.msk [tilespmem:v4+s19+$0x0], $0xffff  }
0x464: {  	v5 =	vld.idx.msk [tilespmem:v5+s19+$0x0], $0xffff;
	_ =	sdelay $0x3  }
0x465: {  	s1 =	sor.u32 $0x30, s1  }
0x466: {  	s2 =	sor.u32 s1, s2;
	v5 =	vsub.f32 v5, v61  }
0x467: {  	v62 =	vld [tilespmem:s2+$0x0]  }
0x468: {  	(erf) = vrcp.f32 v5;
	_ =	sdelay $0x3  }
0x469: {  	v5 =	vsub.f32 v62, v3;
	_ =	sdelay $0x1  }
0x46a: {  	v4 =	vcvt.s32.f32 v4;
	v5 =	vsub.f32 v5, v61;
	_ =	sdelay $0x1  }
0x46b: {  	v4 =	vmul.f32 $3.911342940e-03, v4;
	v5 =	vmul.f32 $3.911342940e-03, v5  }
0x46c: {  	v63 =	vpop (erf)  }
0x46d: {  	s26 =	sadd.s32 $0x4, s26;
	v4 =	vadd.f32 $-1.000000000e+00, v4;
	v5 =	vmul.f32 v5, v63  }
0x46e: {  	p0 =	slt.u32 s26, $0xC  }
.Ltmp6:
0x46f: {  	v4 =	vadd.f32 v5, v4;
	(pc) =	sbr.rel @p0 .LBB2_15-.Ltmp6, $4  }
0x470: {  	_ = 	snop  }
0x471: {  	v4 =	vsub.f32 v4, v62  }
0x472: {  	s31 =	sadd.s32 $0x200, s31;
	s1 =	sadd.s32 s1, s11  }
0x473: {  	s29 =	sadd.s32 $0x40, s29;
	s30 =	sadd.s32 $0x40, s30;
	s28 =	sadd.s32 $0x40, s28;
	[tilespmem:s1+$0x0] =	vst v4  }
0x474: {  	s24 =	sadd.s32 $0x1, s24  }
0x475: {  	p0 =	sne.s32 s24, $0x40  }
.Ltmp7:
0x476: {  	_ = 	snop;
	(pc) =	sbr.rel @p0 .LBB2_2-.Ltmp7, $2  }
0x477: {  	_ =	sdelay $0x2  }
0x478: {  	s23 =	sadd.s32 $0x400, s23;
	s22 =	sadd.s32 $0x1, s22  }
0x479: {  	s21 =	sadd.s32 $0x1, s21  }
0x47a: {  	p0 =	sne.s32 s21, s9  }
.Ltmp8:
0x47b: {  	s0 =	simm.s32 $0x11D00;
	(pc) =	sbr.rel @p0 .LBB2_1-.Ltmp8, $4  }
0x47c: {  	[hbm4b:s8+s3] =	stream.linear.scatter [tilespmem:s0], [sflag:$0x1], $0x4000, $0x38;
	[tilespmem:$0x16680] =	vst v63  }
0x47d: {  	_ =	swait.ge [sflag:s10], $0x4000  }
0x47e: {  	[sflag:s10] =	ssyncset.done $0x0  }
0x47f: {  	[sflag:s10] =	ssyncadd.s32 $0xFFFFC000  }
0x480: {  	_ =	sfence.sel $0x180000  }
0x481: {  	[bflag:$0x0] =	sbarrier.arrive $0xFFFF  }
0x482: {  	_ =	strace $0x90000047  }
0x483: {  	s0 =	stileid.u32;
	[bflag:$0x2] =	sbarrier.arrive $0xFFFF  }
0x484: {  	p0 =	sne.s32 s0, $0x0;
	s0 =	rddreg [dreg:$0x1]  }
0x485: {  	s0 =	sadd.s32 @!p0 $0x100000, s0  }
0x486: {  	[sflag:s0] =	ssyncadd.tile.s32 @!p0 $0x1;
	_ =	shalt  }
.Lfunc_end2:
_tile_overlayer_lowered:
.L_overlay_start_2:
0x487: {  	(tag) =	ssettag $0x2  }
0x488: {  	s0 =	rddreg [dreg:$0x0];
	s2 =	stileid.u32  }
0x489: {  	s1 =	rddreg [dreg:$0x1];
	p0 =	sne.s32 s2, $0x0  }
0x48a: {  	s3 =	rddreg [dreg:$0x2];
	[bflag:$0x3] =	sbarrier.arrive $0xFFFF;
	s2 =	simm.s32 @!p0 $0x1C01  }
0x48b: {  	[timem:s3], [sflag:s2] =	dma.local @!p0 [hbm:s0], s1  }
0x48c: {  	s0 =	simm.s32 @!p0 $0x1  }
0x48d: {  	_ =	swait.ge @!p0 [sflag:s0], s1  }
0x48e: {  	s1 =	ssub.s32 @!p0 $0x0, s1;
	[sflag:s0] =	ssyncset.done @!p0 $0x0  }
0x48f: {  	[sflag:s0] =	ssyncadd.s32 @!p0 s1  }
0x490: {  	[bflag:$0x3] =	sbarrier.arrive $0xFFFF  }
0x491: {  	_ =	shalt  }

</sc_bundles>
